<compile_context>
chip_gen: v7x
topology: tpu7x:2x2x1
jax: 0.10.2.dev20260603
libtpu: 0.0.44.dev20260713+nightly
codegen_flags: <defaults>
</compile_context>

<pallas_src>
import functools
import numpy as np
import jax
import jax.numpy as jnp
from jax import lax
from jax.experimental import pallas as pl
from jax.experimental.pallas import tpu as pltpu
from jax.experimental.pallas import tpu_sc as plsc

NN = 50000
NE = 800000
HID = 64
DE = 16
NG = 256
NQ = 4
NL = 2
BLK = 2000
NBLK = NN // BLK
NC, NS = 2, 16
STRIPE = 3200
TAIL = NN - 15 * STRIPE


def _striped_copy(src_of, dst_of, s):

    @pl.when(s < 15)
    def _():
        pltpu.sync_copy(src_of(s * STRIPE, STRIPE), dst_of(s * STRIPE, STRIPE))

    @pl.when(s == 15)
    def _():
        pltpu.sync_copy(src_of(15 * STRIPE, TAIL), dst_of(15 * STRIPE, TAIL))


_sc_mesh = plsc.VectorSubcoreMesh(
    core_axis_name="c", subcore_axis_name="s", num_cores=NC, num_subcores=NS)

KE = 40
ECH_E = (NE // NC) // NS
NCH_E = ECH_E // KE

KL = 80
ECH_L = NE // NS
NCH_L = ECH_L // KL


@functools.partial(
    pl.kernel,
    out_type=jax.ShapeDtypeStruct((NC * NN, DE), jnp.float32),
    mesh=_sc_mesh,
    scratch_types=[
        pltpu.VMEM_SHARED((NN, DE), jnp.float32),
        pltpu.VMEM((KE, DE), jnp.float32),
        pltpu.VMEM((KE,), jnp.int32),
    ],
    compiler_params=pltpu.CompilerParams(use_tc_tiling_on_sc=False),
)
def _e16_sc(ea_hbm, dst_hbm, z_hbm, out_hbm, acc_sh, rows_v, didx_v):
    c = lax.axis_index("c")
    s = lax.axis_index("s")
    _striped_copy(lambda o, n: z_hbm.at[pl.ds(0, n)],
                  lambda o, n: acc_sh.at[pl.ds(o, n)], s)
    plsc.subcore_barrier()
    base0 = c * (NE // NC) + s * ECH_E

    def body(i, carry):
        b = base0 + i * KE
        pltpu.sync_copy(dst_hbm.at[pl.ds(b, KE)], didx_v)
        pltpu.sync_copy(ea_hbm.at[pl.ds(b, KE)], rows_v)
        pltpu.sync_copy(rows_v, acc_sh.at[didx_v], add=True)
        return carry

    lax.fori_loop(0, NCH_E, body, 0)
    plsc.subcore_barrier()
    _striped_copy(lambda o, n: acc_sh.at[pl.ds(o, n)],
                  lambda o, n: out_hbm.at[pl.ds(c * NN + o, n)], s)


@functools.partial(
    pl.kernel,
    out_type=jax.ShapeDtypeStruct((NC * NN, 32), jnp.float32),
    mesh=_sc_mesh,
    scratch_types=[
        pltpu.VMEM_SHARED((NN, 32), jnp.float32),
        pltpu.VMEM((KL, 32), jnp.float32),
        pltpu.VMEM((KL,), jnp.int32),
        pltpu.VMEM((KL,), jnp.int32),
        pltpu.SemaphoreType.DMA,
    ],
    compiler_params=pltpu.CompilerParams(use_tc_tiling_on_sc=False),
)
def _edge_agg_sc(src_hbm, dst_hbm, xm_hbm, z_hbm, out_hbm,
                 acc_sh, rows_v, sidx_v, didx_v, sem):
    c = lax.axis_index("c")
    s = lax.axis_index("s")
    coff = c * NN
    _striped_copy(lambda o, n: z_hbm.at[pl.ds(0, n)],
                  lambda o, n: acc_sh.at[pl.ds(o, n)], s)
    plsc.subcore_barrier()

    def body(i, carry):
        b = s * ECH_L + i * KL
        pltpu.sync_copy(src_hbm.at[pl.ds(b, KL)], sidx_v)
        for j in range(KL // 16):
            sl = pl.ds(j * 16, 16)
            sidx_v[sl] = sidx_v[sl] + coff
        pltpu.async_copy(xm_hbm.at[sidx_v], rows_v, sem).wait()
        pltpu.sync_copy(dst_hbm.at[pl.ds(b, KL)], didx_v)
        pltpu.sync_copy(rows_v, acc_sh.at[didx_v], add=True)
        return carry

    lax.fori_loop(0, NCH_L, body, 0)
    plsc.subcore_barrier()
    _striped_copy(lambda o, n: acc_sh.at[pl.ds(o, n)],
                  lambda o, n: out_hbm.at[pl.ds(coff + o, n)], s)



def _bfr(a):
    b = lax.bitcast_convert_type(a, jnp.int32)
    r = (b + 0x7FFF + ((b >> 16) & 1)) & ~0xFFFF
    return lax.bitcast_convert_type(r, jnp.float32)


def _bdot(a, b):
    return jnp.dot(a.astype(jnp.bfloat16), b.astype(jnp.bfloat16),
                   preferred_element_type=jnp.float32)


def _table_body(e_ref, w_ref, t_ref):
    t_ref[...] = _bdot(e_ref[...], w_ref[...])


def _make_table(e5pad, proj_W):
    return pl.pallas_call(
        _table_body,
        grid=(5,),
        in_specs=[pl.BlockSpec((128, 32), lambda k: (k, 0)),
                  pl.BlockSpec((32, HID), lambda k: (k, 0))],
        out_specs=pl.BlockSpec((128, HID), lambda k: (k, 0)),
        out_shape=jax.ShapeDtypeStruct((640, HID), jnp.float32),
    )(e5pad, proj_W)


_SIZES = (119, 12, 12, 9, 2)


def _embed_body(x_ref, t_ref, b_ref, h_ref):
    xb = x_ref[...]
    iota = lax.broadcasted_iota(jnp.int32, (BLK, 640), 1)
    oh = jnp.zeros((BLK, 640), jnp.float32)
    for k in range(5):
        idx = jnp.clip(xb[:, k:k + 1], 0, _SIZES[k] - 1) + 128 * k
        oh = oh + (iota == idx).astype(jnp.float32)
    h_ref[...] = jnp.dot(oh, t_ref[...],
                         preferred_element_type=jnp.float32, precision=lax.Precision.HIGHEST) + b_ref[...]


def _embed(x, table, proj_b):
    return pl.pallas_call(
        _embed_body,
        grid=(NBLK,),
        in_specs=[pl.BlockSpec((BLK, 5), lambda i: (i, 0)),
                  pl.BlockSpec((640, HID), lambda i: (0, 0)),
                  pl.BlockSpec((1, HID), lambda i: (0, 0))],
        out_specs=pl.BlockSpec((BLK, HID), lambda i: (i, 0)),
        out_shape=jax.ShapeDtypeStruct((NN, HID), jnp.float32),
    )(x, table, proj_b)


def _pre_nobn_body(h_ref, ea_ref, eb_ref, wn_ref, we_ref, ws_ref, b_ref,
                   xm_ref, self_ref):
    hn = h_ref[...]
    xm_ref[...] = _bdot(hn, wn_ref[0])[None]
    e16 = ea_ref[...] + eb_ref[...]
    self_ref[...] = (_bdot(hn, ws_ref[...])
                     + jnp.dot(e16, _bfr(we_ref[...]), preferred_element_type=jnp.float32, precision=lax.Precision.HIGHEST)
                     + b_ref[...])


def _pre_bn_body(h_ref, st_ref, g_ref, bb_ref, ea_ref, eb_ref,
                 wn_ref, we_ref, ws_ref, b_ref, xm_ref, self_ref):
    mu = st_ref[0:1, :] * (1.0 / NN)
    ex2 = st_ref[1:2, :] * (1.0 / NN)
    inv = lax.rsqrt(ex2 - mu * mu + 1e-5)
    hn = (h_ref[...] - mu) * (g_ref[...] * inv) + bb_ref[...]
    xm_ref[...] = _bdot(hn, wn_ref[0])[None]
    e16 = ea_ref[...] + eb_ref[...]
    self_ref[...] = (_bdot(hn, ws_ref[...])
                     + jnp.dot(e16, _bfr(we_ref[...]), preferred_element_type=jnp.float32, precision=lax.Precision.HIGHEST)
                     + b_ref[...])


def _pre(h, stats, g, bb, e16cat, Wn, We, Ws, b):
    Wn = Wn.reshape(HID, NC, 32).transpose(1, 0, 2)
    common_in = [
        pl.BlockSpec((BLK, DE), lambda i, j: (i, 0)),
        pl.BlockSpec((BLK, DE), lambda i, j: (NBLK + i, 0)),
        pl.BlockSpec((1, HID, 32), lambda i, j: (j, 0, 0)),
        pl.BlockSpec((DE, HID), lambda i, j: (0, 0)),
        pl.BlockSpec((HID, HID), lambda i, j: (0, 0)),
        pl.BlockSpec((1, HID), lambda i, j: (0, 0)),
    ]
    out_specs = [
        pl.BlockSpec((1, BLK, 32), lambda i, j: (j, i, 0)),
        pl.BlockSpec((BLK, HID), lambda i, j: (i, 0)),
    ]
    out_shape = [jax.ShapeDtypeStruct((NC, NN, 32), jnp.float32),
                 jax.ShapeDtypeStruct((NN, HID), jnp.float32)]
    if stats is None:
        return pl.pallas_call(
            _pre_nobn_body,
            grid=(NBLK, NC),
            in_specs=[pl.BlockSpec((BLK, HID), lambda i, j: (i, 0))] + common_in,
            out_specs=out_specs,
            out_shape=out_shape,
        )(h, e16cat, e16cat, Wn, We, Ws, b)
    return pl.pallas_call(
        _pre_bn_body,
        grid=(NBLK, NC),
        in_specs=[pl.BlockSpec((BLK, HID), lambda i, j: (i, 0)),
                  pl.BlockSpec((8, HID), lambda i, j: (0, 0)),
                  pl.BlockSpec((1, HID), lambda i, j: (0, 0)),
                  pl.BlockSpec((1, HID), lambda i, j: (0, 0))] + common_in,
        out_specs=out_specs,
        out_shape=out_shape,
    )(h, stats, g, bb, e16cat, e16cat, Wn, We, Ws, b)


def _post12_body(a0_ref, a1_ref, self_ref, h_ref, st_ref):
    i = pl.program_id(0)
    h = jax.nn.relu(jnp.concatenate([a0_ref[...], a1_ref[...]], axis=1)
                    + self_ref[...])
    h_ref[...] = h

    @pl.when(i == 0)
    def _():
        st_ref[...] = jnp.zeros((8, HID), jnp.float32)

    st_ref[0:1, :] += jnp.sum(h, axis=0, keepdims=True)
    st_ref[1:2, :] += jnp.sum(h * h, axis=0, keepdims=True)


def _post12(aggcat, selfb):
    return pl.pallas_call(
        _post12_body,
        grid=(NBLK,),
        in_specs=[pl.BlockSpec((BLK, 32), lambda i: (i, 0)),
                  pl.BlockSpec((BLK, 32), lambda i: (NBLK + i, 0)),
                  pl.BlockSpec((BLK, HID), lambda i: (i, 0))],
        out_specs=[pl.BlockSpec((BLK, HID), lambda i: (i, 0)),
                   pl.BlockSpec((8, HID), lambda i: (0, 0))],
        out_shape=[jax.ShapeDtypeStruct((NN, HID), jnp.float32),
                   jax.ShapeDtypeStruct((8, HID), jnp.float32)],
    )(aggcat, aggcat, selfb)


def _post3_body(a0_ref, a1_ref, self_ref, bat_ref, pool_ref, cnt_ref):
    i = pl.program_id(0)
    h = jax.nn.relu(jnp.concatenate([a0_ref[...], a1_ref[...]], axis=1)
                    + self_ref[...])
    ohb = (lax.broadcasted_iota(jnp.int32, (BLK, NG), 1)
           == bat_ref[...]).astype(jnp.float32)
    dn = (((0,), (0,)), ((), ()))
    p = lax.dot_general(ohb, h, dn, preferred_element_type=jnp.float32, precision=lax.Precision.HIGHEST)
    c = lax.dot_general(ohb, jnp.ones((BLK, HID), jnp.float32), dn,
                        preferred_element_type=jnp.float32, precision=lax.Precision.HIGHEST)

    @pl.when(i == 0)
    def _():
        pool_ref[...] = jnp.zeros((NG, HID), jnp.float32)
        cnt_ref[...] = jnp.zeros((NG, HID), jnp.float32)

    pool_ref[...] += p
    cnt_ref[...] += c


def _post3(aggcat, selfb, batch2d):
    return pl.pallas_call(
        _post3_body,
        grid=(NBLK,),
        in_specs=[pl.BlockSpec((BLK, 32), lambda i: (i, 0)),
                  pl.BlockSpec((BLK, 32), lambda i: (NBLK + i, 0)),
                  pl.BlockSpec((BLK, HID), lambda i: (i, 0)),
                  pl.BlockSpec((BLK, 1), lambda i: (i, 0))],
        out_specs=[pl.BlockSpec((NG, HID), lambda i: (0, 0)),
                   pl.BlockSpec((NG, HID), lambda i: (0, 0))],
        out_shape=[jax.ShapeDtypeStruct((NG, HID), jnp.float32),
                   jax.ShapeDtypeStruct((NG, HID), jnp.float32)],
    )(aggcat, aggcat, selfb, batch2d)



def _cnotp(c, t, n):
    idx = np.arange(2 ** n)
    cb = (idx >> (n - 1 - c)) & 1
    return idx ^ (cb << (n - 1 - t))


def _rzm(th):
    thc = th.astype(jnp.complex64)
    e0 = jnp.exp(-0.5j * thc)
    e1 = jnp.exp(0.5j * thc)
    z = jnp.zeros_like(e0)
    return jnp.stack([jnp.stack([e0, z], -1), jnp.stack([z, e1], -1)], -2)


def _rym(th):
    c = jnp.cos(th / 2.0)
    s = jnp.sin(th / 2.0)
    return jnp.stack([jnp.stack([c, -s], -1), jnp.stack([s, c], -1)], -2).astype(jnp.complex64)


def _ap1(state, U, q, n):
    B = state.shape[0]
    s = state.reshape(B, 2 ** q, 2, 2 ** (n - q - 1))
    if U.ndim == 3:
        out = jnp.einsum('bij,bajc->baic', U, s)
    else:
        out = jnp.einsum('ij,bajc->baic', U, s)
    return out.reshape(B, 2 ** n)


def _qfwd(angles, qw):
    B = angles.shape[0]
    n = NQ
    state = jnp.zeros((B, 2 ** n), jnp.complex64).at[:, 0].set(1.0 + 0.0j)
    Hm = jnp.asarray((1.0 / np.sqrt(2.0)) * np.array([[1.0, 1.0], [1.0, -1.0]]), jnp.complex64)
    for q in range(n):
        state = _ap1(state, Hm, q, n)
        state = _ap1(state, _rzm(angles[:, q]), q, n)
        state = _ap1(state, _rym(angles[:, q]), q, n)
    perms = [jnp.asarray(_cnotp(q, (q + 1) % n, n)) for q in range(n)]
    for l in range(NL):
        for q in range(n):
            U = _rzm(qw[l, q, 2]) @ _rym(qw[l, q, 1]) @ _rzm(qw[l, q, 0])
            state = _ap1(state, U, q, n)
        for q in range(n):
            state = state[:, perms[q]]
    probs = state.real ** 2 + state.imag ** 2
    pz = jnp.asarray(np.stack([1.0 - 2.0 * ((np.arange(2 ** NQ) >> (NQ - 1 - i)) & 1)
                               for i in range(NQ)], axis=0).astype(np.float32))
    return probs @ pz.T



def kernel(x, edge_index, edge_attr, batch, emb0, emb1, emb2, emb3, emb4,
           proj_W, proj_b, g1_Wn, g1_We, g1_Ws, g1_b, g2_Wn, g2_We, g2_Ws,
           g2_b, g3_Wn, g3_We, g3_Ws, g3_b, bn1_g, bn1_b, bn2_g, bn2_b,
           pre_W, pre_b, qw, post_W, post_b):
    x = x.astype(jnp.int32)
    src = edge_index[0].astype(jnp.int32)
    dst = edge_index[1].astype(jnp.int32)

    e5pad = jnp.zeros((640, 32), jnp.float32)
    for k, e in enumerate((emb0, emb1, emb2, emb3, emb4)):
        e5pad = e5pad.at[128 * k:128 * k + e.shape[0]].set(e)

    table = _make_table(e5pad, proj_W)
    h = _embed(x, table, proj_b.reshape(1, HID))

    z16 = jnp.zeros((STRIPE, DE), jnp.float32)
    z32 = jnp.zeros((STRIPE, 32), jnp.float32)
    ea_bits = lax.bitcast_convert_type(edge_attr, jnp.int32)
    ea_r = (ea_bits + 0x7FFF + ((ea_bits >> 16) & 1)) & ~0xFFFF
    eab = lax.bitcast_convert_type(ea_r, jnp.float32)
    e16cat = _e16_sc(eab, dst, z16)

    layers = [
        (None, None, None, g1_Wn, g1_We, g1_Ws, g1_b),
        ('bn', bn1_g, bn1_b, g2_Wn, g2_We, g2_Ws, g2_b),
        ('bn', bn2_g, bn2_b, g3_Wn, g3_We, g3_Ws, g3_b),
    ]
    stats = None
    for li, (mode, g, bb, Wn, We, Ws, b) in enumerate(layers):
        if mode is None:
            xm, selfb = _pre(h, None, None, None, e16cat, Wn, We, Ws,
                             b.reshape(1, HID))
        else:
            xm, selfb = _pre(h, stats, g.reshape(1, HID), bb.reshape(1, HID),
                             e16cat, Wn, We, Ws, b.reshape(1, HID))
        aggcat = _edge_agg_sc(src, dst, xm.reshape(NC * NN, 32), z32)
        if li < 2:
            h, stats = _post12(aggcat, selfb)
        else:
            pooled, cnt = _post3(aggcat, selfb, batch.reshape(NN, 1).astype(jnp.int32))

    counts = jnp.maximum(cnt[:, 0:1], 1.0)
    hg = pooled / counts
    angles = jnp.tanh(hg @ pre_W + pre_b) * np.pi
    q_out = _qfwd(angles, qw)
    return q_out @ post_W + post_b

# --- scband reference (transcript-rebuilt; emitter-appended) ---
"""Pipeline reference for scband-hybrid-qgnn-45397804319445 (READ-ONLY COPY).

The authoritative reference and input builder live on the scoring server;
editing this copy changes nothing except your own understanding.
"""

import jax, jax.numpy as jnp
import numpy as np

N_NODES = 50000
N_EDGES = 800000
D_EDGE = 16
HIDDEN = 64
N_GRAPHS = 256
NQ = 4
NL = 2
NT = 12
EMB_SIZES = [119, 12, 12, 9, 2]
EMB_DIM = 32


def _cnot_perm(c, t, n):
    idx = np.arange(2 ** n)
    cb = (idx >> (n - 1 - c)) & 1
    return idx ^ (cb << (n - 1 - t))


CNOT_PERMS = [jnp.asarray(_cnot_perm(q, (q + 1) % NQ, NQ)) for q in range(NQ)]
PZ_SIGNS = jnp.asarray(np.stack([1.0 - 2.0 * ((np.arange(2 ** NQ) >> (NQ - 1 - i)) & 1) for i in range(NQ)], axis=0).astype(np.float32))


def _rz_mat(th):
    thc = th.astype(jnp.complex64)
    e0 = jnp.exp(-0.5j * thc)
    e1 = jnp.exp(0.5j * thc)
    z = jnp.zeros_like(e0)
    return jnp.stack([jnp.stack([e0, z], -1), jnp.stack([z, e1], -1)], -2)


def _ry_mat(th):
    c = jnp.cos(th / 2.0)
    s = jnp.sin(th / 2.0)
    return jnp.stack([jnp.stack([c, -s], -1), jnp.stack([s, c], -1)], -2).astype(jnp.complex64)


def _apply1(state, U, q, n):
    B = state.shape[0]
    s = state.reshape(B, 2 ** q, 2, 2 ** (n - q - 1))
    if U.ndim == 3:
        out = jnp.einsum('bij,bajc->baic', U, s)
    else:
        out = jnp.einsum('ij,bajc->baic', U, s)
    return out.reshape(B, 2 ** n)


def _quantum(angles, qw):
    B = angles.shape[0]
    n = NQ
    state = jnp.zeros((B, 2 ** n), jnp.complex64).at[:, 0].set(1.0 + 0.0j)
    Hm = jnp.asarray((1.0 / np.sqrt(2.0)) * np.array([[1.0, 1.0], [1.0, -1.0]]), jnp.complex64)
    for q in range(n):
        state = _apply1(state, Hm, q, n)
        state = _apply1(state, _rz_mat(angles[:, q]), q, n)
        state = _apply1(state, _ry_mat(angles[:, q]), q, n)
    for l in range(NL):
        for q in range(n):
            U = _rz_mat(qw[l, q, 2]) @ _ry_mat(qw[l, q, 1]) @ _rz_mat(qw[l, q, 0])
            state = _apply1(state, U, q, n)
        for q in range(n):
            state = state[:, CNOT_PERMS[q]]
    probs = state.real ** 2 + state.imag ** 2
    return probs @ PZ_SIGNS.T


def _bn(h, g, b):
    mu = h.mean(0)
    var = h.var(0)
    return (h - mu) / jnp.sqrt(var + 1e-5) * g + b


def _gnn_layer(xn, src, dst, e_attr, Wn, We, Ws, b):
    xm = xn @ Wn
    msg = xm[src] + e_attr @ We
    agg = jax.ops.segment_sum(msg, dst, num_segments=xn.shape[0])
    return agg + xn @ Ws + b


def _forward(x, edge_index, edge_attr, batch, embs, proj_W, proj_b, gparams, bn1_g, bn1_b, bn2_g, bn2_b, pre_W, pre_b, qw, post_W, post_b):
    src = edge_index[0]
    dst = edge_index[1]
    xcat = jnp.concatenate([embs[k][jnp.clip(x[:, k], 0, EMB_SIZES[k] - 1)] for k in range(5)], axis=-1)
    h = xcat @ proj_W + proj_b
    h = jax.nn.relu(_gnn_layer(h, src, dst, edge_attr, *gparams[0]))
    h = _bn(h, bn1_g, bn1_b)
    h = jax.nn.relu(_gnn_layer(h, src, dst, edge_attr, *gparams[1]))
    h = _bn(h, bn2_g, bn2_b)
    h = jax.nn.relu(_gnn_layer(h, src, dst, edge_attr, *gparams[2]))
    counts = jax.ops.segment_sum(jnp.ones((h.shape[0],), jnp.float32), batch, num_segments=N_GRAPHS)
    hg = jax.ops.segment_sum(h, batch, num_segments=N_GRAPHS) / jnp.maximum(counts, 1.0)[:, None]
    angles = jnp.tanh(hg @ pre_W + pre_b) * np.pi
    q_out = _quantum(angles, qw)
    return q_out @ post_W + post_b


def setup_inputs(seed: int = 0):
    key = jax.random.key(seed)
    ks = jax.random.split(key, 40)
    inp = {}
    inp['x'] = jax.random.randint(ks[0], (N_NODES, 5), 0, 9)
    inp['edge_index'] = jax.random.randint(ks[1], (2, N_EDGES), 0, N_NODES)
    inp['edge_attr'] = jax.random.normal(ks[2], (N_EDGES, D_EDGE), jnp.float32)
    inp['batch'] = jnp.sort(jax.random.randint(ks[3], (N_NODES,), 0, N_GRAPHS))
    for i, sz in enumerate(EMB_SIZES):
        inp['emb%d' % i] = 0.1 * jax.random.normal(ks[4 + i], (sz, EMB_DIM), jnp.float32)
    inp['proj_W'] = jax.random.normal(ks[9], (5 * EMB_DIM, HIDDEN), jnp.float32) / np.sqrt(5.0 * EMB_DIM)
    inp['proj_b'] = jnp.zeros((HIDDEN,), jnp.float32)
    for l in range(3):
        inp['g%d_Wn' % (l + 1)] = jax.random.normal(ks[10 + 3 * l], (HIDDEN, HIDDEN), jnp.float32) / np.sqrt(HIDDEN)
        inp['g%d_We' % (l + 1)] = jax.random.normal(ks[11 + 3 * l], (D_EDGE, HIDDEN), jnp.float32) / np.sqrt(D_EDGE)
        inp['g%d_Ws' % (l + 1)] = jax.random.normal(ks[12 + 3 * l], (HIDDEN, HIDDEN), jnp.float32) / np.sqrt(HIDDEN)
        inp['g%d_b' % (l + 1)] = jnp.zeros((HIDDEN,), jnp.float32)
    inp['bn1_g'] = jnp.ones((HIDDEN,), jnp.float32)
    inp['bn1_b'] = jnp.zeros((HIDDEN,), jnp.float32)
    inp['bn2_g'] = jnp.ones((HIDDEN,), jnp.float32)
    inp['bn2_b'] = jnp.zeros((HIDDEN,), jnp.float32)
    inp['pre_W'] = jax.random.normal(ks[20], (HIDDEN, NQ), jnp.float32) / np.sqrt(HIDDEN)
    inp['pre_b'] = jnp.zeros((NQ,), jnp.float32)
    inp['qw'] = jax.random.normal(ks[21], (NL, NQ, 3), jnp.float32)
    inp['post_W'] = jax.random.normal(ks[22], (NQ, NT), jnp.float32) / np.sqrt(NQ)
    inp['post_b'] = jnp.zeros((NT,), jnp.float32)
    return inp


def reference(x, edge_index, edge_attr, batch, emb0, emb1, emb2, emb3, emb4, proj_W, proj_b, g1_Wn, g1_We, g1_Ws, g1_b, g2_Wn, g2_We, g2_Ws, g2_b, g3_Wn, g3_We, g3_Ws, g3_b, bn1_g, bn1_b, bn2_g, bn2_b, pre_W, pre_b, qw, post_W, post_b):
    embs = [emb0, emb1, emb2, emb3, emb4]
    gparams = [(g1_Wn, g1_We, g1_Ws, g1_b), (g2_Wn, g2_We, g2_Ws, g2_b), (g3_Wn, g3_We, g3_Ws, g3_b)]
    return _forward(x, edge_index, edge_attr, batch, embs, proj_W, proj_b, gparams, bn1_g, bn1_b, bn2_g, bn2_b, pre_W, pre_b, qw, post_W, post_b)

if __name__ == "__main__":
    import jax
    _d = setup_inputs()
    print(jax.jit(kernel)(*tuple(_d.values())))

</pallas_src>

<mosaic_0001>
#map = affine_map<(d0, d1) -> (0)>
#map1 = affine_map<(d0, d1) -> (0, 0)>
module attributes {stable_mosaic.version = 14 : i64} {
  func.func @_edge_agg_sc(%arg0: i32, %arg1: i32, %arg2: memref<800000xi32, #tpu.memory_space<hbm>>, %arg3: memref<800000xi32, #tpu.memory_space<hbm>>, %arg4: memref<100000x32xf32, #tpu.memory_space<hbm>>, %arg5: memref<3200x32xf32, #tpu.memory_space<hbm>>, %arg6: memref<100000x32xf32, #tpu.memory_space<hbm>>, %arg7: memref<50000x32xf32, #tpu.memory_space<vmem_shared>>, %arg8: memref<80x32xf32, #tpu.memory_space<vmem>>, %arg9: memref<80xi32, #tpu.memory_space<vmem>>, %arg10: memref<80xi32, #tpu.memory_space<vmem>>, %arg11: memref<!tpu.dma_semaphore, #tpu.memory_space<semaphore_mem>>) attributes {dimension_semantics = [#tpu.dimension_semantics<core_parallel>, #tpu.dimension_semantics<subcore_parallel>], iteration_bounds = array<i64: 2, 16>, scalar_prefetch = 0 : i64, scratch_operands = 5 : i64, tpu.core_type = #tpu.core_type<sc_vector_subcore>, window_params = [{transform_indices = #map}, {transform_indices = #map}, {transform_indices = #map1}, {transform_indices = #map1}, {transform_indices = #map1}]} {
    %mul3A = arith.constant 50000 : i32
    %mul3A_0 = arith.muli %arg0, %mul3A : i32
    %lt3A = arith.constant 15 : i32
    %lt3A_1 = arith.cmpi slt, %arg1, %lt3A : i32
    %convert_element_type3A = arith.extui %lt3A_1 : i1 to i32
    %cond3A = arith.constant 0 : i32
    %cond3A_2 = arith.cmpi ne, %convert_element_type3A, %cond3A : i32
    scf.if %cond3A_2 {
      %mul3A_23 = arith.constant 3200 : i32
      %mul3A_24 = arith.muli %arg1, %mul3A_23 : i32
      %mul3A_25 = arith.constant 3200 : i32
      %mul3A_26 = arith.muli %arg1, %mul3A_25 : i32
      "tpu.region"() ({
        %run_scoped3A = tpu.sem_alloc : memref<!tpu.dma_semaphore, #tpu.memory_space<semaphore_mem>>
        %dma_start3A = arith.constant 0 : i32
        %dma_start3A_27 = tpu.memref_slice %arg7[%mul3A_26, %dma_start3A] : memref<50000x32xf32, #tpu.memory_space<vmem_shared>> -> memref<3200x32xf32, #tpu.memory_space<vmem_shared>>
        %dma_start3A_28 = arith.constant 0 : i32
        %dma_start3A_29 = arith.constant 0 : i32
        %dma_start3A_30 = tpu.memref_slice %arg5[%dma_start3A_28, %dma_start3A_29] : memref<3200x32xf32, #tpu.memory_space<hbm>> -> memref<3200x32xf32, #tpu.memory_space<hbm>>
        tpu.enqueue_dma source(%dma_start3A_30 : memref<3200x32xf32, #tpu.memory_space<hbm>>) target(%dma_start3A_27 : memref<3200x32xf32, #tpu.memory_space<vmem_shared>>) target_semaphore(%run_scoped3A : memref<!tpu.dma_semaphore, #tpu.memory_space<semaphore_mem>>)
        %dma_wait3A = arith.constant 0 : i32
        %dma_wait3A_31 = tpu.memref_slice %arg7[%mul3A_26, %dma_wait3A] : memref<50000x32xf32, #tpu.memory_space<vmem_shared>> -> memref<3200x32xf32, #tpu.memory_space<vmem_shared>>
        %dma_wait3A_32 = arith.constant 0 : i32
        %dma_wait3A_33 = arith.constant 0 : i32
        %dma_wait3A_34 = tpu.memref_slice %arg5[%dma_wait3A_32, %dma_wait3A_33] : memref<3200x32xf32, #tpu.memory_space<hbm>> -> memref<3200x32xf32, #tpu.memory_space<hbm>>
        tpu.wait_dma2 semaphore(%run_scoped3A : memref<!tpu.dma_semaphore, #tpu.memory_space<semaphore_mem>>) src(%dma_wait3A_34 : memref<3200x32xf32, #tpu.memory_space<hbm>>) dst(%dma_wait3A_31 : memref<3200x32xf32, #tpu.memory_space<vmem_shared>>)
        tpu.yield
      }) : () -> ()
    } else {
    }
    %eq3A = arith.constant 15 : i32
    %eq3A_3 = arith.cmpi eq, %arg1, %eq3A : i32
    %convert_element_type3A_4 = arith.extui %eq3A_3 : i1 to i32
    %cond3A_5 = arith.constant 0 : i32
    %cond3A_6 = arith.cmpi ne, %convert_element_type3A_4, %cond3A_5 : i32
    scf.if %cond3A_6 {
      "tpu.region"() ({
        %run_scoped3A = tpu.sem_alloc : memref<!tpu.dma_semaphore, #tpu.memory_space<semaphore_mem>>
        %dma_start3A = arith.constant 48000 : i32
        %dma_start3A_23 = arith.constant 0 : i32
        %dma_start3A_24 = tpu.memref_slice %arg7[%dma_start3A, %dma_start3A_23] : memref<50000x32xf32, #tpu.memory_space<vmem_shared>> -> memref<2000x32xf32, #tpu.memory_space<vmem_shared>>
        %dma_start3A_25 = arith.constant 0 : i32
        %dma_start3A_26 = arith.constant 0 : i32
        %dma_start3A_27 = tpu.memref_slice %arg5[%dma_start3A_25, %dma_start3A_26] : memref<3200x32xf32, #tpu.memory_space<hbm>> -> memref<2000x32xf32, #tpu.memory_space<hbm>>
        tpu.enqueue_dma source(%dma_start3A_27 : memref<2000x32xf32, #tpu.memory_space<hbm>>) target(%dma_start3A_24 : memref<2000x32xf32, #tpu.memory_space<vmem_shared>>) target_semaphore(%run_scoped3A : memref<!tpu.dma_semaphore, #tpu.memory_space<semaphore_mem>>)
        %dma_wait3A = arith.constant 48000 : i32
        %dma_wait3A_28 = arith.constant 0 : i32
        %dma_wait3A_29 = tpu.memref_slice %arg7[%dma_wait3A, %dma_wait3A_28] : memref<50000x32xf32, #tpu.memory_space<vmem_shared>> -> memref<2000x32xf32, #tpu.memory_space<vmem_shared>>
        %dma_wait3A_30 = arith.constant 0 : i32
        %dma_wait3A_31 = arith.constant 0 : i32
        %dma_wait3A_32 = tpu.memref_slice %arg5[%dma_wait3A_30, %dma_wait3A_31] : memref<3200x32xf32, #tpu.memory_space<hbm>> -> memref<2000x32xf32, #tpu.memory_space<hbm>>
        tpu.wait_dma2 semaphore(%run_scoped3A : memref<!tpu.dma_semaphore, #tpu.memory_space<semaphore_mem>>) src(%dma_wait3A_32 : memref<2000x32xf32, #tpu.memory_space<hbm>>) dst(%dma_wait3A_29 : memref<2000x32xf32, #tpu.memory_space<vmem_shared>>)
        tpu.yield
      }) : () -> ()
    } else {
    }
    %barrier3A = arith.constant 0 : index
    tpu.barrier barrier_id(%barrier3A)
    %scan3A = arith.constant 0 : i32
    %scan3A_7 = arith.constant 0 : i32
    %scan3A_8 = arith.constant 625 : i32
    %scan3A_9 = arith.addi %scan3A_7, %scan3A_8 : i32
    %scan3A_10 = arith.constant 1 : i32
    scf.for %scan3A_23 = %scan3A_7 to %scan3A_9 step %scan3A_10  : i32 {
      %mul3A_24 = arith.constant 50000 : i32
      %mul3A_25 = arith.muli %arg1, %mul3A_24 : i32
      %mul3A_26 = arith.constant 80 : i32
      %mul3A_27 = arith.muli %scan3A_23, %mul3A_26 : i32
      %add3A = arith.addi %mul3A_25, %mul3A_27 : i32
      "tpu.region"() ({
        %run_scoped3A = tpu.sem_alloc : memref<!tpu.dma_semaphore, #tpu.memory_space<semaphore_mem>>
        %dma_start3A_75 = tpu.memref_slice %arg2[%add3A] : memref<800000xi32, #tpu.memory_space<hbm>> -> memref<80xi32, #tpu.memory_space<hbm>>
        %dma_start3A_76 = tpu.memref_slice %arg2[%add3A] : memref<800000xi32, #tpu.memory_space<hbm>> -> memref<80xi32, #tpu.memory_space<hbm>>
        tpu.enqueue_dma source(%dma_start3A_76 : memref<80xi32, #tpu.memory_space<hbm>>) target(%arg9 : memref<80xi32, #tpu.memory_space<vmem>>) target_semaphore(%run_scoped3A : memref<!tpu.dma_semaphore, #tpu.memory_space<semaphore_mem>>)
        %dma_wait3A_77 = tpu.memref_slice %arg2[%add3A] : memref<800000xi32, #tpu.memory_space<hbm>> -> memref<80xi32, #tpu.memory_space<hbm>>
        %dma_wait3A_78 = tpu.memref_slice %arg2[%add3A] : memref<800000xi32, #tpu.memory_space<hbm>> -> memref<80xi32, #tpu.memory_space<hbm>>
        tpu.wait_dma2 semaphore(%run_scoped3A : memref<!tpu.dma_semaphore, #tpu.memory_space<semaphore_mem>>) src(%dma_wait3A_78 : memref<80xi32, #tpu.memory_space<hbm>>) dst(%arg9 : memref<80xi32, #tpu.memory_space<vmem>>)
        tpu.yield
      }) : () -> ()
      %get3A = arith.constant 0 : index
      %get3A_28 = tpu.vector_load %arg9[%get3A] {strides = array<i32>} : memref<80xi32, #tpu.memory_space<vmem>>, vector<16xi32>,
      %get3A_29 = vector.shape_cast %get3A_28 : vector<16xi32> to vector<16xi32>
      %add3A_30 = vector.broadcast %mul3A_0 : i32 to vector<16xi32>
      %add3A_31 = arith.addi %get3A_29, %add3A_30 : vector<16xi32>
      %swap3A = arith.constant 0 : index
      %swap3A_32 = tpu.vector_load %arg9[%swap3A] {strides = array<i32>} : memref<80xi32, #tpu.memory_space<vmem>>, vector<16xi32>,
      %swap3A_33 = vector.shape_cast %swap3A_32 : vector<16xi32> to vector<16xi32>
      %swap3A_34 = vector.shape_cast %add3A_31 : vector<16xi32> to vector<16xi32>
      tpu.vector_store %arg9[%swap3A], %swap3A_34 {strides = array<i32>} : memref<80xi32, #tpu.memory_space<vmem>>, vector<16xi32>,
      %get3A_35 = arith.constant 16 : index
      %get3A_36 = tpu.vector_load %arg9[%get3A_35] {strides = array<i32>} : memref<80xi32, #tpu.memory_space<vmem>>, vector<16xi32>,
      %get3A_37 = vector.shape_cast %get3A_36 : vector<16xi32> to vector<16xi32>
      %add3A_38 = vector.broadcast %mul3A_0 : i32 to vector<16xi32>
      %add3A_39 = arith.addi %get3A_37, %add3A_38 : vector<16xi32>
      %swap3A_40 = arith.constant 16 : index
      %swap3A_41 = tpu.vector_load %arg9[%swap3A_40] {strides = array<i32>} : memref<80xi32, #tpu.memory_space<vmem>>, vector<16xi32>,
      %swap3A_42 = vector.shape_cast %swap3A_41 : vector<16xi32> to vector<16xi32>
      %swap3A_43 = vector.shape_cast %add3A_39 : vector<16xi32> to vector<16xi32>
      tpu.vector_store %arg9[%swap3A_40], %swap3A_43 {strides = array<i32>} : memref<80xi32, #tpu.memory_space<vmem>>, vector<16xi32>,
      %get3A_44 = arith.constant 32 : index
      %get3A_45 = tpu.vector_load %arg9[%get3A_44] {strides = array<i32>} : memref<80xi32, #tpu.memory_space<vmem>>, vector<16xi32>,
      %get3A_46 = vector.shape_cast %get3A_45 : vector<16xi32> to vector<16xi32>
      %add3A_47 = vector.broadcast %mul3A_0 : i32 to vector<16xi32>
      %add3A_48 = arith.addi %get3A_46, %add3A_47 : vector<16xi32>
      %swap3A_49 = arith.constant 32 : index
      %swap3A_50 = tpu.vector_load %arg9[%swap3A_49] {strides = array<i32>} : memref<80xi32, #tpu.memory_space<vmem>>, vector<16xi32>,
      %swap3A_51 = vector.shape_cast %swap3A_50 : vector<16xi32> to vector<16xi32>
      %swap3A_52 = vector.shape_cast %add3A_48 : vector<16xi32> to vector<16xi32>
      tpu.vector_store %arg9[%swap3A_49], %swap3A_52 {strides = array<i32>} : memref<80xi32, #tpu.memory_space<vmem>>, vector<16xi32>,
      %get3A_53 = arith.constant 48 : index
      %get3A_54 = tpu.vector_load %arg9[%get3A_53] {strides = array<i32>} : memref<80xi32, #tpu.memory_space<vmem>>, vector<16xi32>,
      %get3A_55 = vector.shape_cast %get3A_54 : vector<16xi32> to vector<16xi32>
      %add3A_56 = vector.broadcast %mul3A_0 : i32 to vector<16xi32>
      %add3A_57 = arith.addi %get3A_55, %add3A_56 : vector<16xi32>
      %swap3A_58 = arith.constant 48 : index
      %swap3A_59 = tpu.vector_load %arg9[%swap3A_58] {strides = array<i32>} : memref<80xi32, #tpu.memory_space<vmem>>, vector<16xi32>,
      %swap3A_60 = vector.shape_cast %swap3A_59 : vector<16xi32> to vector<16xi32>
      %swap3A_61 = vector.shape_cast %add3A_57 : vector<16xi32> to vector<16xi32>
      tpu.vector_store %arg9[%swap3A_58], %swap3A_61 {strides = array<i32>} : memref<80xi32, #tpu.memory_space<vmem>>, vector<16xi32>,
      %get3A_62 = arith.constant 64 : index
      %get3A_63 = tpu.vector_load %arg9[%get3A_62] {strides = array<i32>} : memref<80xi32, #tpu.memory_space<vmem>>, vector<16xi32>,
      %get3A_64 = vector.shape_cast %get3A_63 : vector<16xi32> to vector<16xi32>
      %add3A_65 = vector.broadcast %mul3A_0 : i32 to vector<16xi32>
      %add3A_66 = arith.addi %get3A_64, %add3A_65 : vector<16xi32>
      %swap3A_67 = arith.constant 64 : index
      %swap3A_68 = tpu.vector_load %arg9[%swap3A_67] {strides = array<i32>} : memref<80xi32, #tpu.memory_space<vmem>>, vector<16xi32>,
      %swap3A_69 = vector.shape_cast %swap3A_68 : vector<16xi32> to vector<16xi32>
      %swap3A_70 = vector.shape_cast %add3A_66 : vector<16xi32> to vector<16xi32>
      tpu.vector_store %arg9[%swap3A_67], %swap3A_70 {strides = array<i32>} : memref<80xi32, #tpu.memory_space<vmem>>, vector<16xi32>,
      %dma_start3A = arith.constant 0 : i32
      %dma_start3A_71 = arith.constant 0 : i32
      %dma_start3A_72 = tpu.memref_slice %arg4[%dma_start3A, %dma_start3A_71] : memref<100000x32xf32, #tpu.memory_space<hbm>> -> memref<100000x32xf32, #tpu.memory_space<hbm>>
      tpu.enqueue_indirect_dma source(%dma_start3A_72 : memref<100000x32xf32, #tpu.memory_space<hbm>>) target(%arg8 : memref<80x32xf32, #tpu.memory_space<vmem>>) offsets(%arg9 : memref<80xi32, #tpu.memory_space<vmem>>) semaphore(%arg11 : memref<!tpu.dma_semaphore, #tpu.memory_space<semaphore_mem>>)
      %dma_wait3A = arith.constant 0 : i32
      %dma_wait3A_73 = arith.constant 0 : i32
      %dma_wait3A_74 = tpu.memref_slice %arg4[%dma_wait3A, %dma_wait3A_73] : memref<100000x32xf32, #tpu.memory_space<hbm>> -> memref<100000x32xf32, #tpu.memory_space<hbm>>
      tpu.wait_indirect_dma semaphore(%arg11 : memref<!tpu.dma_semaphore, #tpu.memory_space<semaphore_mem>>) src(%dma_wait3A_74 : memref<100000x32xf32, #tpu.memory_space<hbm>>) dst(%arg8 : memref<80x32xf32, #tpu.memory_space<vmem>>)
      "tpu.region"() ({
        %run_scoped3A = tpu.sem_alloc : memref<!tpu.dma_semaphore, #tpu.memory_space<semaphore_mem>>
        %dma_start3A_75 = tpu.memref_slice %arg3[%add3A] : memref<800000xi32, #tpu.memory_space<hbm>> -> memref<80xi32, #tpu.memory_space<hbm>>
        %dma_start3A_76 = tpu.memref_slice %arg3[%add3A] : memref<800000xi32, #tpu.memory_space<hbm>> -> memref<80xi32, #tpu.memory_space<hbm>>
        tpu.enqueue_dma source(%dma_start3A_76 : memref<80xi32, #tpu.memory_space<hbm>>) target(%arg10 : memref<80xi32, #tpu.memory_space<vmem>>) target_semaphore(%run_scoped3A : memref<!tpu.dma_semaphore, #tpu.memory_space<semaphore_mem>>)
        %dma_wait3A_77 = tpu.memref_slice %arg3[%add3A] : memref<800000xi32, #tpu.memory_space<hbm>> -> memref<80xi32, #tpu.memory_space<hbm>>
        %dma_wait3A_78 = tpu.memref_slice %arg3[%add3A] : memref<800000xi32, #tpu.memory_space<hbm>> -> memref<80xi32, #tpu.memory_space<hbm>>
        tpu.wait_dma2 semaphore(%run_scoped3A : memref<!tpu.dma_semaphore, #tpu.memory_space<semaphore_mem>>) src(%dma_wait3A_78 : memref<80xi32, #tpu.memory_space<hbm>>) dst(%arg10 : memref<80xi32, #tpu.memory_space<vmem>>)
        tpu.yield
      }) : () -> ()
      "tpu.region"() ({
        %run_scoped3A = tpu.sem_alloc : memref<!tpu.dma_semaphore, #tpu.memory_space<semaphore_mem>>
        %dma_start3A_75 = arith.constant 0 : i32
        %dma_start3A_76 = arith.constant 0 : i32
        %dma_start3A_77 = tpu.memref_slice %arg7[%dma_start3A_75, %dma_start3A_76] : memref<50000x32xf32, #tpu.memory_space<vmem_shared>> -> memref<50000x32xf32, #tpu.memory_space<vmem_shared>>
        tpu.enqueue_indirect_dma source(%arg8 : memref<80x32xf32, #tpu.memory_space<vmem>>) target(%dma_start3A_77 : memref<50000x32xf32, #tpu.memory_space<vmem_shared>>) offsets(%arg10 : memref<80xi32, #tpu.memory_space<vmem>>) semaphore(%run_scoped3A : memref<!tpu.dma_semaphore, #tpu.memory_space<semaphore_mem>>) {add = true}
        %dma_wait3A_78 = arith.constant 0 : i32
        %dma_wait3A_79 = arith.constant 0 : i32
        %dma_wait3A_80 = tpu.memref_slice %arg7[%dma_wait3A_78, %dma_wait3A_79] : memref<50000x32xf32, #tpu.memory_space<vmem_shared>> -> memref<50000x32xf32, #tpu.memory_space<vmem_shared>>
        tpu.wait_indirect_dma semaphore(%run_scoped3A : memref<!tpu.dma_semaphore, #tpu.memory_space<semaphore_mem>>) src(%arg8 : memref<80x32xf32, #tpu.memory_space<vmem>>) dst(%dma_wait3A_80 : memref<50000x32xf32, #tpu.memory_space<vmem_shared>>)
        tpu.yield
      }) : () -> ()
    }
    %scan3A_11 = arith.constant 625 : i32
    %barrier3A_12 = arith.constant 0 : index
    tpu.barrier barrier_id(%barrier3A_12)
    %lt3A_13 = arith.constant 15 : i32
    %lt3A_14 = arith.cmpi slt, %arg1, %lt3A_13 : i32
    %convert_element_type3A_15 = arith.extui %lt3A_14 : i1 to i32
    %cond3A_16 = arith.constant 0 : i32
    %cond3A_17 = arith.cmpi ne, %convert_element_type3A_15, %cond3A_16 : i32
    scf.if %cond3A_17 {
      %mul3A_23 = arith.constant 3200 : i32
      %mul3A_24 = arith.muli %arg1, %mul3A_23 : i32
      %mul3A_25 = arith.constant 3200 : i32
      %mul3A_26 = arith.muli %arg1, %mul3A_25 : i32
      %add3A = arith.addi %mul3A_0, %mul3A_26 : i32
      "tpu.region"() ({
        %run_scoped3A = tpu.sem_alloc : memref<!tpu.dma_semaphore, #tpu.memory_space<semaphore_mem>>
        %dma_start3A = arith.constant 0 : i32
        %dma_start3A_27 = tpu.memref_slice %arg6[%add3A, %dma_start3A] : memref<100000x32xf32, #tpu.memory_space<hbm>> -> memref<3200x32xf32, #tpu.memory_space<hbm>>
        %dma_start3A_28 = arith.constant 0 : i32
        %dma_start3A_29 = tpu.memref_slice %arg7[%mul3A_24, %dma_start3A_28] : memref<50000x32xf32, #tpu.memory_space<vmem_shared>> -> memref<3200x32xf32, #tpu.memory_space<vmem_shared>>
        tpu.enqueue_dma source(%dma_start3A_29 : memref<3200x32xf32, #tpu.memory_space<vmem_shared>>) target(%dma_start3A_27 : memref<3200x32xf32, #tpu.memory_space<hbm>>) target_semaphore(%run_scoped3A : memref<!tpu.dma_semaphore, #tpu.memory_space<semaphore_mem>>)
        %dma_wait3A = arith.constant 0 : i32
        %dma_wait3A_30 = tpu.memref_slice %arg6[%add3A, %dma_wait3A] : memref<100000x32xf32, #tpu.memory_space<hbm>> -> memref<3200x32xf32, #tpu.memory_space<hbm>>
        %dma_wait3A_31 = arith.constant 0 : i32
        %dma_wait3A_32 = tpu.memref_slice %arg7[%mul3A_24, %dma_wait3A_31] : memref<50000x32xf32, #tpu.memory_space<vmem_shared>> -> memref<3200x32xf32, #tpu.memory_space<vmem_shared>>
        tpu.wait_dma2 semaphore(%run_scoped3A : memref<!tpu.dma_semaphore, #tpu.memory_space<semaphore_mem>>) src(%dma_wait3A_32 : memref<3200x32xf32, #tpu.memory_space<vmem_shared>>) dst(%dma_wait3A_30 : memref<3200x32xf32, #tpu.memory_space<hbm>>)
        tpu.yield
      }) : () -> ()
    } else {
    }
    %eq3A_18 = arith.constant 15 : i32
    %eq3A_19 = arith.cmpi eq, %arg1, %eq3A_18 : i32
    %convert_element_type3A_20 = arith.extui %eq3A_19 : i1 to i32
    %cond3A_21 = arith.constant 0 : i32
    %cond3A_22 = arith.cmpi ne, %convert_element_type3A_20, %cond3A_21 : i32
    scf.if %cond3A_22 {
      %add3A = arith.constant 48000 : i32
      %add3A_23 = arith.addi %mul3A_0, %add3A : i32
      "tpu.region"() ({
        %run_scoped3A = tpu.sem_alloc : memref<!tpu.dma_semaphore, #tpu.memory_space<semaphore_mem>>
        %dma_start3A = arith.constant 0 : i32
        %dma_start3A_24 = tpu.memref_slice %arg6[%add3A_23, %dma_start3A] : memref<100000x32xf32, #tpu.memory_space<hbm>> -> memref<2000x32xf32, #tpu.memory_space<hbm>>
        %dma_start3A_25 = arith.constant 48000 : i32
        %dma_start3A_26 = arith.constant 0 : i32
        %dma_start3A_27 = tpu.memref_slice %arg7[%dma_start3A_25, %dma_start3A_26] : memref<50000x32xf32, #tpu.memory_space<vmem_shared>> -> memref<2000x32xf32, #tpu.memory_space<vmem_shared>>
        tpu.enqueue_dma source(%dma_start3A_27 : memref<2000x32xf32, #tpu.memory_space<vmem_shared>>) target(%dma_start3A_24 : memref<2000x32xf32, #tpu.memory_space<hbm>>) target_semaphore(%run_scoped3A : memref<!tpu.dma_semaphore, #tpu.memory_space<semaphore_mem>>)
        %dma_wait3A = arith.constant 0 : i32
        %dma_wait3A_28 = tpu.memref_slice %arg6[%add3A_23, %dma_wait3A] : memref<100000x32xf32, #tpu.memory_space<hbm>> -> memref<2000x32xf32, #tpu.memory_space<hbm>>
        %dma_wait3A_29 = arith.constant 48000 : i32
        %dma_wait3A_30 = arith.constant 0 : i32
        %dma_wait3A_31 = tpu.memref_slice %arg7[%dma_wait3A_29, %dma_wait3A_30] : memref<50000x32xf32, #tpu.memory_space<vmem_shared>> -> memref<2000x32xf32, #tpu.memory_space<vmem_shared>>
        tpu.wait_dma2 semaphore(%run_scoped3A : memref<!tpu.dma_semaphore, #tpu.memory_space<semaphore_mem>>) src(%dma_wait3A_31 : memref<2000x32xf32, #tpu.memory_space<vmem_shared>>) dst(%dma_wait3A_28 : memref<2000x32xf32, #tpu.memory_space<hbm>>)
        tpu.yield
      }) : () -> ()
    } else {
    }
    return
  }
}

#map = affine_map<(d0, d1) -> (0, 0)>
#map1 = affine_map<(d0, d1) -> (0)>
module attributes {stable_mosaic.version = 14 : i64} {
  func.func @_e16_sc(%arg0: i32, %arg1: i32, %arg2: memref<800000x16xf32, #tpu.memory_space<hbm>>, %arg3: memref<800000xi32, #tpu.memory_space<hbm>>, %arg4: memref<3200x16xf32, #tpu.memory_space<hbm>>, %arg5: memref<100000x16xf32, #tpu.memory_space<hbm>>, %arg6: memref<50000x16xf32, #tpu.memory_space<vmem_shared>>, %arg7: memref<40x16xf32, #tpu.memory_space<vmem>>, %arg8: memref<40xi32, #tpu.memory_space<vmem>>) attributes {dimension_semantics = [#tpu.dimension_semantics<core_parallel>, #tpu.dimension_semantics<subcore_parallel>], iteration_bounds = array<i64: 2, 16>, scalar_prefetch = 0 : i64, scratch_operands = 3 : i64, tpu.core_type = #tpu.core_type<sc_vector_subcore>, window_params = [{transform_indices = #map}, {transform_indices = #map1}, {transform_indices = #map}, {transform_indices = #map}]} {
    %lt3A = arith.constant 15 : i32
    %lt3A_0 = arith.cmpi slt, %arg1, %lt3A : i32
    %convert_element_type3A = arith.extui %lt3A_0 : i1 to i32
    %cond3A = arith.constant 0 : i32
    %cond3A_1 = arith.cmpi ne, %convert_element_type3A, %cond3A : i32
    scf.if %cond3A_1 {
      %mul3A_25 = arith.constant 3200 : i32
      %mul3A_26 = arith.muli %arg1, %mul3A_25 : i32
      %mul3A_27 = arith.constant 3200 : i32
      %mul3A_28 = arith.muli %arg1, %mul3A_27 : i32
      "tpu.region"() ({
        %run_scoped3A = tpu.sem_alloc : memref<!tpu.dma_semaphore, #tpu.memory_space<semaphore_mem>>
        %dma_start3A = arith.constant 0 : i32
        %dma_start3A_29 = tpu.memref_slice %arg6[%mul3A_28, %dma_start3A] : memref<50000x16xf32, #tpu.memory_space<vmem_shared>> -> memref<3200x16xf32, #tpu.memory_space<vmem_shared>>
        %dma_start3A_30 = arith.constant 0 : i32
        %dma_start3A_31 = arith.constant 0 : i32
        %dma_start3A_32 = tpu.memref_slice %arg4[%dma_start3A_30, %dma_start3A_31] : memref<3200x16xf32, #tpu.memory_space<hbm>> -> memref<3200x16xf32, #tpu.memory_space<hbm>>
        tpu.enqueue_dma source(%dma_start3A_32 : memref<3200x16xf32, #tpu.memory_space<hbm>>) target(%dma_start3A_29 : memref<3200x16xf32, #tpu.memory_space<vmem_shared>>) target_semaphore(%run_scoped3A : memref<!tpu.dma_semaphore, #tpu.memory_space<semaphore_mem>>)
        %dma_wait3A = arith.constant 0 : i32
        %dma_wait3A_33 = tpu.memref_slice %arg6[%mul3A_28, %dma_wait3A] : memref<50000x16xf32, #tpu.memory_space<vmem_shared>> -> memref<3200x16xf32, #tpu.memory_space<vmem_shared>>
        %dma_wait3A_34 = arith.constant 0 : i32
        %dma_wait3A_35 = arith.constant 0 : i32
        %dma_wait3A_36 = tpu.memref_slice %arg4[%dma_wait3A_34, %dma_wait3A_35] : memref<3200x16xf32, #tpu.memory_space<hbm>> -> memref<3200x16xf32, #tpu.memory_space<hbm>>
        tpu.wait_dma2 semaphore(%run_scoped3A : memref<!tpu.dma_semaphore, #tpu.memory_space<semaphore_mem>>) src(%dma_wait3A_36 : memref<3200x16xf32, #tpu.memory_space<hbm>>) dst(%dma_wait3A_33 : memref<3200x16xf32, #tpu.memory_space<vmem_shared>>)
        tpu.yield
      }) : () -> ()
    } else {
    }
    %eq3A = arith.constant 15 : i32
    %eq3A_2 = arith.cmpi eq, %arg1, %eq3A : i32
    %convert_element_type3A_3 = arith.extui %eq3A_2 : i1 to i32
    %cond3A_4 = arith.constant 0 : i32
    %cond3A_5 = arith.cmpi ne, %convert_element_type3A_3, %cond3A_4 : i32
    scf.if %cond3A_5 {
      "tpu.region"() ({
        %run_scoped3A = tpu.sem_alloc : memref<!tpu.dma_semaphore, #tpu.memory_space<semaphore_mem>>
        %dma_start3A = arith.constant 48000 : i32
        %dma_start3A_25 = arith.constant 0 : i32
        %dma_start3A_26 = tpu.memref_slice %arg6[%dma_start3A, %dma_start3A_25] : memref<50000x16xf32, #tpu.memory_space<vmem_shared>> -> memref<2000x16xf32, #tpu.memory_space<vmem_shared>>
        %dma_start3A_27 = arith.constant 0 : i32
        %dma_start3A_28 = arith.constant 0 : i32
        %dma_start3A_29 = tpu.memref_slice %arg4[%dma_start3A_27, %dma_start3A_28] : memref<3200x16xf32, #tpu.memory_space<hbm>> -> memref<2000x16xf32, #tpu.memory_space<hbm>>
        tpu.enqueue_dma source(%dma_start3A_29 : memref<2000x16xf32, #tpu.memory_space<hbm>>) target(%dma_start3A_26 : memref<2000x16xf32, #tpu.memory_space<vmem_shared>>) target_semaphore(%run_scoped3A : memref<!tpu.dma_semaphore, #tpu.memory_space<semaphore_mem>>)
        %dma_wait3A = arith.constant 48000 : i32
        %dma_wait3A_30 = arith.constant 0 : i32
        %dma_wait3A_31 = tpu.memref_slice %arg6[%dma_wait3A, %dma_wait3A_30] : memref<50000x16xf32, #tpu.memory_space<vmem_shared>> -> memref<2000x16xf32, #tpu.memory_space<vmem_shared>>
        %dma_wait3A_32 = arith.constant 0 : i32
        %dma_wait3A_33 = arith.constant 0 : i32
        %dma_wait3A_34 = tpu.memref_slice %arg4[%dma_wait3A_32, %dma_wait3A_33] : memref<3200x16xf32, #tpu.memory_space<hbm>> -> memref<2000x16xf32, #tpu.memory_space<hbm>>
        tpu.wait_dma2 semaphore(%run_scoped3A : memref<!tpu.dma_semaphore, #tpu.memory_space<semaphore_mem>>) src(%dma_wait3A_34 : memref<2000x16xf32, #tpu.memory_space<hbm>>) dst(%dma_wait3A_31 : memref<2000x16xf32, #tpu.memory_space<vmem_shared>>)
        tpu.yield
      }) : () -> ()
    } else {
    }
    %barrier3A = arith.constant 0 : index
    tpu.barrier barrier_id(%barrier3A)
    %mul3A = arith.constant 400000 : i32
    %mul3A_6 = arith.muli %arg0, %mul3A : i32
    %mul3A_7 = arith.constant 25000 : i32
    %mul3A_8 = arith.muli %arg1, %mul3A_7 : i32
    %add3A = arith.addi %mul3A_6, %mul3A_8 : i32
    %scan3A = arith.constant 0 : i32
    %scan3A_9 = arith.constant 0 : i32
    %scan3A_10 = arith.constant 625 : i32
    %scan3A_11 = arith.addi %scan3A_9, %scan3A_10 : i32
    %scan3A_12 = arith.constant 1 : i32
    scf.for %scan3A_25 = %scan3A_9 to %scan3A_11 step %scan3A_12  : i32 {
      %mul3A_26 = arith.constant 40 : i32
      %mul3A_27 = arith.muli %scan3A_25, %mul3A_26 : i32
      %add3A_28 = arith.addi %add3A, %mul3A_27 : i32
      "tpu.region"() ({
        %run_scoped3A = tpu.sem_alloc : memref<!tpu.dma_semaphore, #tpu.memory_space<semaphore_mem>>
        %dma_start3A = tpu.memref_slice %arg3[%add3A_28] : memref<800000xi32, #tpu.memory_space<hbm>> -> memref<40xi32, #tpu.memory_space<hbm>>
        %dma_start3A_29 = tpu.memref_slice %arg3[%add3A_28] : memref<800000xi32, #tpu.memory_space<hbm>> -> memref<40xi32, #tpu.memory_space<hbm>>
        tpu.enqueue_dma source(%dma_start3A_29 : memref<40xi32, #tpu.memory_space<hbm>>) target(%arg8 : memref<40xi32, #tpu.memory_space<vmem>>) target_semaphore(%run_scoped3A : memref<!tpu.dma_semaphore, #tpu.memory_space<semaphore_mem>>)
        %dma_wait3A = tpu.memref_slice %arg3[%add3A_28] : memref<800000xi32, #tpu.memory_space<hbm>> -> memref<40xi32, #tpu.memory_space<hbm>>
        %dma_wait3A_30 = tpu.memref_slice %arg3[%add3A_28] : memref<800000xi32, #tpu.memory_space<hbm>> -> memref<40xi32, #tpu.memory_space<hbm>>
        tpu.wait_dma2 semaphore(%run_scoped3A : memref<!tpu.dma_semaphore, #tpu.memory_space<semaphore_mem>>) src(%dma_wait3A_30 : memref<40xi32, #tpu.memory_space<hbm>>) dst(%arg8 : memref<40xi32, #tpu.memory_space<vmem>>)
        tpu.yield
      }) : () -> ()
      "tpu.region"() ({
        %run_scoped3A = tpu.sem_alloc : memref<!tpu.dma_semaphore, #tpu.memory_space<semaphore_mem>>
        %dma_start3A = arith.constant 0 : i32
        %dma_start3A_29 = tpu.memref_slice %arg2[%add3A_28, %dma_start3A] : memref<800000x16xf32, #tpu.memory_space<hbm>> -> memref<40x16xf32, #tpu.memory_space<hbm>>
        %dma_start3A_30 = arith.constant 0 : i32
        %dma_start3A_31 = tpu.memref_slice %arg2[%add3A_28, %dma_start3A_30] : memref<800000x16xf32, #tpu.memory_space<hbm>> -> memref<40x16xf32, #tpu.memory_space<hbm>>
        tpu.enqueue_dma source(%dma_start3A_31 : memref<40x16xf32, #tpu.memory_space<hbm>>) target(%arg7 : memref<40x16xf32, #tpu.memory_space<vmem>>) target_semaphore(%run_scoped3A : memref<!tpu.dma_semaphore, #tpu.memory_space<semaphore_mem>>)
        %dma_wait3A = arith.constant 0 : i32
        %dma_wait3A_32 = tpu.memref_slice %arg2[%add3A_28, %dma_wait3A] : memref<800000x16xf32, #tpu.memory_space<hbm>> -> memref<40x16xf32, #tpu.memory_space<hbm>>
        %dma_wait3A_33 = arith.constant 0 : i32
        %dma_wait3A_34 = tpu.memref_slice %arg2[%add3A_28, %dma_wait3A_33] : memref<800000x16xf32, #tpu.memory_space<hbm>> -> memref<40x16xf32, #tpu.memory_space<hbm>>
        tpu.wait_dma2 semaphore(%run_scoped3A : memref<!tpu.dma_semaphore, #tpu.memory_space<semaphore_mem>>) src(%dma_wait3A_34 : memref<40x16xf32, #tpu.memory_space<hbm>>) dst(%arg7 : memref<40x16xf32, #tpu.memory_space<vmem>>)
        tpu.yield
      }) : () -> ()
      "tpu.region"() ({
        %run_scoped3A = tpu.sem_alloc : memref<!tpu.dma_semaphore, #tpu.memory_space<semaphore_mem>>
        %dma_start3A = arith.constant 0 : i32
        %dma_start3A_29 = arith.constant 0 : i32
        %dma_start3A_30 = tpu.memref_slice %arg6[%dma_start3A, %dma_start3A_29] : memref<50000x16xf32, #tpu.memory_space<vmem_shared>> -> memref<50000x16xf32, #tpu.memory_space<vmem_shared>>
        tpu.enqueue_indirect_dma source(%arg7 : memref<40x16xf32, #tpu.memory_space<vmem>>) target(%dma_start3A_30 : memref<50000x16xf32, #tpu.memory_space<vmem_shared>>) offsets(%arg8 : memref<40xi32, #tpu.memory_space<vmem>>) semaphore(%run_scoped3A : memref<!tpu.dma_semaphore, #tpu.memory_space<semaphore_mem>>) {add = true}
        %dma_wait3A = arith.constant 0 : i32
        %dma_wait3A_31 = arith.constant 0 : i32
        %dma_wait3A_32 = tpu.memref_slice %arg6[%dma_wait3A, %dma_wait3A_31] : memref<50000x16xf32, #tpu.memory_space<vmem_shared>> -> memref<50000x16xf32, #tpu.memory_space<vmem_shared>>
        tpu.wait_indirect_dma semaphore(%run_scoped3A : memref<!tpu.dma_semaphore, #tpu.memory_space<semaphore_mem>>) src(%arg7 : memref<40x16xf32, #tpu.memory_space<vmem>>) dst(%dma_wait3A_32 : memref<50000x16xf32, #tpu.memory_space<vmem_shared>>)
        tpu.yield
      }) : () -> ()
    }
    %scan3A_13 = arith.constant 625 : i32
    %barrier3A_14 = arith.constant 0 : index
    tpu.barrier barrier_id(%barrier3A_14)
    %lt3A_15 = arith.constant 15 : i32
    %lt3A_16 = arith.cmpi slt, %arg1, %lt3A_15 : i32
    %convert_element_type3A_17 = arith.extui %lt3A_16 : i1 to i32
    %cond3A_18 = arith.constant 0 : i32
    %cond3A_19 = arith.cmpi ne, %convert_element_type3A_17, %cond3A_18 : i32
    scf.if %cond3A_19 {
      %mul3A_25 = arith.constant 3200 : i32
      %mul3A_26 = arith.muli %arg1, %mul3A_25 : i32
      %mul3A_27 = arith.constant 3200 : i32
      %mul3A_28 = arith.muli %arg1, %mul3A_27 : i32
      %mul3A_29 = arith.constant 50000 : i32
      %mul3A_30 = arith.muli %arg0, %mul3A_29 : i32
      %add3A_31 = arith.addi %mul3A_30, %mul3A_28 : i32
      "tpu.region"() ({
        %run_scoped3A = tpu.sem_alloc : memref<!tpu.dma_semaphore, #tpu.memory_space<semaphore_mem>>
        %dma_start3A = arith.constant 0 : i32
        %dma_start3A_32 = tpu.memref_slice %arg5[%add3A_31, %dma_start3A] : memref<100000x16xf32, #tpu.memory_space<hbm>> -> memref<3200x16xf32, #tpu.memory_space<hbm>>
        %dma_start3A_33 = arith.constant 0 : i32
        %dma_start3A_34 = tpu.memref_slice %arg6[%mul3A_26, %dma_start3A_33] : memref<50000x16xf32, #tpu.memory_space<vmem_shared>> -> memref<3200x16xf32, #tpu.memory_space<vmem_shared>>
        tpu.enqueue_dma source(%dma_start3A_34 : memref<3200x16xf32, #tpu.memory_space<vmem_shared>>) target(%dma_start3A_32 : memref<3200x16xf32, #tpu.memory_space<hbm>>) target_semaphore(%run_scoped3A : memref<!tpu.dma_semaphore, #tpu.memory_space<semaphore_mem>>)
        %dma_wait3A = arith.constant 0 : i32
        %dma_wait3A_35 = tpu.memref_slice %arg5[%add3A_31, %dma_wait3A] : memref<100000x16xf32, #tpu.memory_space<hbm>> -> memref<3200x16xf32, #tpu.memory_space<hbm>>
        %dma_wait3A_36 = arith.constant 0 : i32
        %dma_wait3A_37 = tpu.memref_slice %arg6[%mul3A_26, %dma_wait3A_36] : memref<50000x16xf32, #tpu.memory_space<vmem_shared>> -> memref<3200x16xf32, #tpu.memory_space<vmem_shared>>
        tpu.wait_dma2 semaphore(%run_scoped3A : memref<!tpu.dma_semaphore, #tpu.memory_space<semaphore_mem>>) src(%dma_wait3A_37 : memref<3200x16xf32, #tpu.memory_space<vmem_shared>>) dst(%dma_wait3A_35 : memref<3200x16xf32, #tpu.memory_space<hbm>>)
        tpu.yield
      }) : () -> ()
    } else {
    }
    %eq3A_20 = arith.constant 15 : i32
    %eq3A_21 = arith.cmpi eq, %arg1, %eq3A_20 : i32
    %convert_element_type3A_22 = arith.extui %eq3A_21 : i1 to i32
    %cond3A_23 = arith.constant 0 : i32
    %cond3A_24 = arith.cmpi ne, %convert_element_type3A_22, %cond3A_23 : i32
    scf.if %cond3A_24 {
      %mul3A_25 = arith.constant 50000 : i32
      %mul3A_26 = arith.muli %arg0, %mul3A_25 : i32
      %add3A_27 = arith.constant 48000 : i32
      %add3A_28 = arith.addi %mul3A_26, %add3A_27 : i32
      "tpu.region"() ({
        %run_scoped3A = tpu.sem_alloc : memref<!tpu.dma_semaphore, #tpu.memory_space<semaphore_mem>>
        %dma_start3A = arith.constant 0 : i32
        %dma_start3A_29 = tpu.memref_slice %arg5[%add3A_28, %dma_start3A] : memref<100000x16xf32, #tpu.memory_space<hbm>> -> memref<2000x16xf32, #tpu.memory_space<hbm>>
        %dma_start3A_30 = arith.constant 48000 : i32
        %dma_start3A_31 = arith.constant 0 : i32
        %dma_start3A_32 = tpu.memref_slice %arg6[%dma_start3A_30, %dma_start3A_31] : memref<50000x16xf32, #tpu.memory_space<vmem_shared>> -> memref<2000x16xf32, #tpu.memory_space<vmem_shared>>
        tpu.enqueue_dma source(%dma_start3A_32 : memref<2000x16xf32, #tpu.memory_space<vmem_shared>>) target(%dma_start3A_29 : memref<2000x16xf32, #tpu.memory_space<hbm>>) target_semaphore(%run_scoped3A : memref<!tpu.dma_semaphore, #tpu.memory_space<semaphore_mem>>)
        %dma_wait3A = arith.constant 0 : i32
        %dma_wait3A_33 = tpu.memref_slice %arg5[%add3A_28, %dma_wait3A] : memref<100000x16xf32, #tpu.memory_space<hbm>> -> memref<2000x16xf32, #tpu.memory_space<hbm>>
        %dma_wait3A_34 = arith.constant 48000 : i32
        %dma_wait3A_35 = arith.constant 0 : i32
        %dma_wait3A_36 = tpu.memref_slice %arg6[%dma_wait3A_34, %dma_wait3A_35] : memref<50000x16xf32, #tpu.memory_space<vmem_shared>> -> memref<2000x16xf32, #tpu.memory_space<vmem_shared>>
        tpu.wait_dma2 semaphore(%run_scoped3A : memref<!tpu.dma_semaphore, #tpu.memory_space<semaphore_mem>>) src(%dma_wait3A_36 : memref<2000x16xf32, #tpu.memory_space<vmem_shared>>) dst(%dma_wait3A_33 : memref<2000x16xf32, #tpu.memory_space<hbm>>)
        tpu.yield
      }) : () -> ()
    } else {
    }
    return
  }
}

#map = affine_map<(d0, d1) -> (0)>
#map1 = affine_map<(d0, d1) -> (0, 0)>
module attributes {stable_mosaic.version = 14 : i64} {
  func.func @_edge_agg_sc(%arg0: i32, %arg1: i32, %arg2: memref<800000xi32, #tpu.memory_space<hbm>>, %arg3: memref<800000xi32, #tpu.memory_space<hbm>>, %arg4: memref<100000x32xf32, #tpu.memory_space<hbm>>, %arg5: memref<3200x32xf32, #tpu.memory_space<hbm>>, %arg6: memref<100000x32xf32, #tpu.memory_space<hbm>>, %arg7: memref<50000x32xf32, #tpu.memory_space<vmem_shared>>, %arg8: memref<80x32xf32, #tpu.memory_space<vmem>>, %arg9: memref<80xi32, #tpu.memory_space<vmem>>, %arg10: memref<80xi32, #tpu.memory_space<vmem>>, %arg11: memref<!tpu.dma_semaphore, #tpu.memory_space<semaphore_mem>>) attributes {dimension_semantics = [#tpu.dimension_semantics<core_parallel>, #tpu.dimension_semantics<subcore_parallel>], iteration_bounds = array<i64: 2, 16>, scalar_prefetch = 0 : i64, scratch_operands = 5 : i64, tpu.core_type = #tpu.core_type<sc_vector_subcore>, window_params = [{transform_indices = #map}, {transform_indices = #map}, {transform_indices = #map1}, {transform_indices = #map1}, {transform_indices = #map1}]} {
    %mul3A = arith.constant 50000 : i32
    %mul3A_0 = arith.muli %arg0, %mul3A : i32
    %lt3A = arith.constant 15 : i32
    %lt3A_1 = arith.cmpi slt, %arg1, %lt3A : i32
    %convert_element_type3A = arith.extui %lt3A_1 : i1 to i32
    %cond3A = arith.constant 0 : i32
    %cond3A_2 = arith.cmpi ne, %convert_element_type3A, %cond3A : i32
    scf.if %cond3A_2 {
      %mul3A_23 = arith.constant 3200 : i32
      %mul3A_24 = arith.muli %arg1, %mul3A_23 : i32
      %mul3A_25 = arith.constant 3200 : i32
      %mul3A_26 = arith.muli %arg1, %mul3A_25 : i32
      "tpu.region"() ({
        %run_scoped3A = tpu.sem_alloc : memref<!tpu.dma_semaphore, #tpu.memory_space<semaphore_mem>>
        %dma_start3A = arith.constant 0 : i32
        %dma_start3A_27 = tpu.memref_slice %arg7[%mul3A_26, %dma_start3A] : memref<50000x32xf32, #tpu.memory_space<vmem_shared>> -> memref<3200x32xf32, #tpu.memory_space<vmem_shared>>
        %dma_start3A_28 = arith.constant 0 : i32
        %dma_start3A_29 = arith.constant 0 : i32
        %dma_start3A_30 = tpu.memref_slice %arg5[%dma_start3A_28, %dma_start3A_29] : memref<3200x32xf32, #tpu.memory_space<hbm>> -> memref<3200x32xf32, #tpu.memory_space<hbm>>
        tpu.enqueue_dma source(%dma_start3A_30 : memref<3200x32xf32, #tpu.memory_space<hbm>>) target(%dma_start3A_27 : memref<3200x32xf32, #tpu.memory_space<vmem_shared>>) target_semaphore(%run_scoped3A : memref<!tpu.dma_semaphore, #tpu.memory_space<semaphore_mem>>)
        %dma_wait3A = arith.constant 0 : i32
        %dma_wait3A_31 = tpu.memref_slice %arg7[%mul3A_26, %dma_wait3A] : memref<50000x32xf32, #tpu.memory_space<vmem_shared>> -> memref<3200x32xf32, #tpu.memory_space<vmem_shared>>
        %dma_wait3A_32 = arith.constant 0 : i32
        %dma_wait3A_33 = arith.constant 0 : i32
        %dma_wait3A_34 = tpu.memref_slice %arg5[%dma_wait3A_32, %dma_wait3A_33] : memref<3200x32xf32, #tpu.memory_space<hbm>> -> memref<3200x32xf32, #tpu.memory_space<hbm>>
        tpu.wait_dma2 semaphore(%run_scoped3A : memref<!tpu.dma_semaphore, #tpu.memory_space<semaphore_mem>>) src(%dma_wait3A_34 : memref<3200x32xf32, #tpu.memory_space<hbm>>) dst(%dma_wait3A_31 : memref<3200x32xf32, #tpu.memory_space<vmem_shared>>)
        tpu.yield
      }) : () -> ()
    } else {
    }
    %eq3A = arith.constant 15 : i32
    %eq3A_3 = arith.cmpi eq, %arg1, %eq3A : i32
    %convert_element_type3A_4 = arith.extui %eq3A_3 : i1 to i32
    %cond3A_5 = arith.constant 0 : i32
    %cond3A_6 = arith.cmpi ne, %convert_element_type3A_4, %cond3A_5 : i32
    scf.if %cond3A_6 {
      "tpu.region"() ({
        %run_scoped3A = tpu.sem_alloc : memref<!tpu.dma_semaphore, #tpu.memory_space<semaphore_mem>>
        %dma_start3A = arith.constant 48000 : i32
        %dma_start3A_23 = arith.constant 0 : i32
        %dma_start3A_24 = tpu.memref_slice %arg7[%dma_start3A, %dma_start3A_23] : memref<50000x32xf32, #tpu.memory_space<vmem_shared>> -> memref<2000x32xf32, #tpu.memory_space<vmem_shared>>
        %dma_start3A_25 = arith.constant 0 : i32
        %dma_start3A_26 = arith.constant 0 : i32
        %dma_start3A_27 = tpu.memref_slice %arg5[%dma_start3A_25, %dma_start3A_26] : memref<3200x32xf32, #tpu.memory_space<hbm>> -> memref<2000x32xf32, #tpu.memory_space<hbm>>
        tpu.enqueue_dma source(%dma_start3A_27 : memref<2000x32xf32, #tpu.memory_space<hbm>>) target(%dma_start3A_24 : memref<2000x32xf32, #tpu.memory_space<vmem_shared>>) target_semaphore(%run_scoped3A : memref<!tpu.dma_semaphore, #tpu.memory_space<semaphore_mem>>)
        %dma_wait3A = arith.constant 48000 : i32
        %dma_wait3A_28 = arith.constant 0 : i32
        %dma_wait3A_29 = tpu.memref_slice %arg7[%dma_wait3A, %dma_wait3A_28] : memref<50000x32xf32, #tpu.memory_space<vmem_shared>> -> memref<2000x32xf32, #tpu.memory_space<vmem_shared>>
        %dma_wait3A_30 = arith.constant 0 : i32
        %dma_wait3A_31 = arith.constant 0 : i32
        %dma_wait3A_32 = tpu.memref_slice %arg5[%dma_wait3A_30, %dma_wait3A_31] : memref<3200x32xf32, #tpu.memory_space<hbm>> -> memref<2000x32xf32, #tpu.memory_space<hbm>>
        tpu.wait_dma2 semaphore(%run_scoped3A : memref<!tpu.dma_semaphore, #tpu.memory_space<semaphore_mem>>) src(%dma_wait3A_32 : memref<2000x32xf32, #tpu.memory_space<hbm>>) dst(%dma_wait3A_29 : memref<2000x32xf32, #tpu.memory_space<vmem_shared>>)
        tpu.yield
      }) : () -> ()
    } else {
    }
    %barrier3A = arith.constant 0 : index
    tpu.barrier barrier_id(%barrier3A)
    %scan3A = arith.constant 0 : i32
    %scan3A_7 = arith.constant 0 : i32
    %scan3A_8 = arith.constant 625 : i32
    %scan3A_9 = arith.addi %scan3A_7, %scan3A_8 : i32
    %scan3A_10 = arith.constant 1 : i32
    scf.for %scan3A_23 = %scan3A_7 to %scan3A_9 step %scan3A_10  : i32 {
      %mul3A_24 = arith.constant 50000 : i32
      %mul3A_25 = arith.muli %arg1, %mul3A_24 : i32
      %mul3A_26 = arith.constant 80 : i32
      %mul3A_27 = arith.muli %scan3A_23, %mul3A_26 : i32
      %add3A = arith.addi %mul3A_25, %mul3A_27 : i32
      "tpu.region"() ({
        %run_scoped3A = tpu.sem_alloc : memref<!tpu.dma_semaphore, #tpu.memory_space<semaphore_mem>>
        %dma_start3A_75 = tpu.memref_slice %arg2[%add3A] : memref<800000xi32, #tpu.memory_space<hbm>> -> memref<80xi32, #tpu.memory_space<hbm>>
        %dma_start3A_76 = tpu.memref_slice %arg2[%add3A] : memref<800000xi32, #tpu.memory_space<hbm>> -> memref<80xi32, #tpu.memory_space<hbm>>
        tpu.enqueue_dma source(%dma_start3A_76 : memref<80xi32, #tpu.memory_space<hbm>>) target(%arg9 : memref<80xi32, #tpu.memory_space<vmem>>) target_semaphore(%run_scoped3A : memref<!tpu.dma_semaphore, #tpu.memory_space<semaphore_mem>>)
        %dma_wait3A_77 = tpu.memref_slice %arg2[%add3A] : memref<800000xi32, #tpu.memory_space<hbm>> -> memref<80xi32, #tpu.memory_space<hbm>>
        %dma_wait3A_78 = tpu.memref_slice %arg2[%add3A] : memref<800000xi32, #tpu.memory_space<hbm>> -> memref<80xi32, #tpu.memory_space<hbm>>
        tpu.wait_dma2 semaphore(%run_scoped3A : memref<!tpu.dma_semaphore, #tpu.memory_space<semaphore_mem>>) src(%dma_wait3A_78 : memref<80xi32, #tpu.memory_space<hbm>>) dst(%arg9 : memref<80xi32, #tpu.memory_space<vmem>>)
        tpu.yield
      }) : () -> ()
      %get3A = arith.constant 0 : index
      %get3A_28 = tpu.vector_load %arg9[%get3A] {strides = array<i32>} : memref<80xi32, #tpu.memory_space<vmem>>, vector<16xi32>,
      %get3A_29 = vector.shape_cast %get3A_28 : vector<16xi32> to vector<16xi32>
      %add3A_30 = vector.broadcast %mul3A_0 : i32 to vector<16xi32>
      %add3A_31 = arith.addi %get3A_29, %add3A_30 : vector<16xi32>
      %swap3A = arith.constant 0 : index
      %swap3A_32 = tpu.vector_load %arg9[%swap3A] {strides = array<i32>} : memref<80xi32, #tpu.memory_space<vmem>>, vector<16xi32>,
      %swap3A_33 = vector.shape_cast %swap3A_32 : vector<16xi32> to vector<16xi32>
      %swap3A_34 = vector.shape_cast %add3A_31 : vector<16xi32> to vector<16xi32>
      tpu.vector_store %arg9[%swap3A], %swap3A_34 {strides = array<i32>} : memref<80xi32, #tpu.memory_space<vmem>>, vector<16xi32>,
      %get3A_35 = arith.constant 16 : index
      %get3A_36 = tpu.vector_load %arg9[%get3A_35] {strides = array<i32>} : memref<80xi32, #tpu.memory_space<vmem>>, vector<16xi32>,
      %get3A_37 = vector.shape_cast %get3A_36 : vector<16xi32> to vector<16xi32>
      %add3A_38 = vector.broadcast %mul3A_0 : i32 to vector<16xi32>
      %add3A_39 = arith.addi %get3A_37, %add3A_38 : vector<16xi32>
      %swap3A_40 = arith.constant 16 : index
      %swap3A_41 = tpu.vector_load %arg9[%swap3A_40] {strides = array<i32>} : memref<80xi32, #tpu.memory_space<vmem>>, vector<16xi32>,
      %swap3A_42 = vector.shape_cast %swap3A_41 : vector<16xi32> to vector<16xi32>
      %swap3A_43 = vector.shape_cast %add3A_39 : vector<16xi32> to vector<16xi32>
      tpu.vector_store %arg9[%swap3A_40], %swap3A_43 {strides = array<i32>} : memref<80xi32, #tpu.memory_space<vmem>>, vector<16xi32>,
      %get3A_44 = arith.constant 32 : index
      %get3A_45 = tpu.vector_load %arg9[%get3A_44] {strides = array<i32>} : memref<80xi32, #tpu.memory_space<vmem>>, vector<16xi32>,
      %get3A_46 = vector.shape_cast %get3A_45 : vector<16xi32> to vector<16xi32>
      %add3A_47 = vector.broadcast %mul3A_0 : i32 to vector<16xi32>
      %add3A_48 = arith.addi %get3A_46, %add3A_47 : vector<16xi32>
      %swap3A_49 = arith.constant 32 : index
      %swap3A_50 = tpu.vector_load %arg9[%swap3A_49] {strides = array<i32>} : memref<80xi32, #tpu.memory_space<vmem>>, vector<16xi32>,
      %swap3A_51 = vector.shape_cast %swap3A_50 : vector<16xi32> to vector<16xi32>
      %swap3A_52 = vector.shape_cast %add3A_48 : vector<16xi32> to vector<16xi32>
      tpu.vector_store %arg9[%swap3A_49], %swap3A_52 {strides = array<i32>} : memref<80xi32, #tpu.memory_space<vmem>>, vector<16xi32>,
      %get3A_53 = arith.constant 48 : index
      %get3A_54 = tpu.vector_load %arg9[%get3A_53] {strides = array<i32>} : memref<80xi32, #tpu.memory_space<vmem>>, vector<16xi32>,
      %get3A_55 = vector.shape_cast %get3A_54 : vector<16xi32> to vector<16xi32>
      %add3A_56 = vector.broadcast %mul3A_0 : i32 to vector<16xi32>
      %add3A_57 = arith.addi %get3A_55, %add3A_56 : vector<16xi32>
      %swap3A_58 = arith.constant 48 : index
      %swap3A_59 = tpu.vector_load %arg9[%swap3A_58] {strides = array<i32>} : memref<80xi32, #tpu.memory_space<vmem>>, vector<16xi32>,
      %swap3A_60 = vector.shape_cast %swap3A_59 : vector<16xi32> to vector<16xi32>
      %swap3A_61 = vector.shape_cast %add3A_57 : vector<16xi32> to vector<16xi32>
      tpu.vector_store %arg9[%swap3A_58], %swap3A_61 {strides = array<i32>} : memref<80xi32, #tpu.memory_space<vmem>>, vector<16xi32>,
      %get3A_62 = arith.constant 64 : index
      %get3A_63 = tpu.vector_load %arg9[%get3A_62] {strides = array<i32>} : memref<80xi32, #tpu.memory_space<vmem>>, vector<16xi32>,
      %get3A_64 = vector.shape_cast %get3A_63 : vector<16xi32> to vector<16xi32>
      %add3A_65 = vector.broadcast %mul3A_0 : i32 to vector<16xi32>
      %add3A_66 = arith.addi %get3A_64, %add3A_65 : vector<16xi32>
      %swap3A_67 = arith.constant 64 : index
      %swap3A_68 = tpu.vector_load %arg9[%swap3A_67] {strides = array<i32>} : memref<80xi32, #tpu.memory_space<vmem>>, vector<16xi32>,
      %swap3A_69 = vector.shape_cast %swap3A_68 : vector<16xi32> to vector<16xi32>
      %swap3A_70 = vector.shape_cast %add3A_66 : vector<16xi32> to vector<16xi32>
      tpu.vector_store %arg9[%swap3A_67], %swap3A_70 {strides = array<i32>} : memref<80xi32, #tpu.memory_space<vmem>>, vector<16xi32>,
      %dma_start3A = arith.constant 0 : i32
      %dma_start3A_71 = arith.constant 0 : i32
      %dma_start3A_72 = tpu.memref_slice %arg4[%dma_start3A, %dma_start3A_71] : memref<100000x32xf32, #tpu.memory_space<hbm>> -> memref<100000x32xf32, #tpu.memory_space<hbm>>
      tpu.enqueue_indirect_dma source(%dma_start3A_72 : memref<100000x32xf32, #tpu.memory_space<hbm>>) target(%arg8 : memref<80x32xf32, #tpu.memory_space<vmem>>) offsets(%arg9 : memref<80xi32, #tpu.memory_space<vmem>>) semaphore(%arg11 : memref<!tpu.dma_semaphore, #tpu.memory_space<semaphore_mem>>)
      %dma_wait3A = arith.constant 0 : i32
      %dma_wait3A_73 = arith.constant 0 : i32
      %dma_wait3A_74 = tpu.memref_slice %arg4[%dma_wait3A, %dma_wait3A_73] : memref<100000x32xf32, #tpu.memory_space<hbm>> -> memref<100000x32xf32, #tpu.memory_space<hbm>>
      tpu.wait_indirect_dma semaphore(%arg11 : memref<!tpu.dma_semaphore, #tpu.memory_space<semaphore_mem>>) src(%dma_wait3A_74 : memref<100000x32xf32, #tpu.memory_space<hbm>>) dst(%arg8 : memref<80x32xf32, #tpu.memory_space<vmem>>)
      "tpu.region"() ({
        %run_scoped3A = tpu.sem_alloc : memref<!tpu.dma_semaphore, #tpu.memory_space<semaphore_mem>>
        %dma_start3A_75 = tpu.memref_slice %arg3[%add3A] : memref<800000xi32, #tpu.memory_space<hbm>> -> memref<80xi32, #tpu.memory_space<hbm>>
        %dma_start3A_76 = tpu.memref_slice %arg3[%add3A] : memref<800000xi32, #tpu.memory_space<hbm>> -> memref<80xi32, #tpu.memory_space<hbm>>
        tpu.enqueue_dma source(%dma_start3A_76 : memref<80xi32, #tpu.memory_space<hbm>>) target(%arg10 : memref<80xi32, #tpu.memory_space<vmem>>) target_semaphore(%run_scoped3A : memref<!tpu.dma_semaphore, #tpu.memory_space<semaphore_mem>>)
        %dma_wait3A_77 = tpu.memref_slice %arg3[%add3A] : memref<800000xi32, #tpu.memory_space<hbm>> -> memref<80xi32, #tpu.memory_space<hbm>>
        %dma_wait3A_78 = tpu.memref_slice %arg3[%add3A] : memref<800000xi32, #tpu.memory_space<hbm>> -> memref<80xi32, #tpu.memory_space<hbm>>
        tpu.wait_dma2 semaphore(%run_scoped3A : memref<!tpu.dma_semaphore, #tpu.memory_space<semaphore_mem>>) src(%dma_wait3A_78 : memref<80xi32, #tpu.memory_space<hbm>>) dst(%arg10 : memref<80xi32, #tpu.memory_space<vmem>>)
        tpu.yield
      }) : () -> ()
      "tpu.region"() ({
        %run_scoped3A = tpu.sem_alloc : memref<!tpu.dma_semaphore, #tpu.memory_space<semaphore_mem>>
        %dma_start3A_75 = arith.constant 0 : i32
        %dma_start3A_76 = arith.constant 0 : i32
        %dma_start3A_77 = tpu.memref_slice %arg7[%dma_start3A_75, %dma_start3A_76] : memref<50000x32xf32, #tpu.memory_space<vmem_shared>> -> memref<50000x32xf32, #tpu.memory_space<vmem_shared>>
        tpu.enqueue_indirect_dma source(%arg8 : memref<80x32xf32, #tpu.memory_space<vmem>>) target(%dma_start3A_77 : memref<50000x32xf32, #tpu.memory_space<vmem_shared>>) offsets(%arg10 : memref<80xi32, #tpu.memory_space<vmem>>) semaphore(%run_scoped3A : memref<!tpu.dma_semaphore, #tpu.memory_space<semaphore_mem>>) {add = true}
        %dma_wait3A_78 = arith.constant 0 : i32
        %dma_wait3A_79 = arith.constant 0 : i32
        %dma_wait3A_80 = tpu.memref_slice %arg7[%dma_wait3A_78, %dma_wait3A_79] : memref<50000x32xf32, #tpu.memory_space<vmem_shared>> -> memref<50000x32xf32, #tpu.memory_space<vmem_shared>>
        tpu.wait_indirect_dma semaphore(%run_scoped3A : memref<!tpu.dma_semaphore, #tpu.memory_space<semaphore_mem>>) src(%arg8 : memref<80x32xf32, #tpu.memory_space<vmem>>) dst(%dma_wait3A_80 : memref<50000x32xf32, #tpu.memory_space<vmem_shared>>)
        tpu.yield
      }) : () -> ()
    }
    %scan3A_11 = arith.constant 625 : i32
    %barrier3A_12 = arith.constant 0 : index
    tpu.barrier barrier_id(%barrier3A_12)
    %lt3A_13 = arith.constant 15 : i32
    %lt3A_14 = arith.cmpi slt, %arg1, %lt3A_13 : i32
    %convert_element_type3A_15 = arith.extui %lt3A_14 : i1 to i32
    %cond3A_16 = arith.constant 0 : i32
    %cond3A_17 = arith.cmpi ne, %convert_element_type3A_15, %cond3A_16 : i32
    scf.if %cond3A_17 {
      %mul3A_23 = arith.constant 3200 : i32
      %mul3A_24 = arith.muli %arg1, %mul3A_23 : i32
      %mul3A_25 = arith.constant 3200 : i32
      %mul3A_26 = arith.muli %arg1, %mul3A_25 : i32
      %add3A = arith.addi %mul3A_0, %mul3A_26 : i32
      "tpu.region"() ({
        %run_scoped3A = tpu.sem_alloc : memref<!tpu.dma_semaphore, #tpu.memory_space<semaphore_mem>>
        %dma_start3A = arith.constant 0 : i32
        %dma_start3A_27 = tpu.memref_slice %arg6[%add3A, %dma_start3A] : memref<100000x32xf32, #tpu.memory_space<hbm>> -> memref<3200x32xf32, #tpu.memory_space<hbm>>
        %dma_start3A_28 = arith.constant 0 : i32
        %dma_start3A_29 = tpu.memref_slice %arg7[%mul3A_24, %dma_start3A_28] : memref<50000x32xf32, #tpu.memory_space<vmem_shared>> -> memref<3200x32xf32, #tpu.memory_space<vmem_shared>>
        tpu.enqueue_dma source(%dma_start3A_29 : memref<3200x32xf32, #tpu.memory_space<vmem_shared>>) target(%dma_start3A_27 : memref<3200x32xf32, #tpu.memory_space<hbm>>) target_semaphore(%run_scoped3A : memref<!tpu.dma_semaphore, #tpu.memory_space<semaphore_mem>>)
        %dma_wait3A = arith.constant 0 : i32
        %dma_wait3A_30 = tpu.memref_slice %arg6[%add3A, %dma_wait3A] : memref<100000x32xf32, #tpu.memory_space<hbm>> -> memref<3200x32xf32, #tpu.memory_space<hbm>>
        %dma_wait3A_31 = arith.constant 0 : i32
        %dma_wait3A_32 = tpu.memref_slice %arg7[%mul3A_24, %dma_wait3A_31] : memref<50000x32xf32, #tpu.memory_space<vmem_shared>> -> memref<3200x32xf32, #tpu.memory_space<vmem_shared>>
        tpu.wait_dma2 semaphore(%run_scoped3A : memref<!tpu.dma_semaphore, #tpu.memory_space<semaphore_mem>>) src(%dma_wait3A_32 : memref<3200x32xf32, #tpu.memory_space<vmem_shared>>) dst(%dma_wait3A_30 : memref<3200x32xf32, #tpu.memory_space<hbm>>)
        tpu.yield
      }) : () -> ()
    } else {
    }
    %eq3A_18 = arith.constant 15 : i32
    %eq3A_19 = arith.cmpi eq, %arg1, %eq3A_18 : i32
    %convert_element_type3A_20 = arith.extui %eq3A_19 : i1 to i32
    %cond3A_21 = arith.constant 0 : i32
    %cond3A_22 = arith.cmpi ne, %convert_element_type3A_20, %cond3A_21 : i32
    scf.if %cond3A_22 {
      %add3A = arith.constant 48000 : i32
      %add3A_23 = arith.addi %mul3A_0, %add3A : i32
      "tpu.region"() ({
        %run_scoped3A = tpu.sem_alloc : memref<!tpu.dma_semaphore, #tpu.memory_space<semaphore_mem>>
        %dma_start3A = arith.constant 0 : i32
        %dma_start3A_24 = tpu.memref_slice %arg6[%add3A_23, %dma_start3A] : memref<100000x32xf32, #tpu.memory_space<hbm>> -> memref<2000x32xf32, #tpu.memory_space<hbm>>
        %dma_start3A_25 = arith.constant 48000 : i32
        %dma_start3A_26 = arith.constant 0 : i32
        %dma_start3A_27 = tpu.memref_slice %arg7[%dma_start3A_25, %dma_start3A_26] : memref<50000x32xf32, #tpu.memory_space<vmem_shared>> -> memref<2000x32xf32, #tpu.memory_space<vmem_shared>>
        tpu.enqueue_dma source(%dma_start3A_27 : memref<2000x32xf32, #tpu.memory_space<vmem_shared>>) target(%dma_start3A_24 : memref<2000x32xf32, #tpu.memory_space<hbm>>) target_semaphore(%run_scoped3A : memref<!tpu.dma_semaphore, #tpu.memory_space<semaphore_mem>>)
        %dma_wait3A = arith.constant 0 : i32
        %dma_wait3A_28 = tpu.memref_slice %arg6[%add3A_23, %dma_wait3A] : memref<100000x32xf32, #tpu.memory_space<hbm>> -> memref<2000x32xf32, #tpu.memory_space<hbm>>
        %dma_wait3A_29 = arith.constant 48000 : i32
        %dma_wait3A_30 = arith.constant 0 : i32
        %dma_wait3A_31 = tpu.memref_slice %arg7[%dma_wait3A_29, %dma_wait3A_30] : memref<50000x32xf32, #tpu.memory_space<vmem_shared>> -> memref<2000x32xf32, #tpu.memory_space<vmem_shared>>
        tpu.wait_dma2 semaphore(%run_scoped3A : memref<!tpu.dma_semaphore, #tpu.memory_space<semaphore_mem>>) src(%dma_wait3A_31 : memref<2000x32xf32, #tpu.memory_space<vmem_shared>>) dst(%dma_wait3A_28 : memref<2000x32xf32, #tpu.memory_space<hbm>>)
        tpu.yield
      }) : () -> ()
    } else {
    }
    return
  }
}

#map = affine_map<(d0, d1) -> (0)>
#map1 = affine_map<(d0, d1) -> (0, 0)>
module attributes {stable_mosaic.version = 14 : i64} {
  func.func @_edge_agg_sc(%arg0: i32, %arg1: i32, %arg2: memref<800000xi32, #tpu.memory_space<hbm>>, %arg3: memref<800000xi32, #tpu.memory_space<hbm>>, %arg4: memref<100000x32xf32, #tpu.memory_space<hbm>>, %arg5: memref<3200x32xf32, #tpu.memory_space<hbm>>, %arg6: memref<100000x32xf32, #tpu.memory_space<hbm>>, %arg7: memref<50000x32xf32, #tpu.memory_space<vmem_shared>>, %arg8: memref<80x32xf32, #tpu.memory_space<vmem>>, %arg9: memref<80xi32, #tpu.memory_space<vmem>>, %arg10: memref<80xi32, #tpu.memory_space<vmem>>, %arg11: memref<!tpu.dma_semaphore, #tpu.memory_space<semaphore_mem>>) attributes {dimension_semantics = [#tpu.dimension_semantics<core_parallel>, #tpu.dimension_semantics<subcore_parallel>], iteration_bounds = array<i64: 2, 16>, scalar_prefetch = 0 : i64, scratch_operands = 5 : i64, tpu.core_type = #tpu.core_type<sc_vector_subcore>, window_params = [{transform_indices = #map}, {transform_indices = #map}, {transform_indices = #map1}, {transform_indices = #map1}, {transform_indices = #map1}]} {
    %mul3A = arith.constant 50000 : i32
    %mul3A_0 = arith.muli %arg0, %mul3A : i32
    %lt3A = arith.constant 15 : i32
    %lt3A_1 = arith.cmpi slt, %arg1, %lt3A : i32
    %convert_element_type3A = arith.extui %lt3A_1 : i1 to i32
    %cond3A = arith.constant 0 : i32
    %cond3A_2 = arith.cmpi ne, %convert_element_type3A, %cond3A : i32
    scf.if %cond3A_2 {
      %mul3A_23 = arith.constant 3200 : i32
      %mul3A_24 = arith.muli %arg1, %mul3A_23 : i32
      %mul3A_25 = arith.constant 3200 : i32
      %mul3A_26 = arith.muli %arg1, %mul3A_25 : i32
      "tpu.region"() ({
        %run_scoped3A = tpu.sem_alloc : memref<!tpu.dma_semaphore, #tpu.memory_space<semaphore_mem>>
        %dma_start3A = arith.constant 0 : i32
        %dma_start3A_27 = tpu.memref_slice %arg7[%mul3A_26, %dma_start3A] : memref<50000x32xf32, #tpu.memory_space<vmem_shared>> -> memref<3200x32xf32, #tpu.memory_space<vmem_shared>>
        %dma_start3A_28 = arith.constant 0 : i32
        %dma_start3A_29 = arith.constant 0 : i32
        %dma_start3A_30 = tpu.memref_slice %arg5[%dma_start3A_28, %dma_start3A_29] : memref<3200x32xf32, #tpu.memory_space<hbm>> -> memref<3200x32xf32, #tpu.memory_space<hbm>>
        tpu.enqueue_dma source(%dma_start3A_30 : memref<3200x32xf32, #tpu.memory_space<hbm>>) target(%dma_start3A_27 : memref<3200x32xf32, #tpu.memory_space<vmem_shared>>) target_semaphore(%run_scoped3A : memref<!tpu.dma_semaphore, #tpu.memory_space<semaphore_mem>>)
        %dma_wait3A = arith.constant 0 : i32
        %dma_wait3A_31 = tpu.memref_slice %arg7[%mul3A_26, %dma_wait3A] : memref<50000x32xf32, #tpu.memory_space<vmem_shared>> -> memref<3200x32xf32, #tpu.memory_space<vmem_shared>>
        %dma_wait3A_32 = arith.constant 0 : i32
        %dma_wait3A_33 = arith.constant 0 : i32
        %dma_wait3A_34 = tpu.memref_slice %arg5[%dma_wait3A_32, %dma_wait3A_33] : memref<3200x32xf32, #tpu.memory_space<hbm>> -> memref<3200x32xf32, #tpu.memory_space<hbm>>
        tpu.wait_dma2 semaphore(%run_scoped3A : memref<!tpu.dma_semaphore, #tpu.memory_space<semaphore_mem>>) src(%dma_wait3A_34 : memref<3200x32xf32, #tpu.memory_space<hbm>>) dst(%dma_wait3A_31 : memref<3200x32xf32, #tpu.memory_space<vmem_shared>>)
        tpu.yield
      }) : () -> ()
    } else {
    }
    %eq3A = arith.constant 15 : i32
    %eq3A_3 = arith.cmpi eq, %arg1, %eq3A : i32
    %convert_element_type3A_4 = arith.extui %eq3A_3 : i1 to i32
    %cond3A_5 = arith.constant 0 : i32
    %cond3A_6 = arith.cmpi ne, %convert_element_type3A_4, %cond3A_5 : i32
    scf.if %cond3A_6 {
      "tpu.region"() ({
        %run_scoped3A = tpu.sem_alloc : memref<!tpu.dma_semaphore, #tpu.memory_space<semaphore_mem>>
        %dma_start3A = arith.constant 48000 : i32
        %dma_start3A_23 = arith.constant 0 : i32
        %dma_start3A_24 = tpu.memref_slice %arg7[%dma_start3A, %dma_start3A_23] : memref<50000x32xf32, #tpu.memory_space<vmem_shared>> -> memref<2000x32xf32, #tpu.memory_space<vmem_shared>>
        %dma_start3A_25 = arith.constant 0 : i32
        %dma_start3A_26 = arith.constant 0 : i32
        %dma_start3A_27 = tpu.memref_slice %arg5[%dma_start3A_25, %dma_start3A_26] : memref<3200x32xf32, #tpu.memory_space<hbm>> -> memref<2000x32xf32, #tpu.memory_space<hbm>>
        tpu.enqueue_dma source(%dma_start3A_27 : memref<2000x32xf32, #tpu.memory_space<hbm>>) target(%dma_start3A_24 : memref<2000x32xf32, #tpu.memory_space<vmem_shared>>) target_semaphore(%run_scoped3A : memref<!tpu.dma_semaphore, #tpu.memory_space<semaphore_mem>>)
        %dma_wait3A = arith.constant 48000 : i32
        %dma_wait3A_28 = arith.constant 0 : i32
        %dma_wait3A_29 = tpu.memref_slice %arg7[%dma_wait3A, %dma_wait3A_28] : memref<50000x32xf32, #tpu.memory_space<vmem_shared>> -> memref<2000x32xf32, #tpu.memory_space<vmem_shared>>
        %dma_wait3A_30 = arith.constant 0 : i32
        %dma_wait3A_31 = arith.constant 0 : i32
        %dma_wait3A_32 = tpu.memref_slice %arg5[%dma_wait3A_30, %dma_wait3A_31] : memref<3200x32xf32, #tpu.memory_space<hbm>> -> memref<2000x32xf32, #tpu.memory_space<hbm>>
        tpu.wait_dma2 semaphore(%run_scoped3A : memref<!tpu.dma_semaphore, #tpu.memory_space<semaphore_mem>>) src(%dma_wait3A_32 : memref<2000x32xf32, #tpu.memory_space<hbm>>) dst(%dma_wait3A_29 : memref<2000x32xf32, #tpu.memory_space<vmem_shared>>)
        tpu.yield
      }) : () -> ()
    } else {
    }
    %barrier3A = arith.constant 0 : index
    tpu.barrier barrier_id(%barrier3A)
    %scan3A = arith.constant 0 : i32
    %scan3A_7 = arith.constant 0 : i32
    %scan3A_8 = arith.constant 625 : i32
    %scan3A_9 = arith.addi %scan3A_7, %scan3A_8 : i32
    %scan3A_10 = arith.constant 1 : i32
    scf.for %scan3A_23 = %scan3A_7 to %scan3A_9 step %scan3A_10  : i32 {
      %mul3A_24 = arith.constant 50000 : i32
      %mul3A_25 = arith.muli %arg1, %mul3A_24 : i32
      %mul3A_26 = arith.constant 80 : i32
      %mul3A_27 = arith.muli %scan3A_23, %mul3A_26 : i32
      %add3A = arith.addi %mul3A_25, %mul3A_27 : i32
      "tpu.region"() ({
        %run_scoped3A = tpu.sem_alloc : memref<!tpu.dma_semaphore, #tpu.memory_space<semaphore_mem>>
        %dma_start3A_75 = tpu.memref_slice %arg2[%add3A] : memref<800000xi32, #tpu.memory_space<hbm>> -> memref<80xi32, #tpu.memory_space<hbm>>
        %dma_start3A_76 = tpu.memref_slice %arg2[%add3A] : memref<800000xi32, #tpu.memory_space<hbm>> -> memref<80xi32, #tpu.memory_space<hbm>>
        tpu.enqueue_dma source(%dma_start3A_76 : memref<80xi32, #tpu.memory_space<hbm>>) target(%arg9 : memref<80xi32, #tpu.memory_space<vmem>>) target_semaphore(%run_scoped3A : memref<!tpu.dma_semaphore, #tpu.memory_space<semaphore_mem>>)
        %dma_wait3A_77 = tpu.memref_slice %arg2[%add3A] : memref<800000xi32, #tpu.memory_space<hbm>> -> memref<80xi32, #tpu.memory_space<hbm>>
        %dma_wait3A_78 = tpu.memref_slice %arg2[%add3A] : memref<800000xi32, #tpu.memory_space<hbm>> -> memref<80xi32, #tpu.memory_space<hbm>>
        tpu.wait_dma2 semaphore(%run_scoped3A : memref<!tpu.dma_semaphore, #tpu.memory_space<semaphore_mem>>) src(%dma_wait3A_78 : memref<80xi32, #tpu.memory_space<hbm>>) dst(%arg9 : memref<80xi32, #tpu.memory_space<vmem>>)
        tpu.yield
      }) : () -> ()
      %get3A = arith.constant 0 : index
      %get3A_28 = tpu.vector_load %arg9[%get3A] {strides = array<i32>} : memref<80xi32, #tpu.memory_space<vmem>>, vector<16xi32>,
      %get3A_29 = vector.shape_cast %get3A_28 : vector<16xi32> to vector<16xi32>
      %add3A_30 = vector.broadcast %mul3A_0 : i32 to vector<16xi32>
      %add3A_31 = arith.addi %get3A_29, %add3A_30 : vector<16xi32>
      %swap3A = arith.constant 0 : index
      %swap3A_32 = tpu.vector_load %arg9[%swap3A] {strides = array<i32>} : memref<80xi32, #tpu.memory_space<vmem>>, vector<16xi32>,
      %swap3A_33 = vector.shape_cast %swap3A_32 : vector<16xi32> to vector<16xi32>
      %swap3A_34 = vector.shape_cast %add3A_31 : vector<16xi32> to vector<16xi32>
      tpu.vector_store %arg9[%swap3A], %swap3A_34 {strides = array<i32>} : memref<80xi32, #tpu.memory_space<vmem>>, vector<16xi32>,
      %get3A_35 = arith.constant 16 : index
      %get3A_36 = tpu.vector_load %arg9[%get3A_35] {strides = array<i32>} : memref<80xi32, #tpu.memory_space<vmem>>, vector<16xi32>,
      %get3A_37 = vector.shape_cast %get3A_36 : vector<16xi32> to vector<16xi32>
      %add3A_38 = vector.broadcast %mul3A_0 : i32 to vector<16xi32>
      %add3A_39 = arith.addi %get3A_37, %add3A_38 : vector<16xi32>
      %swap3A_40 = arith.constant 16 : index
      %swap3A_41 = tpu.vector_load %arg9[%swap3A_40] {strides = array<i32>} : memref<80xi32, #tpu.memory_space<vmem>>, vector<16xi32>,
      %swap3A_42 = vector.shape_cast %swap3A_41 : vector<16xi32> to vector<16xi32>
      %swap3A_43 = vector.shape_cast %add3A_39 : vector<16xi32> to vector<16xi32>
      tpu.vector_store %arg9[%swap3A_40], %swap3A_43 {strides = array<i32>} : memref<80xi32, #tpu.memory_space<vmem>>, vector<16xi32>,
      %get3A_44 = arith.constant 32 : index
      %get3A_45 = tpu.vector_load %arg9[%get3A_44] {strides = array<i32>} : memref<80xi32, #tpu.memory_space<vmem>>, vector<16xi32>,
      %get3A_46 = vector.shape_cast %get3A_45 : vector<16xi32> to vector<16xi32>
      %add3A_47 = vector.broadcast %mul3A_0 : i32 to vector<16xi32>
      %add3A_48 = arith.addi %get3A_46, %add3A_47 : vector<16xi32>
      %swap3A_49 = arith.constant 32 : index
      %swap3A_50 = tpu.vector_load %arg9[%swap3A_49] {strides = array<i32>} : memref<80xi32, #tpu.memory_space<vmem>>, vector<16xi32>,
      %swap3A_51 = vector.shape_cast %swap3A_50 : vector<16xi32> to vector<16xi32>
      %swap3A_52 = vector.shape_cast %add3A_48 : vector<16xi32> to vector<16xi32>
      tpu.vector_store %arg9[%swap3A_49], %swap3A_52 {strides = array<i32>} : memref<80xi32, #tpu.memory_space<vmem>>, vector<16xi32>,
      %get3A_53 = arith.constant 48 : index
      %get3A_54 = tpu.vector_load %arg9[%get3A_53] {strides = array<i32>} : memref<80xi32, #tpu.memory_space<vmem>>, vector<16xi32>,
      %get3A_55 = vector.shape_cast %get3A_54 : vector<16xi32> to vector<16xi32>
      %add3A_56 = vector.broadcast %mul3A_0 : i32 to vector<16xi32>
      %add3A_57 = arith.addi %get3A_55, %add3A_56 : vector<16xi32>
      %swap3A_58 = arith.constant 48 : index
      %swap3A_59 = tpu.vector_load %arg9[%swap3A_58] {strides = array<i32>} : memref<80xi32, #tpu.memory_space<vmem>>, vector<16xi32>,
      %swap3A_60 = vector.shape_cast %swap3A_59 : vector<16xi32> to vector<16xi32>
      %swap3A_61 = vector.shape_cast %add3A_57 : vector<16xi32> to vector<16xi32>
      tpu.vector_store %arg9[%swap3A_58], %swap3A_61 {strides = array<i32>} : memref<80xi32, #tpu.memory_space<vmem>>, vector<16xi32>,
      %get3A_62 = arith.constant 64 : index
      %get3A_63 = tpu.vector_load %arg9[%get3A_62] {strides = array<i32>} : memref<80xi32, #tpu.memory_space<vmem>>, vector<16xi32>,
      %get3A_64 = vector.shape_cast %get3A_63 : vector<16xi32> to vector<16xi32>
      %add3A_65 = vector.broadcast %mul3A_0 : i32 to vector<16xi32>
      %add3A_66 = arith.addi %get3A_64, %add3A_65 : vector<16xi32>
      %swap3A_67 = arith.constant 64 : index
      %swap3A_68 = tpu.vector_load %arg9[%swap3A_67] {strides = array<i32>} : memref<80xi32, #tpu.memory_space<vmem>>, vector<16xi32>,
      %swap3A_69 = vector.shape_cast %swap3A_68 : vector<16xi32> to vector<16xi32>
      %swap3A_70 = vector.shape_cast %add3A_66 : vector<16xi32> to vector<16xi32>
      tpu.vector_store %arg9[%swap3A_67], %swap3A_70 {strides = array<i32>} : memref<80xi32, #tpu.memory_space<vmem>>, vector<16xi32>,
      %dma_start3A = arith.constant 0 : i32
      %dma_start3A_71 = arith.constant 0 : i32
      %dma_start3A_72 = tpu.memref_slice %arg4[%dma_start3A, %dma_start3A_71] : memref<100000x32xf32, #tpu.memory_space<hbm>> -> memref<100000x32xf32, #tpu.memory_space<hbm>>
      tpu.enqueue_indirect_dma source(%dma_start3A_72 : memref<100000x32xf32, #tpu.memory_space<hbm>>) target(%arg8 : memref<80x32xf32, #tpu.memory_space<vmem>>) offsets(%arg9 : memref<80xi32, #tpu.memory_space<vmem>>) semaphore(%arg11 : memref<!tpu.dma_semaphore, #tpu.memory_space<semaphore_mem>>)
      %dma_wait3A = arith.constant 0 : i32
      %dma_wait3A_73 = arith.constant 0 : i32
      %dma_wait3A_74 = tpu.memref_slice %arg4[%dma_wait3A, %dma_wait3A_73] : memref<100000x32xf32, #tpu.memory_space<hbm>> -> memref<100000x32xf32, #tpu.memory_space<hbm>>
      tpu.wait_indirect_dma semaphore(%arg11 : memref<!tpu.dma_semaphore, #tpu.memory_space<semaphore_mem>>) src(%dma_wait3A_74 : memref<100000x32xf32, #tpu.memory_space<hbm>>) dst(%arg8 : memref<80x32xf32, #tpu.memory_space<vmem>>)
      "tpu.region"() ({
        %run_scoped3A = tpu.sem_alloc : memref<!tpu.dma_semaphore, #tpu.memory_space<semaphore_mem>>
        %dma_start3A_75 = tpu.memref_slice %arg3[%add3A] : memref<800000xi32, #tpu.memory_space<hbm>> -> memref<80xi32, #tpu.memory_space<hbm>>
        %dma_start3A_76 = tpu.memref_slice %arg3[%add3A] : memref<800000xi32, #tpu.memory_space<hbm>> -> memref<80xi32, #tpu.memory_space<hbm>>
        tpu.enqueue_dma source(%dma_start3A_76 : memref<80xi32, #tpu.memory_space<hbm>>) target(%arg10 : memref<80xi32, #tpu.memory_space<vmem>>) target_semaphore(%run_scoped3A : memref<!tpu.dma_semaphore, #tpu.memory_space<semaphore_mem>>)
        %dma_wait3A_77 = tpu.memref_slice %arg3[%add3A] : memref<800000xi32, #tpu.memory_space<hbm>> -> memref<80xi32, #tpu.memory_space<hbm>>
        %dma_wait3A_78 = tpu.memref_slice %arg3[%add3A] : memref<800000xi32, #tpu.memory_space<hbm>> -> memref<80xi32, #tpu.memory_space<hbm>>
        tpu.wait_dma2 semaphore(%run_scoped3A : memref<!tpu.dma_semaphore, #tpu.memory_space<semaphore_mem>>) src(%dma_wait3A_78 : memref<80xi32, #tpu.memory_space<hbm>>) dst(%arg10 : memref<80xi32, #tpu.memory_space<vmem>>)
        tpu.yield
      }) : () -> ()
      "tpu.region"() ({
        %run_scoped3A = tpu.sem_alloc : memref<!tpu.dma_semaphore, #tpu.memory_space<semaphore_mem>>
        %dma_start3A_75 = arith.constant 0 : i32
        %dma_start3A_76 = arith.constant 0 : i32
        %dma_start3A_77 = tpu.memref_slice %arg7[%dma_start3A_75, %dma_start3A_76] : memref<50000x32xf32, #tpu.memory_space<vmem_shared>> -> memref<50000x32xf32, #tpu.memory_space<vmem_shared>>
        tpu.enqueue_indirect_dma source(%arg8 : memref<80x32xf32, #tpu.memory_space<vmem>>) target(%dma_start3A_77 : memref<50000x32xf32, #tpu.memory_space<vmem_shared>>) offsets(%arg10 : memref<80xi32, #tpu.memory_space<vmem>>) semaphore(%run_scoped3A : memref<!tpu.dma_semaphore, #tpu.memory_space<semaphore_mem>>) {add = true}
        %dma_wait3A_78 = arith.constant 0 : i32
        %dma_wait3A_79 = arith.constant 0 : i32
        %dma_wait3A_80 = tpu.memref_slice %arg7[%dma_wait3A_78, %dma_wait3A_79] : memref<50000x32xf32, #tpu.memory_space<vmem_shared>> -> memref<50000x32xf32, #tpu.memory_space<vmem_shared>>
        tpu.wait_indirect_dma semaphore(%run_scoped3A : memref<!tpu.dma_semaphore, #tpu.memory_space<semaphore_mem>>) src(%arg8 : memref<80x32xf32, #tpu.memory_space<vmem>>) dst(%dma_wait3A_80 : memref<50000x32xf32, #tpu.memory_space<vmem_shared>>)
        tpu.yield
      }) : () -> ()
    }
    %scan3A_11 = arith.constant 625 : i32
    %barrier3A_12 = arith.constant 0 : index
    tpu.barrier barrier_id(%barrier3A_12)
    %lt3A_13 = arith.constant 15 : i32
    %lt3A_14 = arith.cmpi slt, %arg1, %lt3A_13 : i32
    %convert_element_type3A_15 = arith.extui %lt3A_14 : i1 to i32
    %cond3A_16 = arith.constant 0 : i32
    %cond3A_17 = arith.cmpi ne, %convert_element_type3A_15, %cond3A_16 : i32
    scf.if %cond3A_17 {
      %mul3A_23 = arith.constant 3200 : i32
      %mul3A_24 = arith.muli %arg1, %mul3A_23 : i32
      %mul3A_25 = arith.constant 3200 : i32
      %mul3A_26 = arith.muli %arg1, %mul3A_25 : i32
      %add3A = arith.addi %mul3A_0, %mul3A_26 : i32
      "tpu.region"() ({
        %run_scoped3A = tpu.sem_alloc : memref<!tpu.dma_semaphore, #tpu.memory_space<semaphore_mem>>
        %dma_start3A = arith.constant 0 : i32
        %dma_start3A_27 = tpu.memref_slice %arg6[%add3A, %dma_start3A] : memref<100000x32xf32, #tpu.memory_space<hbm>> -> memref<3200x32xf32, #tpu.memory_space<hbm>>
        %dma_start3A_28 = arith.constant 0 : i32
        %dma_start3A_29 = tpu.memref_slice %arg7[%mul3A_24, %dma_start3A_28] : memref<50000x32xf32, #tpu.memory_space<vmem_shared>> -> memref<3200x32xf32, #tpu.memory_space<vmem_shared>>
        tpu.enqueue_dma source(%dma_start3A_29 : memref<3200x32xf32, #tpu.memory_space<vmem_shared>>) target(%dma_start3A_27 : memref<3200x32xf32, #tpu.memory_space<hbm>>) target_semaphore(%run_scoped3A : memref<!tpu.dma_semaphore, #tpu.memory_space<semaphore_mem>>)
        %dma_wait3A = arith.constant 0 : i32
        %dma_wait3A_30 = tpu.memref_slice %arg6[%add3A, %dma_wait3A] : memref<100000x32xf32, #tpu.memory_space<hbm>> -> memref<3200x32xf32, #tpu.memory_space<hbm>>
        %dma_wait3A_31 = arith.constant 0 : i32
        %dma_wait3A_32 = tpu.memref_slice %arg7[%mul3A_24, %dma_wait3A_31] : memref<50000x32xf32, #tpu.memory_space<vmem_shared>> -> memref<3200x32xf32, #tpu.memory_space<vmem_shared>>
        tpu.wait_dma2 semaphore(%run_scoped3A : memref<!tpu.dma_semaphore, #tpu.memory_space<semaphore_mem>>) src(%dma_wait3A_32 : memref<3200x32xf32, #tpu.memory_space<vmem_shared>>) dst(%dma_wait3A_30 : memref<3200x32xf32, #tpu.memory_space<hbm>>)
        tpu.yield
      }) : () -> ()
    } else {
    }
    %eq3A_18 = arith.constant 15 : i32
    %eq3A_19 = arith.cmpi eq, %arg1, %eq3A_18 : i32
    %convert_element_type3A_20 = arith.extui %eq3A_19 : i1 to i32
    %cond3A_21 = arith.constant 0 : i32
    %cond3A_22 = arith.cmpi ne, %convert_element_type3A_20, %cond3A_21 : i32
    scf.if %cond3A_22 {
      %add3A = arith.constant 48000 : i32
      %add3A_23 = arith.addi %mul3A_0, %add3A : i32
      "tpu.region"() ({
        %run_scoped3A = tpu.sem_alloc : memref<!tpu.dma_semaphore, #tpu.memory_space<semaphore_mem>>
        %dma_start3A = arith.constant 0 : i32
        %dma_start3A_24 = tpu.memref_slice %arg6[%add3A_23, %dma_start3A] : memref<100000x32xf32, #tpu.memory_space<hbm>> -> memref<2000x32xf32, #tpu.memory_space<hbm>>
        %dma_start3A_25 = arith.constant 48000 : i32
        %dma_start3A_26 = arith.constant 0 : i32
        %dma_start3A_27 = tpu.memref_slice %arg7[%dma_start3A_25, %dma_start3A_26] : memref<50000x32xf32, #tpu.memory_space<vmem_shared>> -> memref<2000x32xf32, #tpu.memory_space<vmem_shared>>
        tpu.enqueue_dma source(%dma_start3A_27 : memref<2000x32xf32, #tpu.memory_space<vmem_shared>>) target(%dma_start3A_24 : memref<2000x32xf32, #tpu.memory_space<hbm>>) target_semaphore(%run_scoped3A : memref<!tpu.dma_semaphore, #tpu.memory_space<semaphore_mem>>)
        %dma_wait3A = arith.constant 0 : i32
        %dma_wait3A_28 = tpu.memref_slice %arg6[%add3A_23, %dma_wait3A] : memref<100000x32xf32, #tpu.memory_space<hbm>> -> memref<2000x32xf32, #tpu.memory_space<hbm>>
        %dma_wait3A_29 = arith.constant 48000 : i32
        %dma_wait3A_30 = arith.constant 0 : i32
        %dma_wait3A_31 = tpu.memref_slice %arg7[%dma_wait3A_29, %dma_wait3A_30] : memref<50000x32xf32, #tpu.memory_space<vmem_shared>> -> memref<2000x32xf32, #tpu.memory_space<vmem_shared>>
        tpu.wait_dma2 semaphore(%run_scoped3A : memref<!tpu.dma_semaphore, #tpu.memory_space<semaphore_mem>>) src(%dma_wait3A_31 : memref<2000x32xf32, #tpu.memory_space<vmem_shared>>) dst(%dma_wait3A_28 : memref<2000x32xf32, #tpu.memory_space<hbm>>)
        tpu.yield
      }) : () -> ()
    } else {
    }
    return
  }
}

module attributes {stable_mosaic.version = 14 : i64} {
  func.func @_table_body(%arg0: i32, %arg1: memref<128x32xf32, #tpu.memory_space<vmem>>, %arg2: memref<32x64xf32, #tpu.memory_space<vmem>>, %arg3: memref<128x64xf32, #tpu.memory_space<vmem>>) attributes {dimension_semantics = [#tpu.dimension_semantics<arbitrary>], iteration_bounds = array<i64: 5>, scalar_prefetch = 0 : i64, scratch_operands = 0 : i64, tpu.core_type = #tpu.core_type<tc>, window_params = [{transform_indices = @transform_0, window_bounds = array<i64: 128, 32>}, {transform_indices = @transform_1, window_bounds = array<i64: 32, 64>}, {transform_indices = @transform_2, window_bounds = array<i64: 128, 64>}]} {
    %get3A = arith.constant 0 : index
    %get3A_0 = arith.constant 0 : index
    %get3A_1 = vector.load %arg1[%get3A, %get3A_0] : memref<128x32xf32, #tpu.memory_space<vmem>>, vector<128x32xf32>
    %get3A_2 = arith.constant 0 : index
    %get3A_3 = arith.constant 0 : index
    %get3A_4 = vector.load %arg2[%get3A_2, %get3A_3] : memref<32x64xf32, #tpu.memory_space<vmem>>, vector<32x64xf32>
    %convert_element_type3A = arith.truncf %get3A_1 : vector<128x32xf32> to vector<128x32xbf16>
    %convert_element_type3A_5 = arith.truncf %get3A_4 : vector<32x64xf32> to vector<32x64xbf16>
    %dot_general3A = arith.constant dense<0.000000e+00> : vector<128x64xf32>
    %dot_general3A_6 = tpu.matmul %convert_element_type3A, %convert_element_type3A_5, %dot_general3A {dimension_numbers = #tpu.dot_dimension_numbers<[1], [0], [0], [1], [0, 0, 1, 1], [], []>, transpose_lhs_hint = false} : vector<128x32xbf16>, vector<32x64xbf16>, vector<128x64xf32> -> vector<128x64xf32>
    %swap3A = arith.constant 0 : index
    %swap3A_7 = arith.constant 0 : index
    %swap3A_8 = vector.load %arg3[%swap3A, %swap3A_7] : memref<128x64xf32, #tpu.memory_space<vmem>>, vector<128x64xf32>
    tpu.vector_store %arg3[%swap3A, %swap3A_7], %dot_general3A_6 {strides = array<i32>} : memref<128x64xf32, #tpu.memory_space<vmem>>, vector<128x64xf32>,
    return
  }
  func.func @transform_0(%arg0: i32) -> (i32, i32) {
    %c0_i32 = arith.constant 0 : i32
    %c0_i32_0 = arith.constant 0 : i32
    return %arg0, %c0_i32 : i32, i32
  }
  func.func @transform_1(%arg0: i32) -> (i32, i32) {
    %c0_i32 = arith.constant 0 : i32
    %c0_i32_0 = arith.constant 0 : i32
    return %arg0, %c0_i32 : i32, i32
  }
  func.func @transform_2(%arg0: i32) -> (i32, i32) {
    %c0_i32 = arith.constant 0 : i32
    %c0_i32_0 = arith.constant 0 : i32
    return %arg0, %c0_i32 : i32, i32
  }
}

module attributes {stable_mosaic.version = 14 : i64} {
  func.func @_embed_body(%arg0: i32, %arg1: memref<2000x5xi32, #tpu.memory_space<vmem>>, %arg2: memref<640x64xf32, #tpu.memory_space<vmem>>, %arg3: memref<1x64xf32, #tpu.memory_space<vmem>>, %arg4: memref<2000x64xf32, #tpu.memory_space<vmem>>) attributes {dimension_semantics = [#tpu.dimension_semantics<arbitrary>], iteration_bounds = array<i64: 25>, scalar_prefetch = 0 : i64, scratch_operands = 0 : i64, tpu.core_type = #tpu.core_type<tc>, window_params = [{transform_indices = @transform_0, window_bounds = array<i64: 2000, 5>}, {pipeline_mode = #tpu.pipeline_mode<synchronous>, transform_indices = @transform_1, window_bounds = array<i64: 640, 64>}, {pipeline_mode = #tpu.pipeline_mode<synchronous>, transform_indices = @transform_2, window_bounds = array<i64: 1, 64>}, {transform_indices = @transform_3, window_bounds = array<i64: 2000, 64>}]} {
    %get3A = arith.constant 0 : index
    %get3A_0 = arith.constant 0 : index
    %get3A_1 = vector.load %arg1[%get3A, %get3A_0] : memref<2000x5xi32, #tpu.memory_space<vmem>>, vector<2000x5xi32>
    %iota3A = tpu.iota {dimensions = array<i32: 1>} : vector<2000x640xi32>
    %broadcast_in_dim3A = arith.constant 0.000000e+00 : f32
    %broadcast_in_dim3A_2 = vector.broadcast %broadcast_in_dim3A : f32 to vector<2000x640xf32>
    %slice3A = vector.extract_strided_slice %get3A_1 {offsets = [0, 0], sizes = [2000, 1], strides = [1, 1]} : vector<2000x5xi32> to vector<2000x1xi32>
    %jit3A = arith.constant 0 : i32
    %jit3A_3 = arith.constant 118 : i32
    %max3A = vector.broadcast %jit3A : i32 to vector<2000x1xi32>
    %max3A_4 = arith.maxsi %max3A, %slice3A : vector<2000x1xi32>
    %min3A = vector.broadcast %jit3A_3 : i32 to vector<2000x1xi32>
    %min3A_5 = arith.minsi %min3A, %max3A_4 : vector<2000x1xi32>
    %add3A = arith.constant 0 : i32
    %add3A_6 = vector.broadcast %add3A : i32 to vector<2000x1xi32>
    %add3A_7 = arith.addi %min3A_5, %add3A_6 : vector<2000x1xi32>
    %eq3A = vector.broadcast %add3A_7 : vector<2000x1xi32> to vector<2000x640xi32>
    %eq3A_8 = arith.cmpi eq, %iota3A, %eq3A : vector<2000x640xi32>
    %convert_element_type3A = arith.extui %eq3A_8 : vector<2000x640xi1> to vector<2000x640xi32>
    %convert_element_type3A_9 = arith.sitofp %convert_element_type3A : vector<2000x640xi32> to vector<2000x640xf32>
    %add3A_10 = arith.addf %broadcast_in_dim3A_2, %convert_element_type3A_9 : vector<2000x640xf32>
    %slice3A_11 = vector.extract_strided_slice %get3A_1 {offsets = [0, 1], sizes = [2000, 1], strides = [1, 1]} : vector<2000x5xi32> to vector<2000x1xi32>
    %jit3A_12 = arith.constant 0 : i32
    %jit3A_13 = arith.constant 11 : i32
    %max3A_14 = vector.broadcast %jit3A_12 : i32 to vector<2000x1xi32>
    %max3A_15 = arith.maxsi %max3A_14, %slice3A_11 : vector<2000x1xi32>
    %min3A_16 = vector.broadcast %jit3A_13 : i32 to vector<2000x1xi32>
    %min3A_17 = arith.minsi %min3A_16, %max3A_15 : vector<2000x1xi32>
    %add3A_18 = arith.constant 128 : i32
    %add3A_19 = vector.broadcast %add3A_18 : i32 to vector<2000x1xi32>
    %add3A_20 = arith.addi %min3A_17, %add3A_19 : vector<2000x1xi32>
    %eq3A_21 = vector.broadcast %add3A_20 : vector<2000x1xi32> to vector<2000x640xi32>
    %eq3A_22 = arith.cmpi eq, %iota3A, %eq3A_21 : vector<2000x640xi32>
    %convert_element_type3A_23 = arith.extui %eq3A_22 : vector<2000x640xi1> to vector<2000x640xi32>
    %convert_element_type3A_24 = arith.sitofp %convert_element_type3A_23 : vector<2000x640xi32> to vector<2000x640xf32>
    %add3A_25 = arith.addf %add3A_10, %convert_element_type3A_24 : vector<2000x640xf32>
    %slice3A_26 = vector.extract_strided_slice %get3A_1 {offsets = [0, 2], sizes = [2000, 1], strides = [1, 1]} : vector<2000x5xi32> to vector<2000x1xi32>
    %jit3A_27 = arith.constant 0 : i32
    %jit3A_28 = arith.constant 11 : i32
    %max3A_29 = vector.broadcast %jit3A_27 : i32 to vector<2000x1xi32>
    %max3A_30 = arith.maxsi %max3A_29, %slice3A_26 : vector<2000x1xi32>
    %min3A_31 = vector.broadcast %jit3A_28 : i32 to vector<2000x1xi32>
    %min3A_32 = arith.minsi %min3A_31, %max3A_30 : vector<2000x1xi32>
    %add3A_33 = arith.constant 256 : i32
    %add3A_34 = vector.broadcast %add3A_33 : i32 to vector<2000x1xi32>
    %add3A_35 = arith.addi %min3A_32, %add3A_34 : vector<2000x1xi32>
    %eq3A_36 = vector.broadcast %add3A_35 : vector<2000x1xi32> to vector<2000x640xi32>
    %eq3A_37 = arith.cmpi eq, %iota3A, %eq3A_36 : vector<2000x640xi32>
    %convert_element_type3A_38 = arith.extui %eq3A_37 : vector<2000x640xi1> to vector<2000x640xi32>
    %convert_element_type3A_39 = arith.sitofp %convert_element_type3A_38 : vector<2000x640xi32> to vector<2000x640xf32>
    %add3A_40 = arith.addf %add3A_25, %convert_element_type3A_39 : vector<2000x640xf32>
    %slice3A_41 = vector.extract_strided_slice %get3A_1 {offsets = [0, 3], sizes = [2000, 1], strides = [1, 1]} : vector<2000x5xi32> to vector<2000x1xi32>
    %jit3A_42 = arith.constant 0 : i32
    %jit3A_43 = arith.constant 8 : i32
    %max3A_44 = vector.broadcast %jit3A_42 : i32 to vector<2000x1xi32>
    %max3A_45 = arith.maxsi %max3A_44, %slice3A_41 : vector<2000x1xi32>
    %min3A_46 = vector.broadcast %jit3A_43 : i32 to vector<2000x1xi32>
    %min3A_47 = arith.minsi %min3A_46, %max3A_45 : vector<2000x1xi32>
    %add3A_48 = arith.constant 384 : i32
    %add3A_49 = vector.broadcast %add3A_48 : i32 to vector<2000x1xi32>
    %add3A_50 = arith.addi %min3A_47, %add3A_49 : vector<2000x1xi32>
    %eq3A_51 = vector.broadcast %add3A_50 : vector<2000x1xi32> to vector<2000x640xi32>
    %eq3A_52 = arith.cmpi eq, %iota3A, %eq3A_51 : vector<2000x640xi32>
    %convert_element_type3A_53 = arith.extui %eq3A_52 : vector<2000x640xi1> to vector<2000x640xi32>
    %convert_element_type3A_54 = arith.sitofp %convert_element_type3A_53 : vector<2000x640xi32> to vector<2000x640xf32>
    %add3A_55 = arith.addf %add3A_40, %convert_element_type3A_54 : vector<2000x640xf32>
    %slice3A_56 = vector.extract_strided_slice %get3A_1 {offsets = [0, 4], sizes = [2000, 1], strides = [1, 1]} : vector<2000x5xi32> to vector<2000x1xi32>
    %jit3A_57 = arith.constant 0 : i32
    %jit3A_58 = arith.constant 1 : i32
    %max3A_59 = vector.broadcast %jit3A_57 : i32 to vector<2000x1xi32>
    %max3A_60 = arith.maxsi %max3A_59, %slice3A_56 : vector<2000x1xi32>
    %min3A_61 = vector.broadcast %jit3A_58 : i32 to vector<2000x1xi32>
    %min3A_62 = arith.minsi %min3A_61, %max3A_60 : vector<2000x1xi32>
    %add3A_63 = arith.constant 512 : i32
    %add3A_64 = vector.broadcast %add3A_63 : i32 to vector<2000x1xi32>
    %add3A_65 = arith.addi %min3A_62, %add3A_64 : vector<2000x1xi32>
    %eq3A_66 = vector.broadcast %add3A_65 : vector<2000x1xi32> to vector<2000x640xi32>
    %eq3A_67 = arith.cmpi eq, %iota3A, %eq3A_66 : vector<2000x640xi32>
    %convert_element_type3A_68 = arith.extui %eq3A_67 : vector<2000x640xi1> to vector<2000x640xi32>
    %convert_element_type3A_69 = arith.sitofp %convert_element_type3A_68 : vector<2000x640xi32> to vector<2000x640xf32>
    %add3A_70 = arith.addf %add3A_55, %convert_element_type3A_69 : vector<2000x640xf32>
    %get3A_71 = arith.constant 0 : index
    %get3A_72 = arith.constant 0 : index
    %get3A_73 = vector.load %arg2[%get3A_71, %get3A_72] : memref<640x64xf32, #tpu.memory_space<vmem>>, vector<640x64xf32>
    %dot_general3A = arith.constant dense<0.000000e+00> : vector<2000x64xf32>
    %dot_general3A_74 = tpu.matmul %add3A_70, %get3A_73, %dot_general3A {dimension_numbers = #tpu.dot_dimension_numbers<[1], [0], [0], [1], [0, 0, 1, 1], [], []>, precision = #tpu.contract_precision<fp32>, transpose_lhs_hint = false} : vector<2000x640xf32>, vector<640x64xf32>, vector<2000x64xf32> -> vector<2000x64xf32>
    %get3A_75 = arith.constant 0 : index
    %get3A_76 = arith.constant 0 : index
    %get3A_77 = vector.load %arg3[%get3A_75, %get3A_76] : memref<1x64xf32, #tpu.memory_space<vmem>>, vector<1x64xf32>
    %add3A_78 = vector.broadcast %get3A_77 : vector<1x64xf32> to vector<2000x64xf32>
    %add3A_79 = arith.addf %dot_general3A_74, %add3A_78 : vector<2000x64xf32>
    %swap3A = arith.constant 0 : index
    %swap3A_80 = arith.constant 0 : index
    %swap3A_81 = vector.load %arg4[%swap3A, %swap3A_80] : memref<2000x64xf32, #tpu.memory_space<vmem>>, vector<2000x64xf32>
    tpu.vector_store %arg4[%swap3A, %swap3A_80], %add3A_79 {strides = array<i32>} : memref<2000x64xf32, #tpu.memory_space<vmem>>, vector<2000x64xf32>,
    return
  }
  func.func @transform_0(%arg0: i32) -> (i32, i32) {
    %c0_i32 = arith.constant 0 : i32
    %c0_i32_0 = arith.constant 0 : i32
    return %arg0, %c0_i32 : i32, i32
  }
  func.func @transform_1(%arg0: i32) -> (i32, i32) {
    %c0_i32 = arith.constant 0 : i32
    %c0_i32_0 = arith.constant 0 : i32
    %c0_i32_1 = arith.constant 0 : i32
    return %c0_i32, %c0_i32_0 : i32, i32
  }
  func.func @transform_2(%arg0: i32) -> (i32, i32) {
    %c0_i32 = arith.constant 0 : i32
    %c0_i32_0 = arith.constant 0 : i32
    %c0_i32_1 = arith.constant 0 : i32
    return %c0_i32, %c0_i32_0 : i32, i32
  }
  func.func @transform_3(%arg0: i32) -> (i32, i32) {
    %c0_i32 = arith.constant 0 : i32
    %c0_i32_0 = arith.constant 0 : i32
    return %arg0, %c0_i32 : i32, i32
  }
}

module attributes {stable_mosaic.version = 14 : i64} {
  func.func @_pre_nobn_body(%arg0: i32, %arg1: i32, %arg2: memref<2000x64xf32, #tpu.memory_space<vmem>>, %arg3: memref<2000x16xf32, #tpu.memory_space<vmem>>, %arg4: memref<2000x16xf32, #tpu.memory_space<vmem>>, %arg5: memref<1x64x32xf32, #tpu.memory_space<vmem>>, %arg6: memref<16x64xf32, #tpu.memory_space<vmem>>, %arg7: memref<64x64xf32, #tpu.memory_space<vmem>>, %arg8: memref<1x64xf32, #tpu.memory_space<vmem>>, %arg9: memref<1x2000x32xf32, #tpu.memory_space<vmem>>, %arg10: memref<2000x64xf32, #tpu.memory_space<vmem>>) attributes {dimension_semantics = [#tpu.dimension_semantics<arbitrary>, #tpu.dimension_semantics<arbitrary>], iteration_bounds = array<i64: 25, 2>, scalar_prefetch = 0 : i64, scratch_operands = 0 : i64, tpu.core_type = #tpu.core_type<tc>, window_params = [{transform_indices = @transform_0, window_bounds = array<i64: 2000, 64>}, {transform_indices = @transform_1, window_bounds = array<i64: 2000, 16>}, {transform_indices = @transform_2, window_bounds = array<i64: 2000, 16>}, {transform_indices = @transform_3, window_bounds = array<i64: 1, 64, 32>}, {pipeline_mode = #tpu.pipeline_mode<synchronous>, transform_indices = @transform_4, window_bounds = array<i64: 16, 64>}, {pipeline_mode = #tpu.pipeline_mode<synchronous>, transform_indices = @transform_5, window_bounds = array<i64: 64, 64>}, {pipeline_mode = #tpu.pipeline_mode<synchronous>, transform_indices = @transform_6, window_bounds = array<i64: 1, 64>}, {transform_indices = @transform_7, window_bounds = array<i64: 1, 2000, 32>}, {transform_indices = @transform_8, window_bounds = array<i64: 2000, 64>}]} {
    %get3A = arith.constant 0 : index
    %get3A_0 = arith.constant 0 : index
    %get3A_1 = vector.load %arg2[%get3A, %get3A_0] : memref<2000x64xf32, #tpu.memory_space<vmem>>, vector<2000x64xf32>
    %get3A_2 = arith.constant 0 : index
    %get3A_3 = arith.constant 0 : index
    %get3A_4 = arith.constant 0 : index
    %get3A_5 = vector.load %arg5[%get3A_2, %get3A_3, %get3A_4] : memref<1x64x32xf32, #tpu.memory_space<vmem>>, vector<1x64x32xf32>
    %get3A_6 = vector.shape_cast %get3A_5 : vector<1x64x32xf32> to vector<64x32xf32>
    %convert_element_type3A = arith.truncf %get3A_1 : vector<2000x64xf32> to vector<2000x64xbf16>
    %convert_element_type3A_7 = arith.truncf %get3A_6 : vector<64x32xf32> to vector<64x32xbf16>
    %dot_general3A = arith.constant dense<0.000000e+00> : vector<2000x32xf32>
    %dot_general3A_8 = tpu.matmul %convert_element_type3A, %convert_element_type3A_7, %dot_general3A {dimension_numbers = #tpu.dot_dimension_numbers<[1], [0], [0], [1], [0, 0, 1, 1], [], []>, transpose_lhs_hint = false} : vector<2000x64xbf16>, vector<64x32xbf16>, vector<2000x32xf32> -> vector<2000x32xf32>
    %broadcast_in_dim3A = vector.shape_cast %dot_general3A_8 : vector<2000x32xf32> to vector<1x2000x32xf32>
    %swap3A = arith.constant 0 : index
    %swap3A_9 = arith.constant 0 : index
    %swap3A_10 = arith.constant 0 : index
    %swap3A_11 = vector.load %arg9[%swap3A, %swap3A_9, %swap3A_10] : memref<1x2000x32xf32, #tpu.memory_space<vmem>>, vector<1x2000x32xf32>
    tpu.vector_store %arg9[%swap3A, %swap3A_9, %swap3A_10], %broadcast_in_dim3A {strides = array<i32>} : memref<1x2000x32xf32, #tpu.memory_space<vmem>>, vector<1x2000x32xf32>,
    %get3A_12 = arith.constant 0 : index
    %get3A_13 = arith.constant 0 : index
    %get3A_14 = vector.load %arg3[%get3A_12, %get3A_13] : memref<2000x16xf32, #tpu.memory_space<vmem>>, vector<2000x16xf32>
    %get3A_15 = arith.constant 0 : index
    %get3A_16 = arith.constant 0 : index
    %get3A_17 = vector.load %arg4[%get3A_15, %get3A_16] : memref<2000x16xf32, #tpu.memory_space<vmem>>, vector<2000x16xf32>
    %add3A = arith.addf %get3A_14, %get3A_17 : vector<2000x16xf32>
    %get3A_18 = arith.constant 0 : index
    %get3A_19 = arith.constant 0 : index
    %get3A_20 = vector.load %arg7[%get3A_18, %get3A_19] : memref<64x64xf32, #tpu.memory_space<vmem>>, vector<64x64xf32>
    %convert_element_type3A_21 = arith.truncf %get3A_1 : vector<2000x64xf32> to vector<2000x64xbf16>
    %convert_element_type3A_22 = arith.truncf %get3A_20 : vector<64x64xf32> to vector<64x64xbf16>
    %dot_general3A_23 = arith.constant dense<0.000000e+00> : vector<2000x64xf32>
    %dot_general3A_24 = tpu.matmul %convert_element_type3A_21, %convert_element_type3A_22, %dot_general3A_23 {dimension_numbers = #tpu.dot_dimension_numbers<[1], [0], [0], [1], [0, 0, 1, 1], [], []>, transpose_lhs_hint = false} : vector<2000x64xbf16>, vector<64x64xbf16>, vector<2000x64xf32> -> vector<2000x64xf32>
    %get3A_25 = arith.constant 0 : index
    %get3A_26 = arith.constant 0 : index
    %get3A_27 = vector.load %arg6[%get3A_25, %get3A_26] : memref<16x64xf32, #tpu.memory_space<vmem>>, vector<16x64xf32>
    %bitcast_convert_type3A = tpu.bitcast %get3A_27 : vector<16x64xf32> -> vector<16x64xi32>
    %add3A_28 = arith.constant 32767 : i32
    %add3A_29 = vector.broadcast %add3A_28 : i32 to vector<16x64xi32>
    %add3A_30 = arith.addi %bitcast_convert_type3A, %add3A_29 : vector<16x64xi32>
    %shift_right_arithmetic3A = arith.constant 16 : i32
    %shift_right_arithmetic3A_31 = vector.broadcast %shift_right_arithmetic3A : i32 to vector<16x64xi32>
    %shift_right_arithmetic3A_32 = arith.shrsi %bitcast_convert_type3A, %shift_right_arithmetic3A_31 : vector<16x64xi32>
    %and3A = arith.constant 1 : i32
    %and3A_33 = vector.broadcast %and3A : i32 to vector<16x64xi32>
    %and3A_34 = arith.andi %shift_right_arithmetic3A_32, %and3A_33 : vector<16x64xi32>
    %add3A_35 = arith.addi %add3A_30, %and3A_34 : vector<16x64xi32>
    %and3A_36 = arith.constant -65536 : i32
    %and3A_37 = vector.broadcast %and3A_36 : i32 to vector<16x64xi32>
    %and3A_38 = arith.andi %add3A_35, %and3A_37 : vector<16x64xi32>
    %bitcast_convert_type3A_39 = tpu.bitcast %and3A_38 : vector<16x64xi32> -> vector<16x64xf32>
    %dot_general3A_40 = arith.constant dense<0.000000e+00> : vector<2000x64xf32>
    %dot_general3A_41 = tpu.matmul %add3A, %bitcast_convert_type3A_39, %dot_general3A_40 {dimension_numbers = #tpu.dot_dimension_numbers<[1], [0], [0], [1], [0, 0, 1, 1], [], []>, precision = #tpu.contract_precision<fp32>, transpose_lhs_hint = false} : vector<2000x16xf32>, vector<16x64xf32>, vector<2000x64xf32> -> vector<2000x64xf32>
    %add3A_42 = arith.addf %dot_general3A_24, %dot_general3A_41 : vector<2000x64xf32>
    %get3A_43 = arith.constant 0 : index
    %get3A_44 = arith.constant 0 : index
    %get3A_45 = vector.load %arg8[%get3A_43, %get3A_44] : memref<1x64xf32, #tpu.memory_space<vmem>>, vector<1x64xf32>
    %add3A_46 = vector.broadcast %get3A_45 : vector<1x64xf32> to vector<2000x64xf32>
    %add3A_47 = arith.addf %add3A_42, %add3A_46 : vector<2000x64xf32>
    %swap3A_48 = arith.constant 0 : index
    %swap3A_49 = arith.constant 0 : index
    %swap3A_50 = vector.load %arg10[%swap3A_48, %swap3A_49] : memref<2000x64xf32, #tpu.memory_space<vmem>>, vector<2000x64xf32>
    tpu.vector_store %arg10[%swap3A_48, %swap3A_49], %add3A_47 {strides = array<i32>} : memref<2000x64xf32, #tpu.memory_space<vmem>>, vector<2000x64xf32>,
    return
  }
  func.func @transform_0(%arg0: i32, %arg1: i32) -> (i32, i32) {
    %c0_i32 = arith.constant 0 : i32
    %c0_i32_0 = arith.constant 0 : i32
    return %arg0, %c0_i32 : i32, i32
  }
  func.func @transform_1(%arg0: i32, %arg1: i32) -> (i32, i32) {
    %c0_i32 = arith.constant 0 : i32
    %c0_i32_0 = arith.constant 0 : i32
    return %arg0, %c0_i32 : i32, i32
  }
  func.func @transform_2(%arg0: i32, %arg1: i32) -> (i32, i32) {
    %add3A = arith.constant 25 : i32
    %add3A_0 = arith.addi %add3A, %arg0 : i32
    %c0_i32 = arith.constant 0 : i32
    %c0_i32_1 = arith.constant 0 : i32
    return %add3A_0, %c0_i32 : i32, i32
  }
  func.func @transform_3(%arg0: i32, %arg1: i32) -> (i32, i32, i32) {
    %c0_i32 = arith.constant 0 : i32
    %c0_i32_0 = arith.constant 0 : i32
    %c0_i32_1 = arith.constant 0 : i32
    return %arg1, %c0_i32, %c0_i32_0 : i32, i32, i32
  }
  func.func @transform_4(%arg0: i32, %arg1: i32) -> (i32, i32) {
    %c0_i32 = arith.constant 0 : i32
    %c0_i32_0 = arith.constant 0 : i32
    %c0_i32_1 = arith.constant 0 : i32
    return %c0_i32, %c0_i32_0 : i32, i32
  }
  func.func @transform_5(%arg0: i32, %arg1: i32) -> (i32, i32) {
    %c0_i32 = arith.constant 0 : i32
    %c0_i32_0 = arith.constant 0 : i32
    %c0_i32_1 = arith.constant 0 : i32
    return %c0_i32, %c0_i32_0 : i32, i32
  }
  func.func @transform_6(%arg0: i32, %arg1: i32) -> (i32, i32) {
    %c0_i32 = arith.constant 0 : i32
    %c0_i32_0 = arith.constant 0 : i32
    %c0_i32_1 = arith.constant 0 : i32
    return %c0_i32, %c0_i32_0 : i32, i32
  }
  func.func @transform_7(%arg0: i32, %arg1: i32) -> (i32, i32, i32) {
    %c0_i32 = arith.constant 0 : i32
    %c0_i32_0 = arith.constant 0 : i32
    return %arg1, %arg0, %c0_i32 : i32, i32, i32
  }
  func.func @transform_8(%arg0: i32, %arg1: i32) -> (i32, i32) {
    %c0_i32 = arith.constant 0 : i32
    %c0_i32_0 = arith.constant 0 : i32
    return %arg0, %c0_i32 : i32, i32
  }
}

module attributes {stable_mosaic.version = 14 : i64} {
  func.func @_post12_body(%arg0: i32, %arg1: memref<2000x32xf32, #tpu.memory_space<vmem>>, %arg2: memref<2000x32xf32, #tpu.memory_space<vmem>>, %arg3: memref<2000x64xf32, #tpu.memory_space<vmem>>, %arg4: memref<2000x64xf32, #tpu.memory_space<vmem>>, %arg5: memref<8x64xf32, #tpu.memory_space<vmem>>) attributes {dimension_semantics = [#tpu.dimension_semantics<arbitrary>], iteration_bounds = array<i64: 25>, scalar_prefetch = 0 : i64, scratch_operands = 0 : i64, tpu.core_type = #tpu.core_type<tc>, window_params = [{transform_indices = @transform_0, window_bounds = array<i64: 2000, 32>}, {transform_indices = @transform_1, window_bounds = array<i64: 2000, 32>}, {transform_indices = @transform_2, window_bounds = array<i64: 2000, 64>}, {transform_indices = @transform_3, window_bounds = array<i64: 2000, 64>}, {pipeline_mode = #tpu.pipeline_mode<synchronous>, transform_indices = @transform_4, window_bounds = array<i64: 8, 64>}]} {
    %get3A = arith.constant 0 : index
    %get3A_0 = arith.constant 0 : index
    %get3A_1 = vector.load %arg1[%get3A, %get3A_0] : memref<2000x32xf32, #tpu.memory_space<vmem>>, vector<2000x32xf32>
    %get3A_2 = arith.constant 0 : index
    %get3A_3 = arith.constant 0 : index
    %get3A_4 = vector.load %arg2[%get3A_2, %get3A_3] : memref<2000x32xf32, #tpu.memory_space<vmem>>, vector<2000x32xf32>
    %concatenate3A = tpu.concatenate %get3A_1, %get3A_4 in 1 : vector<2000x32xf32>, vector<2000x32xf32> -> vector<2000x64xf32>
    %get3A_5 = arith.constant 0 : index
    %get3A_6 = arith.constant 0 : index
    %get3A_7 = vector.load %arg3[%get3A_5, %get3A_6] : memref<2000x64xf32, #tpu.memory_space<vmem>>, vector<2000x64xf32>
    %add3A = arith.addf %concatenate3A, %get3A_7 : vector<2000x64xf32>
    %max3A = arith.constant 0.000000e+00 : f32
    %max3A_8 = vector.broadcast %max3A : f32 to vector<2000x64xf32>
    %max3A_9 = arith.maximumf %add3A, %max3A_8 : vector<2000x64xf32>
    %swap3A = arith.constant 0 : index
    %swap3A_10 = arith.constant 0 : index
    %swap3A_11 = vector.load %arg4[%swap3A, %swap3A_10] : memref<2000x64xf32, #tpu.memory_space<vmem>>, vector<2000x64xf32>
    tpu.vector_store %arg4[%swap3A, %swap3A_10], %max3A_9 {strides = array<i32>} : memref<2000x64xf32, #tpu.memory_space<vmem>>, vector<2000x64xf32>,
    %eq3A = arith.constant 0 : i32
    %eq3A_12 = arith.cmpi eq, %arg0, %eq3A : i32
    %convert_element_type3A = arith.extui %eq3A_12 : i1 to i32
    %cond3A = arith.constant 0 : i32
    %cond3A_13 = arith.cmpi ne, %convert_element_type3A, %cond3A : i32
    scf.if %cond3A_13 {
      %broadcast_in_dim3A_32 = arith.constant 0.000000e+00 : f32
      %broadcast_in_dim3A_33 = vector.broadcast %broadcast_in_dim3A_32 : f32 to vector<8x64xf32>
      %swap3A_34 = arith.constant 0 : index
      %swap3A_35 = arith.constant 0 : index
      %swap3A_36 = vector.load %arg5[%swap3A_34, %swap3A_35] : memref<8x64xf32, #tpu.memory_space<vmem>>, vector<8x64xf32>
      tpu.vector_store %arg5[%swap3A_34, %swap3A_35], %broadcast_in_dim3A_33 {strides = array<i32>} : memref<8x64xf32, #tpu.memory_space<vmem>>, vector<8x64xf32>,
    } else {
    }
    %get3A_14 = arith.constant 0 : index
    %get3A_15 = arith.constant 0 : index
    %get3A_16 = vector.load %arg5[%get3A_14, %get3A_15] : memref<8x64xf32, #tpu.memory_space<vmem>>, vector<1x64xf32>
    %reduce_sum3A = arith.constant dense<0.000000e+00> : vector<64xf32>
    %reduce_sum3A_17 = vector.multi_reduction <add>, %max3A_9, %reduce_sum3A [0] : vector<2000x64xf32> to vector<64xf32>
    %broadcast_in_dim3A = vector.shape_cast %reduce_sum3A_17 : vector<64xf32> to vector<1x64xf32>
    %add3A_18 = arith.addf %get3A_16, %broadcast_in_dim3A : vector<1x64xf32>
    %swap3A_19 = arith.constant 0 : index
    %swap3A_20 = arith.constant 0 : index
    %swap3A_21 = vector.load %arg5[%swap3A_19, %swap3A_20] : memref<8x64xf32, #tpu.memory_space<vmem>>, vector<1x64xf32>
    tpu.vector_store %arg5[%swap3A_19, %swap3A_20], %add3A_18 {strides = array<i32>} : memref<8x64xf32, #tpu.memory_space<vmem>>, vector<1x64xf32>,
    %get3A_22 = arith.constant 1 : index
    %get3A_23 = arith.constant 0 : index
    %get3A_24 = vector.load %arg5[%get3A_22, %get3A_23] : memref<8x64xf32, #tpu.memory_space<vmem>>, vector<1x64xf32>
    %mul3A = arith.mulf %max3A_9, %max3A_9 : vector<2000x64xf32>
    %reduce_sum3A_25 = arith.constant dense<0.000000e+00> : vector<64xf32>
    %reduce_sum3A_26 = vector.multi_reduction <add>, %mul3A, %reduce_sum3A_25 [0] : vector<2000x64xf32> to vector<64xf32>
    %broadcast_in_dim3A_27 = vector.shape_cast %reduce_sum3A_26 : vector<64xf32> to vector<1x64xf32>
    %add3A_28 = arith.addf %get3A_24, %broadcast_in_dim3A_27 : vector<1x64xf32>
    %swap3A_29 = arith.constant 1 : index
    %swap3A_30 = arith.constant 0 : index
    %swap3A_31 = vector.load %arg5[%swap3A_29, %swap3A_30] : memref<8x64xf32, #tpu.memory_space<vmem>>, vector<1x64xf32>
    tpu.vector_store %arg5[%swap3A_29, %swap3A_30], %add3A_28 {strides = array<i32>} : memref<8x64xf32, #tpu.memory_space<vmem>>, vector<1x64xf32>,
    return
  }
  func.func @transform_0(%arg0: i32) -> (i32, i32) {
    %c0_i32 = arith.constant 0 : i32
    %c0_i32_0 = arith.constant 0 : i32
    return %arg0, %c0_i32 : i32, i32
  }
  func.func @transform_1(%arg0: i32) -> (i32, i32) {
    %add3A = arith.constant 25 : i32
    %add3A_0 = arith.addi %add3A, %arg0 : i32
    %c0_i32 = arith.constant 0 : i32
    %c0_i32_1 = arith.constant 0 : i32
    return %add3A_0, %c0_i32 : i32, i32
  }
  func.func @transform_2(%arg0: i32) -> (i32, i32) {
    %c0_i32 = arith.constant 0 : i32
    %c0_i32_0 = arith.constant 0 : i32
    return %arg0, %c0_i32 : i32, i32
  }
  func.func @transform_3(%arg0: i32) -> (i32, i32) {
    %c0_i32 = arith.constant 0 : i32
    %c0_i32_0 = arith.constant 0 : i32
    return %arg0, %c0_i32 : i32, i32
  }
  func.func @transform_4(%arg0: i32) -> (i32, i32) {
    %c0_i32 = arith.constant 0 : i32
    %c0_i32_0 = arith.constant 0 : i32
    %c0_i32_1 = arith.constant 0 : i32
    return %c0_i32, %c0_i32_0 : i32, i32
  }
}

module attributes {stable_mosaic.version = 14 : i64} {
  func.func @_pre_bn_body(%arg0: i32, %arg1: i32, %arg2: memref<2000x64xf32, #tpu.memory_space<vmem>>, %arg3: memref<8x64xf32, #tpu.memory_space<vmem>>, %arg4: memref<1x64xf32, #tpu.memory_space<vmem>>, %arg5: memref<1x64xf32, #tpu.memory_space<vmem>>, %arg6: memref<2000x16xf32, #tpu.memory_space<vmem>>, %arg7: memref<2000x16xf32, #tpu.memory_space<vmem>>, %arg8: memref<1x64x32xf32, #tpu.memory_space<vmem>>, %arg9: memref<16x64xf32, #tpu.memory_space<vmem>>, %arg10: memref<64x64xf32, #tpu.memory_space<vmem>>, %arg11: memref<1x64xf32, #tpu.memory_space<vmem>>, %arg12: memref<1x2000x32xf32, #tpu.memory_space<vmem>>, %arg13: memref<2000x64xf32, #tpu.memory_space<vmem>>) attributes {dimension_semantics = [#tpu.dimension_semantics<arbitrary>, #tpu.dimension_semantics<arbitrary>], iteration_bounds = array<i64: 25, 2>, scalar_prefetch = 0 : i64, scratch_operands = 0 : i64, tpu.core_type = #tpu.core_type<tc>, window_params = [{transform_indices = @transform_0, window_bounds = array<i64: 2000, 64>}, {pipeline_mode = #tpu.pipeline_mode<synchronous>, transform_indices = @transform_1, window_bounds = array<i64: 8, 64>}, {pipeline_mode = #tpu.pipeline_mode<synchronous>, transform_indices = @transform_2, window_bounds = array<i64: 1, 64>}, {pipeline_mode = #tpu.pipeline_mode<synchronous>, transform_indices = @transform_3, window_bounds = array<i64: 1, 64>}, {transform_indices = @transform_4, window_bounds = array<i64: 2000, 16>}, {transform_indices = @transform_5, window_bounds = array<i64: 2000, 16>}, {transform_indices = @transform_6, window_bounds = array<i64: 1, 64, 32>}, {pipeline_mode = #tpu.pipeline_mode<synchronous>, transform_indices = @transform_7, window_bounds = array<i64: 16, 64>}, {pipeline_mode = #tpu.pipeline_mode<synchronous>, transform_indices = @transform_8, window_bounds = array<i64: 64, 64>}, {pipeline_mode = #tpu.pipeline_mode<synchronous>, transform_indices = @transform_9, window_bounds = array<i64: 1, 64>}, {transform_indices = @transform_10, window_bounds = array<i64: 1, 2000, 32>}, {transform_indices = @transform_11, window_bounds = array<i64: 2000, 64>}]} {
    %get3A = arith.constant 0 : index
    %get3A_0 = arith.constant 0 : index
    %get3A_1 = vector.load %arg3[%get3A, %get3A_0] : memref<8x64xf32, #tpu.memory_space<vmem>>, vector<1x64xf32>
    %mul3A = arith.constant 2.000000e-05 : f32
    %mul3A_2 = vector.broadcast %mul3A : f32 to vector<1x64xf32>
    %mul3A_3 = arith.mulf %get3A_1, %mul3A_2 : vector<1x64xf32>
    %get3A_4 = arith.constant 1 : index
    %get3A_5 = arith.constant 0 : index
    %get3A_6 = vector.load %arg3[%get3A_4, %get3A_5] : memref<8x64xf32, #tpu.memory_space<vmem>>, vector<1x64xf32>
    %mul3A_7 = arith.constant 2.000000e-05 : f32
    %mul3A_8 = vector.broadcast %mul3A_7 : f32 to vector<1x64xf32>
    %mul3A_9 = arith.mulf %get3A_6, %mul3A_8 : vector<1x64xf32>
    %mul3A_10 = arith.mulf %mul3A_3, %mul3A_3 : vector<1x64xf32>
    %sub3A = arith.subf %mul3A_9, %mul3A_10 : vector<1x64xf32>
    %add3A = arith.constant 9.99999974E-6 : f32
    %add3A_11 = vector.broadcast %add3A : f32 to vector<1x64xf32>
    %add3A_12 = arith.addf %sub3A, %add3A_11 : vector<1x64xf32>
    %rsqrt3A = math.rsqrt %add3A_12 : vector<1x64xf32>
    %get3A_13 = arith.constant 0 : index
    %get3A_14 = arith.constant 0 : index
    %get3A_15 = vector.load %arg2[%get3A_13, %get3A_14] : memref<2000x64xf32, #tpu.memory_space<vmem>>, vector<2000x64xf32>
    %sub3A_16 = vector.broadcast %mul3A_3 : vector<1x64xf32> to vector<2000x64xf32>
    %sub3A_17 = arith.subf %get3A_15, %sub3A_16 : vector<2000x64xf32>
    %get3A_18 = arith.constant 0 : index
    %get3A_19 = arith.constant 0 : index
    %get3A_20 = vector.load %arg4[%get3A_18, %get3A_19] : memref<1x64xf32, #tpu.memory_space<vmem>>, vector<1x64xf32>
    %mul3A_21 = arith.mulf %get3A_20, %rsqrt3A : vector<1x64xf32>
    %mul3A_22 = vector.broadcast %mul3A_21 : vector<1x64xf32> to vector<2000x64xf32>
    %mul3A_23 = arith.mulf %sub3A_17, %mul3A_22 : vector<2000x64xf32>
    %get3A_24 = arith.constant 0 : index
    %get3A_25 = arith.constant 0 : index
    %get3A_26 = vector.load %arg5[%get3A_24, %get3A_25] : memref<1x64xf32, #tpu.memory_space<vmem>>, vector<1x64xf32>
    %add3A_27 = vector.broadcast %get3A_26 : vector<1x64xf32> to vector<2000x64xf32>
    %add3A_28 = arith.addf %mul3A_23, %add3A_27 : vector<2000x64xf32>
    %get3A_29 = arith.constant 0 : index
    %get3A_30 = arith.constant 0 : index
    %get3A_31 = arith.constant 0 : index
    %get3A_32 = vector.load %arg8[%get3A_29, %get3A_30, %get3A_31] : memref<1x64x32xf32, #tpu.memory_space<vmem>>, vector<1x64x32xf32>
    %get3A_33 = vector.shape_cast %get3A_32 : vector<1x64x32xf32> to vector<64x32xf32>
    %convert_element_type3A = arith.truncf %add3A_28 : vector<2000x64xf32> to vector<2000x64xbf16>
    %convert_element_type3A_34 = arith.truncf %get3A_33 : vector<64x32xf32> to vector<64x32xbf16>
    %dot_general3A = arith.constant dense<0.000000e+00> : vector<2000x32xf32>
    %dot_general3A_35 = tpu.matmul %convert_element_type3A, %convert_element_type3A_34, %dot_general3A {dimension_numbers = #tpu.dot_dimension_numbers<[1], [0], [0], [1], [0, 0, 1, 1], [], []>, transpose_lhs_hint = false} : vector<2000x64xbf16>, vector<64x32xbf16>, vector<2000x32xf32> -> vector<2000x32xf32>
    %broadcast_in_dim3A = vector.shape_cast %dot_general3A_35 : vector<2000x32xf32> to vector<1x2000x32xf32>
    %swap3A = arith.constant 0 : index
    %swap3A_36 = arith.constant 0 : index
    %swap3A_37 = arith.constant 0 : index
    %swap3A_38 = vector.load %arg12[%swap3A, %swap3A_36, %swap3A_37] : memref<1x2000x32xf32, #tpu.memory_space<vmem>>, vector<1x2000x32xf32>
    tpu.vector_store %arg12[%swap3A, %swap3A_36, %swap3A_37], %broadcast_in_dim3A {strides = array<i32>} : memref<1x2000x32xf32, #tpu.memory_space<vmem>>, vector<1x2000x32xf32>,
    %get3A_39 = arith.constant 0 : index
    %get3A_40 = arith.constant 0 : index
    %get3A_41 = vector.load %arg6[%get3A_39, %get3A_40] : memref<2000x16xf32, #tpu.memory_space<vmem>>, vector<2000x16xf32>
    %get3A_42 = arith.constant 0 : index
    %get3A_43 = arith.constant 0 : index
    %get3A_44 = vector.load %arg7[%get3A_42, %get3A_43] : memref<2000x16xf32, #tpu.memory_space<vmem>>, vector<2000x16xf32>
    %add3A_45 = arith.addf %get3A_41, %get3A_44 : vector<2000x16xf32>
    %get3A_46 = arith.constant 0 : index
    %get3A_47 = arith.constant 0 : index
    %get3A_48 = vector.load %arg10[%get3A_46, %get3A_47] : memref<64x64xf32, #tpu.memory_space<vmem>>, vector<64x64xf32>
    %convert_element_type3A_49 = arith.truncf %add3A_28 : vector<2000x64xf32> to vector<2000x64xbf16>
    %convert_element_type3A_50 = arith.truncf %get3A_48 : vector<64x64xf32> to vector<64x64xbf16>
    %dot_general3A_51 = arith.constant dense<0.000000e+00> : vector<2000x64xf32>
    %dot_general3A_52 = tpu.matmul %convert_element_type3A_49, %convert_element_type3A_50, %dot_general3A_51 {dimension_numbers = #tpu.dot_dimension_numbers<[1], [0], [0], [1], [0, 0, 1, 1], [], []>, transpose_lhs_hint = false} : vector<2000x64xbf16>, vector<64x64xbf16>, vector<2000x64xf32> -> vector<2000x64xf32>
    %get3A_53 = arith.constant 0 : index
    %get3A_54 = arith.constant 0 : index
    %get3A_55 = vector.load %arg9[%get3A_53, %get3A_54] : memref<16x64xf32, #tpu.memory_space<vmem>>, vector<16x64xf32>
    %bitcast_convert_type3A = tpu.bitcast %get3A_55 : vector<16x64xf32> -> vector<16x64xi32>
    %add3A_56 = arith.constant 32767 : i32
    %add3A_57 = vector.broadcast %add3A_56 : i32 to vector<16x64xi32>
    %add3A_58 = arith.addi %bitcast_convert_type3A, %add3A_57 : vector<16x64xi32>
    %shift_right_arithmetic3A = arith.constant 16 : i32
    %shift_right_arithmetic3A_59 = vector.broadcast %shift_right_arithmetic3A : i32 to vector<16x64xi32>
    %shift_right_arithmetic3A_60 = arith.shrsi %bitcast_convert_type3A, %shift_right_arithmetic3A_59 : vector<16x64xi32>
    %and3A = arith.constant 1 : i32
    %and3A_61 = vector.broadcast %and3A : i32 to vector<16x64xi32>
    %and3A_62 = arith.andi %shift_right_arithmetic3A_60, %and3A_61 : vector<16x64xi32>
    %add3A_63 = arith.addi %add3A_58, %and3A_62 : vector<16x64xi32>
    %and3A_64 = arith.constant -65536 : i32
    %and3A_65 = vector.broadcast %and3A_64 : i32 to vector<16x64xi32>
    %and3A_66 = arith.andi %add3A_63, %and3A_65 : vector<16x64xi32>
    %bitcast_convert_type3A_67 = tpu.bitcast %and3A_66 : vector<16x64xi32> -> vector<16x64xf32>
    %dot_general3A_68 = arith.constant dense<0.000000e+00> : vector<2000x64xf32>
    %dot_general3A_69 = tpu.matmul %add3A_45, %bitcast_convert_type3A_67, %dot_general3A_68 {dimension_numbers = #tpu.dot_dimension_numbers<[1], [0], [0], [1], [0, 0, 1, 1], [], []>, precision = #tpu.contract_precision<fp32>, transpose_lhs_hint = false} : vector<2000x16xf32>, vector<16x64xf32>, vector<2000x64xf32> -> vector<2000x64xf32>
    %add3A_70 = arith.addf %dot_general3A_52, %dot_general3A_69 : vector<2000x64xf32>
    %get3A_71 = arith.constant 0 : index
    %get3A_72 = arith.constant 0 : index
    %get3A_73 = vector.load %arg11[%get3A_71, %get3A_72] : memref<1x64xf32, #tpu.memory_space<vmem>>, vector<1x64xf32>
    %add3A_74 = vector.broadcast %get3A_73 : vector<1x64xf32> to vector<2000x64xf32>
    %add3A_75 = arith.addf %add3A_70, %add3A_74 : vector<2000x64xf32>
    %swap3A_76 = arith.constant 0 : index
    %swap3A_77 = arith.constant 0 : index
    %swap3A_78 = vector.load %arg13[%swap3A_76, %swap3A_77] : memref<2000x64xf32, #tpu.memory_space<vmem>>, vector<2000x64xf32>
    tpu.vector_store %arg13[%swap3A_76, %swap3A_77], %add3A_75 {strides = array<i32>} : memref<2000x64xf32, #tpu.memory_space<vmem>>, vector<2000x64xf32>,
    return
  }
  func.func @transform_0(%arg0: i32, %arg1: i32) -> (i32, i32) {
    %c0_i32 = arith.constant 0 : i32
    %c0_i32_0 = arith.constant 0 : i32
    return %arg0, %c0_i32 : i32, i32
  }
  func.func @transform_1(%arg0: i32, %arg1: i32) -> (i32, i32) {
    %c0_i32 = arith.constant 0 : i32
    %c0_i32_0 = arith.constant 0 : i32
    %c0_i32_1 = arith.constant 0 : i32
    return %c0_i32, %c0_i32_0 : i32, i32
  }
  func.func @transform_2(%arg0: i32, %arg1: i32) -> (i32, i32) {
    %c0_i32 = arith.constant 0 : i32
    %c0_i32_0 = arith.constant 0 : i32
    %c0_i32_1 = arith.constant 0 : i32
    return %c0_i32, %c0_i32_0 : i32, i32
  }
  func.func @transform_3(%arg0: i32, %arg1: i32) -> (i32, i32) {
    %c0_i32 = arith.constant 0 : i32
    %c0_i32_0 = arith.constant 0 : i32
    %c0_i32_1 = arith.constant 0 : i32
    return %c0_i32, %c0_i32_0 : i32, i32
  }
  func.func @transform_4(%arg0: i32, %arg1: i32) -> (i32, i32) {
    %c0_i32 = arith.constant 0 : i32
    %c0_i32_0 = arith.constant 0 : i32
    return %arg0, %c0_i32 : i32, i32
  }
  func.func @transform_5(%arg0: i32, %arg1: i32) -> (i32, i32) {
    %add3A = arith.constant 25 : i32
    %add3A_0 = arith.addi %add3A, %arg0 : i32
    %c0_i32 = arith.constant 0 : i32
    %c0_i32_1 = arith.constant 0 : i32
    return %add3A_0, %c0_i32 : i32, i32
  }
  func.func @transform_6(%arg0: i32, %arg1: i32) -> (i32, i32, i32) {
    %c0_i32 = arith.constant 0 : i32
    %c0_i32_0 = arith.constant 0 : i32
    %c0_i32_1 = arith.constant 0 : i32
    return %arg1, %c0_i32, %c0_i32_0 : i32, i32, i32
  }
  func.func @transform_7(%arg0: i32, %arg1: i32) -> (i32, i32) {
    %c0_i32 = arith.constant 0 : i32
    %c0_i32_0 = arith.constant 0 : i32
    %c0_i32_1 = arith.constant 0 : i32
    return %c0_i32, %c0_i32_0 : i32, i32
  }
  func.func @transform_8(%arg0: i32, %arg1: i32) -> (i32, i32) {
    %c0_i32 = arith.constant 0 : i32
    %c0_i32_0 = arith.constant 0 : i32
    %c0_i32_1 = arith.constant 0 : i32
    return %c0_i32, %c0_i32_0 : i32, i32
  }
  func.func @transform_9(%arg0: i32, %arg1: i32) -> (i32, i32) {
    %c0_i32 = arith.constant 0 : i32
    %c0_i32_0 = arith.constant 0 : i32
    %c0_i32_1 = arith.constant 0 : i32
    return %c0_i32, %c0_i32_0 : i32, i32
  }
  func.func @transform_10(%arg0: i32, %arg1: i32) -> (i32, i32, i32) {
    %c0_i32 = arith.constant 0 : i32
    %c0_i32_0 = arith.constant 0 : i32
    return %arg1, %arg0, %c0_i32 : i32, i32, i32
  }
  func.func @transform_11(%arg0: i32, %arg1: i32) -> (i32, i32) {
    %c0_i32 = arith.constant 0 : i32
    %c0_i32_0 = arith.constant 0 : i32
    return %arg0, %c0_i32 : i32, i32
  }
}

module attributes {stable_mosaic.version = 14 : i64} {
  func.func @_post3_body(%arg0: i32, %arg1: memref<2000x32xf32, #tpu.memory_space<vmem>>, %arg2: memref<2000x32xf32, #tpu.memory_space<vmem>>, %arg3: memref<2000x64xf32, #tpu.memory_space<vmem>>, %arg4: memref<2000x1xi32, #tpu.memory_space<vmem>>, %arg5: memref<256x64xf32, #tpu.memory_space<vmem>>, %arg6: memref<256x64xf32, #tpu.memory_space<vmem>>) attributes {dimension_semantics = [#tpu.dimension_semantics<arbitrary>], iteration_bounds = array<i64: 25>, scalar_prefetch = 0 : i64, scratch_operands = 0 : i64, tpu.core_type = #tpu.core_type<tc>, window_params = [{transform_indices = @transform_0, window_bounds = array<i64: 2000, 32>}, {transform_indices = @transform_1, window_bounds = array<i64: 2000, 32>}, {transform_indices = @transform_2, window_bounds = array<i64: 2000, 64>}, {transform_indices = @transform_3, window_bounds = array<i64: 2000, 1>}, {pipeline_mode = #tpu.pipeline_mode<synchronous>, transform_indices = @transform_4, window_bounds = array<i64: 256, 64>}, {pipeline_mode = #tpu.pipeline_mode<synchronous>, transform_indices = @transform_5, window_bounds = array<i64: 256, 64>}]} {
    %get3A = arith.constant 0 : index
    %get3A_0 = arith.constant 0 : index
    %get3A_1 = vector.load %arg1[%get3A, %get3A_0] : memref<2000x32xf32, #tpu.memory_space<vmem>>, vector<2000x32xf32>
    %get3A_2 = arith.constant 0 : index
    %get3A_3 = arith.constant 0 : index
    %get3A_4 = vector.load %arg2[%get3A_2, %get3A_3] : memref<2000x32xf32, #tpu.memory_space<vmem>>, vector<2000x32xf32>
    %concatenate3A = tpu.concatenate %get3A_1, %get3A_4 in 1 : vector<2000x32xf32>, vector<2000x32xf32> -> vector<2000x64xf32>
    %get3A_5 = arith.constant 0 : index
    %get3A_6 = arith.constant 0 : index
    %get3A_7 = vector.load %arg3[%get3A_5, %get3A_6] : memref<2000x64xf32, #tpu.memory_space<vmem>>, vector<2000x64xf32>
    %add3A = arith.addf %concatenate3A, %get3A_7 : vector<2000x64xf32>
    %max3A = arith.constant 0.000000e+00 : f32
    %max3A_8 = vector.broadcast %max3A : f32 to vector<2000x64xf32>
    %max3A_9 = arith.maximumf %add3A, %max3A_8 : vector<2000x64xf32>
    %iota3A = tpu.iota {dimensions = array<i32: 1>} : vector<2000x256xi32>
    %get3A_10 = arith.constant 0 : index
    %get3A_11 = arith.constant 0 : index
    %get3A_12 = vector.load %arg4[%get3A_10, %get3A_11] : memref<2000x1xi32, #tpu.memory_space<vmem>>, vector<2000x1xi32>
    %eq3A = vector.broadcast %get3A_12 : vector<2000x1xi32> to vector<2000x256xi32>
    %eq3A_13 = arith.cmpi eq, %iota3A, %eq3A : vector<2000x256xi32>
    %convert_element_type3A = arith.extui %eq3A_13 : vector<2000x256xi1> to vector<2000x256xi32>
    %convert_element_type3A_14 = arith.sitofp %convert_element_type3A : vector<2000x256xi32> to vector<2000x256xf32>
    %dot_general3A = arith.constant dense<0.000000e+00> : vector<256x64xf32>
    %dot_general3A_15 = tpu.matmul %convert_element_type3A_14, %max3A_9, %dot_general3A {dimension_numbers = #tpu.dot_dimension_numbers<[0], [0], [1], [1], [0, 1, 1, 1], [], []>, precision = #tpu.contract_precision<fp32>, transpose_lhs_hint = false} : vector<2000x256xf32>, vector<2000x64xf32>, vector<256x64xf32> -> vector<256x64xf32>
    %broadcast_in_dim3A = arith.constant 1.000000e+00 : f32
    %broadcast_in_dim3A_16 = vector.broadcast %broadcast_in_dim3A : f32 to vector<2000x64xf32>
    %dot_general3A_17 = arith.constant dense<0.000000e+00> : vector<256x64xf32>
    %dot_general3A_18 = tpu.matmul %convert_element_type3A_14, %broadcast_in_dim3A_16, %dot_general3A_17 {dimension_numbers = #tpu.dot_dimension_numbers<[0], [0], [1], [1], [0, 1, 1, 1], [], []>, precision = #tpu.contract_precision<fp32>, transpose_lhs_hint = false} : vector<2000x256xf32>, vector<2000x64xf32>, vector<256x64xf32> -> vector<256x64xf32>
    %eq3A_19 = arith.constant 0 : i32
    %eq3A_20 = arith.cmpi eq, %arg0, %eq3A_19 : i32
    %convert_element_type3A_21 = arith.extui %eq3A_20 : i1 to i32
    %cond3A = arith.constant 0 : i32
    %cond3A_22 = arith.cmpi ne, %convert_element_type3A_21, %cond3A : i32
    scf.if %cond3A_22 {
      %broadcast_in_dim3A_36 = arith.constant 0.000000e+00 : f32
      %broadcast_in_dim3A_37 = vector.broadcast %broadcast_in_dim3A_36 : f32 to vector<256x64xf32>
      %swap3A_38 = arith.constant 0 : index
      %swap3A_39 = arith.constant 0 : index
      %swap3A_40 = vector.load %arg5[%swap3A_38, %swap3A_39] : memref<256x64xf32, #tpu.memory_space<vmem>>, vector<256x64xf32>
      tpu.vector_store %arg5[%swap3A_38, %swap3A_39], %broadcast_in_dim3A_37 {strides = array<i32>} : memref<256x64xf32, #tpu.memory_space<vmem>>, vector<256x64xf32>,
      %broadcast_in_dim3A_41 = arith.constant 0.000000e+00 : f32
      %broadcast_in_dim3A_42 = vector.broadcast %broadcast_in_dim3A_41 : f32 to vector<256x64xf32>
      %swap3A_43 = arith.constant 0 : index
      %swap3A_44 = arith.constant 0 : index
      %swap3A_45 = vector.load %arg6[%swap3A_43, %swap3A_44] : memref<256x64xf32, #tpu.memory_space<vmem>>, vector<256x64xf32>
      tpu.vector_store %arg6[%swap3A_43, %swap3A_44], %broadcast_in_dim3A_42 {strides = array<i32>} : memref<256x64xf32, #tpu.memory_space<vmem>>, vector<256x64xf32>,
    } else {
    }
    %get3A_23 = arith.constant 0 : index
    %get3A_24 = arith.constant 0 : index
    %get3A_25 = vector.load %arg5[%get3A_23, %get3A_24] : memref<256x64xf32, #tpu.memory_space<vmem>>, vector<256x64xf32>
    %add3A_26 = arith.addf %get3A_25, %dot_general3A_15 : vector<256x64xf32>
    %swap3A = arith.constant 0 : index
    %swap3A_27 = arith.constant 0 : index
    %swap3A_28 = vector.load %arg5[%swap3A, %swap3A_27] : memref<256x64xf32, #tpu.memory_space<vmem>>, vector<256x64xf32>
    tpu.vector_store %arg5[%swap3A, %swap3A_27], %add3A_26 {strides = array<i32>} : memref<256x64xf32, #tpu.memory_space<vmem>>, vector<256x64xf32>,
    %get3A_29 = arith.constant 0 : index
    %get3A_30 = arith.constant 0 : index
    %get3A_31 = vector.load %arg6[%get3A_29, %get3A_30] : memref<256x64xf32, #tpu.memory_space<vmem>>, vector<256x64xf32>
    %add3A_32 = arith.addf %get3A_31, %dot_general3A_18 : vector<256x64xf32>
    %swap3A_33 = arith.constant 0 : index
    %swap3A_34 = arith.constant 0 : index
    %swap3A_35 = vector.load %arg6[%swap3A_33, %swap3A_34] : memref<256x64xf32, #tpu.memory_space<vmem>>, vector<256x64xf32>
    tpu.vector_store %arg6[%swap3A_33, %swap3A_34], %add3A_32 {strides = array<i32>} : memref<256x64xf32, #tpu.memory_space<vmem>>, vector<256x64xf32>,
    return
  }
  func.func @transform_0(%arg0: i32) -> (i32, i32) {
    %c0_i32 = arith.constant 0 : i32
    %c0_i32_0 = arith.constant 0 : i32
    return %arg0, %c0_i32 : i32, i32
  }
  func.func @transform_1(%arg0: i32) -> (i32, i32) {
    %add3A = arith.constant 25 : i32
    %add3A_0 = arith.addi %add3A, %arg0 : i32
    %c0_i32 = arith.constant 0 : i32
    %c0_i32_1 = arith.constant 0 : i32
    return %add3A_0, %c0_i32 : i32, i32
  }
  func.func @transform_2(%arg0: i32) -> (i32, i32) {
    %c0_i32 = arith.constant 0 : i32
    %c0_i32_0 = arith.constant 0 : i32
    return %arg0, %c0_i32 : i32, i32
  }
  func.func @transform_3(%arg0: i32) -> (i32, i32) {
    %c0_i32 = arith.constant 0 : i32
    %c0_i32_0 = arith.constant 0 : i32
    return %arg0, %c0_i32 : i32, i32
  }
  func.func @transform_4(%arg0: i32) -> (i32, i32) {
    %c0_i32 = arith.constant 0 : i32
    %c0_i32_0 = arith.constant 0 : i32
    %c0_i32_1 = arith.constant 0 : i32
    return %c0_i32, %c0_i32_0 : i32, i32
  }
  func.func @transform_5(%arg0: i32) -> (i32, i32) {
    %c0_i32 = arith.constant 0 : i32
    %c0_i32_0 = arith.constant 0 : i32
    %c0_i32_1 = arith.constant 0 : i32
    return %c0_i32, %c0_i32_0 : i32, i32
  }
}

</mosaic_0001>

<sc_bundles>
// kernel: kernel.14.cloned.1.call-start
scs
__scs_entry_jumppad:
0x0: {  	(pc) =	sbr.rel $0x88, $3  }
0x1: {  	(tag) =	ssettag $0x0;
	lr =	simm.s32 $0x1  }
0x2: {  	[smem:$0x3F81] =	sst lr;
	_ =	strace $0xD0000000  }
0x3: {  	_ = 	snop  }
0x4: {  	_ = 	snop  }
0x5: {  	_ = 	snop  }
0x6: {  	_ = 	snop  }
0x7: {  	_ = 	snop  }
__scs_overlays_trampoline_lowered:
0x8: {  	[smem:$0x3F90] =	sst s0  }
0x9: {  	[smem:$0x3F91] =	sst s1  }
0xa: {  	[smem:$0x3F92] =	sst s2  }
0xb: {  	[smem:$0x3F93] =	sst s3  }
0xc: {  	[smem:$0x3F94] =	sst s4  }
0xd: {  	[smem:$0x3F95] =	sst s5  }
0xe: {  	[smem:$0x3F96] =	sst s6  }
0xf: {  	[smem:$0x3F97] =	sst s7  }
0x10: {  	[smem:$0x3F98] =	sst s8  }
0x11: {  	[smem:$0x3F99] =	sst s9;
	s0 =	simm.s32 @!p0 $0x0  }
0x12: {  	s1 =	sld [smem:$0x3F7F];
	s0 =	simm.s32 @p0 $0x1  }
0x13: {  	[smem:$0x3F9A] =	sst s0;
	s0 =	simm.s32 @!p1 $0x0  }
0x14: {  	s2 =	sld [smem:$0x3F7E];
	s0 =	simm.s32 @p1 $0x1  }
0x15: {  	[smem:$0x3F9B] =	sst s0;
	s0 =	simm.s32 @!p2 $0x0  }
0x16: {  	s3 =	sld [smem:$0x3FDB];
	s0 =	simm.s32 @p2 $0x1  }
0x17: {  	s4 =	simm.s32 $0x1BF5;
	[smem:$0x3F9D] =	sst s0  }
0x18: {  	s0 =	sld [smem:$0x3F80];
	_ =	swait.ge [sflag:s4], $0x0  }
0x19: {  	s7 =	sld [smem:$0x3F81]  }
0x1a: {  	s8 =	sadd.s32 $0xFFFFE003, lr  }
0x1b: {  	s9 =	sadd.s32 $0xFFFFFEF7, lr;
	s5 =	simm.s32 $0xFFFFFFFF;
	p2 =	slt.u32 s8, $0xFFFFF086  }
0x1c: {  	p1 =	slt.u32 s9, $0xF7A;
	s5 =	simm.s32 @!p2 $0x0  }
0x1d: {  	s5 =	simm.s32 @p1 $0x1;
	p0 =	seq.s32 s7, s2  }
0x1e: {  	s7 =	smul.u32 @!p0 $0xF7A, s2;
	p2 =	seq.s32 @!p0 s5, $0x0  }
0x1f: {  	s9 =	smul.u32 $0xF7A, s1;
	s8 =	simm.s32 @!p0 $0x1BF5;
	p2 =	por !p2, p0  }
0x20: {  	[sflag:s8] =	ssyncset.s32 @!p0 $0xFFFFF086;
	s6 =	sadd.s32 @!p0 s3, s7;
	s7 =	simm.s32 @!p0 $0x108  }
0x21: {  	s3 =	sadd.s32 s3, s9;
	s6 =	sadd.s32 @!p0 $0x88, s6;
	s7 =	simm.s32 @p2 $0x1082  }
0x22: {  	[simem:s7], [sflag:s8] =	dma.local @!p0 [hbm:s6], $0xF7A  }
0x23: {  	s9 =	sor.u32 $0xD0000000, s2;
	s6 =	simm.s32 $0x108;
	_ =	swait.ge @!p0 [sflag:s8], $0x0  }
0x24: {  	s3 =	sadd.s32 $0x88, s3;
	s6 =	simm.s32 @!p1 $0x1082;
	[sflag:s4] =	ssyncset.s32 $0xFFFFF086  }
0x25: {  	[simem:s6], [sflag:s4] =	dma.local [hbm:s3], $0xF7A  }
0x26: {  	[smem:$0x3F81] =	sst s1;
	(tag) =	ssettag s2;
	_ =	strace s9  }
0x27: {  	s1 =	sld [smem:$0x3F91]  }
0x28: {  	s2 =	sld [smem:$0x3F92]  }
0x29: {  	s4 =	sld [smem:$0x3F94]  }
0x2a: {  	p0 =	seq.s32 s5, $0x0;
	s5 =	sld [smem:$0x3F95]  }
0x2b: {  	s6 =	sld [smem:$0x3F96]  }
0x2c: {  	s7 =	sld [smem:$0x3F97]  }
0x2d: {  	s3 =	simm.s32 $0x108;
	s8 =	sld [smem:$0x3F98]  }
0x2e: {  	s3 =	simm.s32 @!p0 $0x1082;
	s9 =	sld [smem:$0x3F99]  }
0x2f: {  	lr =	sadd.s32 s0, s3;
	s0 =	sld [smem:$0x3F90]  }
0x30: {  	s3 =	sld [smem:$0x3F93]  }
0x31: {  	[smem:$0x3F9C] =	sst s10  }
0x32: {  	s10 =	sld [smem:$0x3F9A];
	_ =	sdelay $0x3  }
0x33: {  	p0 =	seq.s32 s10, $0x1;
	s10 =	sld [smem:$0x3F9C];
	_ =	sdelay $0x3  }
0x34: {  	[smem:$0x3F9C] =	sst s10  }
0x35: {  	s10 =	sld [smem:$0x3F9B];
	_ =	sdelay $0x3  }
0x36: {  	p1 =	seq.s32 s10, $0x1;
	s10 =	sld [smem:$0x3F9C];
	_ =	sdelay $0x3  }
0x37: {  	[smem:$0x3F9C] =	sst s10  }
0x38: {  	s10 =	sld [smem:$0x3F9D]  }
0x39: {  	_ = 	snop;
	(pc) =	sbr.ind lr, $3  }
0x3a: {  	_ = 	snop  }
0x3b: {  	_ = 	snop  }
0x3c: {  	p2 =	seq.s32 s10, $0x1;
	s10 =	sld [smem:$0x3F9C]  }
0x3d: {  	_ =	shalt  }
0x3e: {  	_ =	shalt  }
0x3f: {  	_ =	shalt  }
0x40: {  	_ =	shalt  }
0x41: {  	_ =	shalt  }
0x42: {  	_ =	shalt  }
0x43: {  	_ =	shalt  }
0x44: {  	_ =	shalt  }
0x45: {  	_ =	shalt  }
0x46: {  	_ =	shalt  }
0x47: {  	_ =	shalt  }
0x48: {  	_ =	shalt  }
0x49: {  	_ =	shalt  }
0x4a: {  	_ =	shalt  }
0x4b: {  	_ =	shalt  }
0x4c: {  	_ =	shalt  }
0x4d: {  	_ =	shalt  }
0x4e: {  	_ =	shalt  }
0x4f: {  	_ =	shalt  }
0x50: {  	_ =	shalt  }
0x51: {  	_ =	shalt  }
0x52: {  	_ =	shalt  }
0x53: {  	_ =	shalt  }
0x54: {  	_ =	shalt  }
0x55: {  	_ =	shalt  }
0x56: {  	_ =	shalt  }
0x57: {  	_ =	shalt  }
0x58: {  	_ =	shalt  }
0x59: {  	_ =	shalt  }
0x5a: {  	_ =	shalt  }
0x5b: {  	_ =	shalt  }
0x5c: {  	_ =	shalt  }
0x5d: {  	_ =	shalt  }
0x5e: {  	_ =	shalt  }
0x5f: {  	_ =	shalt  }
0x60: {  	_ =	shalt  }
0x61: {  	_ =	shalt  }
0x62: {  	_ =	shalt  }
0x63: {  	_ =	shalt  }
0x64: {  	_ =	shalt  }
0x65: {  	_ =	shalt  }
0x66: {  	_ =	shalt  }
0x67: {  	_ =	shalt  }
0x68: {  	_ =	shalt  }
0x69: {  	_ =	shalt  }
0x6a: {  	_ =	shalt  }
0x6b: {  	_ =	shalt  }
0x6c: {  	_ =	shalt  }
0x6d: {  	_ =	shalt  }
0x6e: {  	_ =	shalt  }
0x6f: {  	_ =	shalt  }
0x70: {  	_ =	shalt  }
0x71: {  	_ =	shalt  }
0x72: {  	_ =	shalt  }
0x73: {  	_ =	shalt  }
0x74: {  	_ =	shalt  }
0x75: {  	_ =	shalt  }
0x76: {  	_ =	shalt  }
0x77: {  	_ =	shalt  }
0x78: {  	_ =	shalt  }
0x79: {  	_ =	shalt  }
0x7a: {  	_ =	shalt  }
0x7b: {  	_ =	shalt  }
0x7c: {  	_ =	shalt  }
0x7d: {  	_ =	shalt  }
0x7e: {  	_ =	shalt  }
0x7f: {  	_ =	shalt  }
0x80: {  	_ =	shalt  }
0x81: {  	_ =	shalt  }
0x82: {  	_ =	shalt  }
0x83: {  	_ =	shalt  }
0x84: {  	_ =	shalt  }
0x85: {  	_ =	shalt  }
0x86: {  	_ =	shalt  }
0x87: {  	_ =	shalt  }
.Lfunc_end0:
.L_simem_size_0:
called_computation_lowered:
.L_overlay_start_0:
0x88: {  	s2 =	sld [smem:$0x3FD9]  }
0x89: {  	s3 =	sld [smem:$0x3FFE];
	_ =	sdelay $0x1  }
0x8a: {  	s1 =	srdreg.scid  }
0x8b: {  	s0 =	sand.u32 $0x1, s1  }
0x8c: {  	s16 =	sshll.u32 s0, $0xA;
	s2 =	sadd.s32 s3, s2  }
0x8d: {  	s2 =	sadd.s32 s2, s16  }
0x8e: {  	[smem:$0x3FA8] =	sst s2  }
0x8f: {  	_ = 	snop  }
0x90: {  	(tm) =	ssettm $0x1  }
0x91: {  	s17 =	sld [smem:$0x3FFB];
	_ =	sdelay $0x3  }
0x92: {  	_ =	strace s17  }
0x93: {  	s2 =	sld [smem:$0x3FFC];
	_ =	sdelay $0x3  }
0x94: {  	_ =	strace s2  }
0x95: {  	s2 =	sld [smem:$0x3FFD];
	_ =	sdelay $0x3  }
0x96: {  	_ =	strace s2  }
0x97: {  	_ =	strace $0x8FFFFFFF  }
0x98: {  	s18 =	sld [smem:$0x3FDB];
	_ =	sdelay $0x1  }
0x99: {  	s19 =	simm.s32 $_scs_section_size  }
0x9a: {  	s4 =	simm.s32 $_size__tile_overlayer_lowered;
	s5 =	simm.s32 $_tile_overlayer_lowered  }
0x9b: {  	s22 =	simm.s32 $0x1BFF;
	s21 =	sshll.u32 s5, $0x1;
	s2 =	sadd.s32 s19, s18  }
0x9c: {  	s6 =	simm.s32 $0x0;
	s20 =	sshll.u32 s4, $0x1;
	s4 =	sadd.s32 s21, s2  }
0x9d: {  	[timem:s6], [sflag:s22] =	dma.local [hbm:s4], s20  }
0x9e: {  	_ =	swait.ge [sflag:s22], s20  }
0x9f: {  	s3 =	ssub.s32 $0x0, s20;
	[sflag:s22] =	ssyncset.done $0x0  }
0xa0: {  	[sflag:s22] =	ssyncadd.s32 s3;
	_ =	sdelay $0x1  }
0xa1: {  	s23 =	simm.s32 $0x1B8B  }
0xa2: {  	_ =	swait.ge [sflag:s23], $0x1  }
0xa3: {  	[sflag:s23] =	ssyncset.done $0x0  }
0xa4: {  	s25 =	simm.s32 $0x1B8E;
	s24 =	sld [smem:$0x3FFE];
	[sflag:s23] =	ssyncadd.s32 $0xFFFFFFFF  }
0xa5: {  	s26 =	simm.s32 $execute0_lowered;
	[smem:$0x3FD2] =	sst s25  }
0xa6: {  	s4 =	sshll.u32 s26, $0x1;
	_ =	strace $0x80000046;
	[dreg:$0x1] =	wrdreg $0xFFFFFFFF  }
0xa7: {  	s28 =	simm.s32 $_size_execute0_lowered;
	s2 =	sadd.s32 s2, s4;
	[dreg:$0x0] =	wrdreg $0x0  }
0xa8: {  	s4 =	sshll.u32 s28, $0x1;
	[dreg:$0x2] =	wrdreg s2  }
0xa9: {  	[dreg:$0x3] =	wrdreg s4  }
0xaa: {  	[dreg:$0x4] =	wrdreg $0xC0  }
0xab: {  	_ =	task [dreg:s6], $0x5FFFF  }
0xac: {  	[dreg:$0x1] =	wrdreg $0xFFFFFFFF  }
0xad: {  	[dreg:$0x0] =	wrdreg $0x60  }
0xae: {  	[dreg:$0x2] =	wrdreg s24  }
0xaf: {  	[dreg:$0x3] =	wrdreg $0x0  }
0xb0: {  	[dreg:$0x4] =	wrdreg $0x9  }
0xb1: {  	_ =	task.clear_ibuf [dreg:s6], $0x5FFFF;
	_ =	strace $0x90000046  }
0xb2: {  	s29 =	simm.s32 $0x9;
	_ =	strace $0x80000048  }
0xb3: {  	_ =	swait.ge [sflag:s29], $0x1  }
0xb4: {  	[sflag:s29] =	ssyncadd.s32 $0xFFFFFFFF  }
0xb5: {  	_ =	strace $0x90000048  }
0xb6: {  	_ =	sfence  }
0xb7: {  	s30 =	sld [smem:$0x0];
	_ =	sdelay $0x2  }
0xb8: {  	s31 =	sshll.u32 s1, $0xD;
	s1 =	sshrl.u32 s1, $0x2  }
0xb9: {  	s3 =	sand.u32 $0x4000, s31;
	s1 =	sadd.s32 s1, s30  }
0xba: {  	s0 =	sor.u32 s3, s0;
	s1 =	sshll.u32 s1, $0x11  }
0xbb: {  	s0 =	sor.u32 s1, s0  }
0xbc: {  	s0 =	sadd.s32 $0x8F2B, s0  }
0xbd: {  	[sflag:s0] =	ssyncadd.remote.s32 $0x1  }
0xbe: {  	_ =	sfence.sel $0xFFFF  }
0xbf: {  	[dreg:$0x0] =	wrdreg $0xFFFFFFFF;
	(pc) =	sbr.abs _section_cstart, $3  }
0xc0: {  	[dreg:$0x1] =	wrdreg $0xFFFFFFFF  }
0xc1: {  	_ =	task.clear_ibuf [dreg:s6], $0x2FFFF;
	_ =	strace $0x9FFFFFFF  }
0xc2: {  	(tm) =	ssettm $0x7FFFFFFF  }
0xc3: {  	_ =	shalt  }
tec
execute0_lowered:
.L_overlay_start_1:
0x0: {  	(tag) =	ssettag $0x1  }
0x1: {  	s0 =	srdreg.scid;
	s5 =	rddreg [dreg:$0x0]  }
0x2: {  	s2 =	rddreg [dreg:$0x1];
	s6 =	sand.u32 $0x1, s0  }
0x3: {  	s0 =	stileid.u32;
	s4 =	smul.u32 $0x61A80, s6  }
0x4: {  	s1 =	rddreg [dreg:$0x2];
	s7 =	smul.u32 $0x61A8, s0  }
0x5: {  	s3 =	simm.s32 $0x0;
	s15 =	simm.s32 $0xC350;
	s8 =	smul.u32 $0xC3500, s6  }
0x6: {  	s16 =	simm.s32 $0x28;
	[smem:$0x7FF] =	sst s3;
	s10 =	smul.u32 $0x32000, s0  }
0x7: {  	s14 =	sadd.s32 $0x1C6A00, s5;
	s11 =	ssub.s32 $0x2, s6;
	s6 =	smul.u32 $0x186A0, s6  }
0x8: {  	s17 =	simm.s32 $0x0;
	_ =	strace $0x80000047;
	s13 =	smul.u32 $0x1900, s0  }
0x9: {  	s31 =	smul.u32 $0xC350, s0;
	p0 =	seq.s32 s0, $0xF;
	s12 =	sshrl.u32 s11, $0x1  }
0xa: {  	s4 =	sadd.s32 s7, s4;
	s28 =	sadd.s32 s8, s5;
	s10 =	sshrl.u32 s10, $0x2  }
0xb: {  	s11 =	ssub.s32 s11, s12;
	s29 =	sadd.s32 s13, s6;
	s30 =	sshrl.u32 s8, $0x3  }
0xc: {  	s13 =	simm.s32 $0xC5D0;
	s4 =	sshrl.u32 s4, $0x3;
	s12 =	sadd.s32 s10, s2  }
0xd: {  	s10 =	sadd.s32 $0xBB800, s2;
	s6 =	sadd.s32 s14, s30;
	s8 =	sadd.s32 s31, s28  }
0xe: {  	s7 =	smax.u32 s11, $0x1;
	s11 =	sshll.u32 @!p0 s0, $0x6;
	s9 =	sadd.s32 s4, s5  }
0xf: {  	s4 =	sadd.s32 $0x1C5000, s5;
	s5 =	sadd.s32 s14, s29;
	s6 =	sadd.s32 $0x17700, s6  }
0x10: {  	s8 =	sadd.s32 $0x3E600, s8;
	s10 =	sshrl.u32 @p0 s10, $0x3;
	s11 =	sor.u32 @!p0 $0x1C01, s11  }
0x11: {  	s12 =	sshrl.u32 @!p0 s12, $0x3;
	s14 =	simm.s32 $0x1;
	s9 =	sadd.s32 $0xD600, s9  }
.LBB2_1:
0x12: {  	s18 =	simm.s32 @p0 $0x1FC1  }
0x13: {  	[spmem:s10], [sflag:s18] =	dma.local @p0 [hbm:s4], $0xFA0  }
0x14: {  	s18 =	simm.s32 @p0 $0x1  }
0x15: {  	_ =	swait.ge @p0 [sflag:s18], $0xFA0  }
0x16: {  	[sflag:s18] =	ssyncset.done @p0 $0x0  }
0x17: {  	[sflag:s18] =	ssyncadd.s32 @p0 $0xFFFFF060;
	s18 =	simm.s32 @!p0 $0x1  }
0x18: {  	[spmem:s12], [sflag:s11] =	dma.local @!p0 [hbm:s4], $0x1900  }
0x19: {  	_ =	swait.ge @!p0 [sflag:s18], $0x1900  }
0x1a: {  	[sflag:s18] =	ssyncset.done @!p0 $0x0  }
0x1b: {  	[sflag:s18] =	ssyncadd.s32 @!p0 $0xFFFFE700  }
0x1c: {  	s31 =	sadd.s32 $0x0, s9;
	[bflag:$0x0] =	sbarrier.arrive $0xFFFF  }
0x1d: {  	[tilespmem:s13], [sflag:$0x1] =	stream.linear.gather [hbm4b:s31+s3], $0x28, $0x38;
	[tilespmem:$0xC5F8] =	vst v63  }
0x1e: {  	_ =	swait.ge [sflag:s14], $0x28  }
0x1f: {  	[sflag:s14] =	ssyncset.done $0x0  }
0x20: {  	[sflag:s14] =	ssyncadd.s32 $0xFFFFFFD8  }
0x21: {  	[tilespmem:s15], [sflag:$0x1] =	stream.linear.gather [hbm4b:s8+s3], $0x280, $0x38;
	[tilespmem:$0xC5F8] =	vst v63  }
0x22: {  	_ =	swait.ge [sflag:s14], $0x280  }
0x23: {  	[sflag:s14] =	ssyncset.done $0x0  }
0x24: {  	[sflag:s14] =	ssyncadd.s32 $0xFFFFFD80  }
0x25: {  	[spmem:s2] =	stream.indirect.scatter.add.f32 [tilespmem:s15], [sflag:$0x1], $0x10, s13, s16, $0xb8;
	[tilespmem:$0xC5F8] =	vst v63  }
0x26: {  	s19 =	simm.s32 $0x5;
	_ =	swait.ge [sflag:s14], $0x280  }
0x27: {  	s20 =	simm.s32 $0xA;
	s18 =	sadd.s32 $0x50, s8;
	[sflag:s14] =	ssyncset.done $0x0  }
.LBB2_2:
0x28: {  	s21 =	sadd.s32 s19, s9  }
0x29: {  	[sflag:s14] =	ssyncadd.s32 $0xFFFFFD80;
	s19 =	smov.u32 s20;
	s22 =	sadd.s32 $0x5, s20  }
0x2a: {  	[tilespmem:s13], [sflag:$0x1] =	stream.linear.gather [hbm4b:s21+s3], $0x28, $0x38;
	[tilespmem:$0xC5F8] =	vst v63  }
0x2b: {  	p1 =	sne.s32 s20, $0xC30;
	_ =	swait.ge [sflag:s14], $0x28  }
0x2c: {  	[sflag:s14] =	ssyncset.done $0x0  }
0x2d: {  	[sflag:s14] =	ssyncadd.s32 $0xFFFFFFD8  }
0x2e: {  	[tilespmem:s15], [sflag:$0x1] =	stream.linear.gather [hbm4b:s18+s3], $0x280, $0x38;
	[tilespmem:$0xC5F8] =	vst v63  }
0x2f: {  	_ =	swait.ge [sflag:s14], $0x280  }
.Ltmp0:
0x30: {  	[sflag:s14] =	ssyncset.done $0x0;
	(pc) =	sbr.rel @p1 .LBB2_2-.Ltmp0, $4  }
0x31: {  	[sflag:s14] =	ssyncadd.s32 $0xFFFFFD80  }
0x32: {  	[spmem:s2] =	stream.indirect.scatter.add.f32 [tilespmem:s15], [sflag:$0x1], $0x10, s13, s16, $0xb8;
	[tilespmem:$0xC5F8] =	vst v63  }
0x33: {  	_ =	swait.ge [sflag:s14], $0x280  }
0x34: {  	s20 =	smov.u32 s22;
	s18 =	sadd.s32 $0x50, s18;
	[sflag:s14] =	ssyncset.done $0x0  }
0x35: {  	s19 =	sadd.s32 s19, s9;
	[sflag:s14] =	ssyncadd.s32 $0xFFFFFD80  }
0x36: {  	[tilespmem:s13], [sflag:$0x1] =	stream.linear.gather [hbm4b:s19+s3], $0x28, $0x38;
	[tilespmem:$0xC5F8] =	vst v63  }
0x37: {  	_ =	swait.ge [sflag:s14], $0x28  }
0x38: {  	[sflag:s14] =	ssyncset.done $0x0  }
0x39: {  	[sflag:s14] =	ssyncadd.s32 $0xFFFFFFD8  }
0x3a: {  	[tilespmem:s15], [sflag:$0x1] =	stream.linear.gather [hbm4b:s18+s3], $0x280, $0x38;
	[tilespmem:$0xC5F8] =	vst v63  }
0x3b: {  	_ =	swait.ge [sflag:s14], $0x280  }
0x3c: {  	[sflag:s14] =	ssyncset.done $0x0  }
0x3d: {  	[sflag:s14] =	ssyncadd.s32 $0xFFFFFD80  }
0x3e: {  	[spmem:s2] =	stream.indirect.scatter.add.f32 [tilespmem:s15], [sflag:$0x1], $0x10, s13, s16, $0xb8;
	[tilespmem:$0xC5F8] =	vst v63  }
0x3f: {  	_ =	swait.ge [sflag:s14], $0x280  }
0x40: {  	[sflag:s14] =	ssyncset.done $0x0  }
0x41: {  	[sflag:s14] =	ssyncadd.s32 $0xFFFFFD80  }
0x42: {  	s18 =	simm.s32 @p0 $0x1FC1;
	[bflag:$0x0] =	sbarrier.arrive $0xFFFF  }
0x43: {  	[hbm:s6], [sflag:s18] =	dma.local @p0 [spmem:s10], $0xFA0  }
0x44: {  	s18 =	simm.s32 @p0 $0x1  }
0x45: {  	s17 =	sadd.s32 $0x1, s17;
	_ =	swait.ge @p0 [sflag:s18], $0xFA0  }
0x46: {  	p1 =	sne.s32 s17, s7;
	[sflag:s18] =	ssyncset.done @p0 $0x0  }
.Ltmp1:
0x47: {  	[sflag:s18] =	ssyncadd.s32 @p0 $0xFFFFF060;
	s18 =	simm.s32 @!p0 $0x1;
	(pc) =	sbr.rel @p1 .LBB2_1-.Ltmp1, $4  }
0x48: {  	[hbm:s5], [sflag:s11] =	dma.local @!p0 [spmem:s12], $0x1900  }
0x49: {  	_ =	swait.ge @!p0 [sflag:s18], $0x1900  }
0x4a: {  	[sflag:s18] =	ssyncset.done @!p0 $0x0  }
0x4b: {  	[sflag:s18] =	ssyncadd.s32 @!p0 $0xFFFFE700  }
0x4c: {  	_ =	sfence.sel $0x180000  }
0x4d: {  	[bflag:$0x0] =	sbarrier.arrive $0xFFFF  }
0x4e: {  	p0 =	sne.s32 s0, $0x0;
	_ =	strace $0x90000047  }
0x4f: {  	s0 =	sadd.s32 @!p0 $0x100000, s1;
	[bflag:$0x2] =	sbarrier.arrive $0xFFFF  }
0x50: {  	[sflag:s0] =	ssyncadd.tile.s32 @!p0 $0x1;
	_ =	shalt  }
.Lfunc_end2:
_tile_overlayer_lowered:
.L_overlay_start_2:
0x51: {  	(tag) =	ssettag $0x2  }
0x52: {  	s0 =	rddreg [dreg:$0x0];
	s2 =	stileid.u32  }
0x53: {  	s1 =	rddreg [dreg:$0x1];
	p0 =	sne.s32 s2, $0x0  }
0x54: {  	s3 =	rddreg [dreg:$0x2];
	[bflag:$0x3] =	sbarrier.arrive $0xFFFF;
	s2 =	simm.s32 @!p0 $0x1C01  }
0x55: {  	[timem:s3], [sflag:s2] =	dma.local @!p0 [hbm:s0], s1  }
0x56: {  	s0 =	simm.s32 @!p0 $0x1  }
0x57: {  	_ =	swait.ge @!p0 [sflag:s0], s1  }
0x58: {  	s1 =	ssub.s32 @!p0 $0x0, s1;
	[sflag:s0] =	ssyncset.done @!p0 $0x0  }
0x59: {  	[sflag:s0] =	ssyncadd.s32 @!p0 s1  }
0x5a: {  	[bflag:$0x3] =	sbarrier.arrive $0xFFFF  }
0x5b: {  	_ =	shalt  }

// kernel: kernel.17.cloned.1.call-start
scs
__scs_entry_jumppad:
0x0: {  	(pc) =	sbr.rel $0x88, $3  }
0x1: {  	(tag) =	ssettag $0x0;
	lr =	simm.s32 $0x1  }
0x2: {  	[smem:$0x3F81] =	sst lr;
	_ =	strace $0xD0000000  }
0x3: {  	_ = 	snop  }
0x4: {  	_ = 	snop  }
0x5: {  	_ = 	snop  }
0x6: {  	_ = 	snop  }
0x7: {  	_ = 	snop  }
__scs_overlays_trampoline_lowered:
0x8: {  	[smem:$0x3F90] =	sst s0  }
0x9: {  	[smem:$0x3F91] =	sst s1  }
0xa: {  	[smem:$0x3F92] =	sst s2  }
0xb: {  	[smem:$0x3F93] =	sst s3  }
0xc: {  	[smem:$0x3F94] =	sst s4  }
0xd: {  	[smem:$0x3F95] =	sst s5  }
0xe: {  	[smem:$0x3F96] =	sst s6  }
0xf: {  	[smem:$0x3F97] =	sst s7  }
0x10: {  	[smem:$0x3F98] =	sst s8  }
0x11: {  	[smem:$0x3F99] =	sst s9;
	s0 =	simm.s32 @!p0 $0x0  }
0x12: {  	s1 =	sld [smem:$0x3F7F];
	s0 =	simm.s32 @p0 $0x1  }
0x13: {  	[smem:$0x3F9A] =	sst s0;
	s0 =	simm.s32 @!p1 $0x0  }
0x14: {  	s2 =	sld [smem:$0x3F7E];
	s0 =	simm.s32 @p1 $0x1  }
0x15: {  	[smem:$0x3F9B] =	sst s0;
	s0 =	simm.s32 @!p2 $0x0  }
0x16: {  	s3 =	sld [smem:$0x3FDB];
	s0 =	simm.s32 @p2 $0x1  }
0x17: {  	s4 =	simm.s32 $0x1BF5;
	[smem:$0x3F9D] =	sst s0  }
0x18: {  	s0 =	sld [smem:$0x3F80];
	_ =	swait.ge [sflag:s4], $0x0  }
0x19: {  	s7 =	sld [smem:$0x3F81]  }
0x1a: {  	s8 =	sadd.s32 $0xFFFFE003, lr  }
0x1b: {  	s9 =	sadd.s32 $0xFFFFFEF7, lr;
	s5 =	simm.s32 $0xFFFFFFFF;
	p2 =	slt.u32 s8, $0xFFFFF086  }
0x1c: {  	p1 =	slt.u32 s9, $0xF7A;
	s5 =	simm.s32 @!p2 $0x0  }
0x1d: {  	s5 =	simm.s32 @p1 $0x1;
	p0 =	seq.s32 s7, s2  }
0x1e: {  	s7 =	smul.u32 @!p0 $0xF7A, s2;
	p2 =	seq.s32 @!p0 s5, $0x0  }
0x1f: {  	s9 =	smul.u32 $0xF7A, s1;
	s8 =	simm.s32 @!p0 $0x1BF5;
	p2 =	por !p2, p0  }
0x20: {  	[sflag:s8] =	ssyncset.s32 @!p0 $0xFFFFF086;
	s6 =	sadd.s32 @!p0 s3, s7;
	s7 =	simm.s32 @!p0 $0x108  }
0x21: {  	s3 =	sadd.s32 s3, s9;
	s6 =	sadd.s32 @!p0 $0x88, s6;
	s7 =	simm.s32 @p2 $0x1082  }
0x22: {  	[simem:s7], [sflag:s8] =	dma.local @!p0 [hbm:s6], $0xF7A  }
0x23: {  	s9 =	sor.u32 $0xD0000000, s2;
	s6 =	simm.s32 $0x108;
	_ =	swait.ge @!p0 [sflag:s8], $0x0  }
0x24: {  	s3 =	sadd.s32 $0x88, s3;
	s6 =	simm.s32 @!p1 $0x1082;
	[sflag:s4] =	ssyncset.s32 $0xFFFFF086  }
0x25: {  	[simem:s6], [sflag:s4] =	dma.local [hbm:s3], $0xF7A  }
0x26: {  	[smem:$0x3F81] =	sst s1;
	(tag) =	ssettag s2;
	_ =	strace s9  }
0x27: {  	s1 =	sld [smem:$0x3F91]  }
0x28: {  	s2 =	sld [smem:$0x3F92]  }
0x29: {  	s4 =	sld [smem:$0x3F94]  }
0x2a: {  	p0 =	seq.s32 s5, $0x0;
	s5 =	sld [smem:$0x3F95]  }
0x2b: {  	s6 =	sld [smem:$0x3F96]  }
0x2c: {  	s7 =	sld [smem:$0x3F97]  }
0x2d: {  	s3 =	simm.s32 $0x108;
	s8 =	sld [smem:$0x3F98]  }
0x2e: {  	s3 =	simm.s32 @!p0 $0x1082;
	s9 =	sld [smem:$0x3F99]  }
0x2f: {  	lr =	sadd.s32 s0, s3;
	s0 =	sld [smem:$0x3F90]  }
0x30: {  	s3 =	sld [smem:$0x3F93]  }
0x31: {  	[smem:$0x3F9C] =	sst s10  }
0x32: {  	s10 =	sld [smem:$0x3F9A];
	_ =	sdelay $0x3  }
0x33: {  	p0 =	seq.s32 s10, $0x1;
	s10 =	sld [smem:$0x3F9C];
	_ =	sdelay $0x3  }
0x34: {  	[smem:$0x3F9C] =	sst s10  }
0x35: {  	s10 =	sld [smem:$0x3F9B];
	_ =	sdelay $0x3  }
0x36: {  	p1 =	seq.s32 s10, $0x1;
	s10 =	sld [smem:$0x3F9C];
	_ =	sdelay $0x3  }
0x37: {  	[smem:$0x3F9C] =	sst s10  }
0x38: {  	s10 =	sld [smem:$0x3F9D]  }
0x39: {  	_ = 	snop;
	(pc) =	sbr.ind lr, $3  }
0x3a: {  	_ = 	snop  }
0x3b: {  	_ = 	snop  }
0x3c: {  	p2 =	seq.s32 s10, $0x1;
	s10 =	sld [smem:$0x3F9C]  }
0x3d: {  	_ =	shalt  }
0x3e: {  	_ =	shalt  }
0x3f: {  	_ =	shalt  }
0x40: {  	_ =	shalt  }
0x41: {  	_ =	shalt  }
0x42: {  	_ =	shalt  }
0x43: {  	_ =	shalt  }
0x44: {  	_ =	shalt  }
0x45: {  	_ =	shalt  }
0x46: {  	_ =	shalt  }
0x47: {  	_ =	shalt  }
0x48: {  	_ =	shalt  }
0x49: {  	_ =	shalt  }
0x4a: {  	_ =	shalt  }
0x4b: {  	_ =	shalt  }
0x4c: {  	_ =	shalt  }
0x4d: {  	_ =	shalt  }
0x4e: {  	_ =	shalt  }
0x4f: {  	_ =	shalt  }
0x50: {  	_ =	shalt  }
0x51: {  	_ =	shalt  }
0x52: {  	_ =	shalt  }
0x53: {  	_ =	shalt  }
0x54: {  	_ =	shalt  }
0x55: {  	_ =	shalt  }
0x56: {  	_ =	shalt  }
0x57: {  	_ =	shalt  }
0x58: {  	_ =	shalt  }
0x59: {  	_ =	shalt  }
0x5a: {  	_ =	shalt  }
0x5b: {  	_ =	shalt  }
0x5c: {  	_ =	shalt  }
0x5d: {  	_ =	shalt  }
0x5e: {  	_ =	shalt  }
0x5f: {  	_ =	shalt  }
0x60: {  	_ =	shalt  }
0x61: {  	_ =	shalt  }
0x62: {  	_ =	shalt  }
0x63: {  	_ =	shalt  }
0x64: {  	_ =	shalt  }
0x65: {  	_ =	shalt  }
0x66: {  	_ =	shalt  }
0x67: {  	_ =	shalt  }
0x68: {  	_ =	shalt  }
0x69: {  	_ =	shalt  }
0x6a: {  	_ =	shalt  }
0x6b: {  	_ =	shalt  }
0x6c: {  	_ =	shalt  }
0x6d: {  	_ =	shalt  }
0x6e: {  	_ =	shalt  }
0x6f: {  	_ =	shalt  }
0x70: {  	_ =	shalt  }
0x71: {  	_ =	shalt  }
0x72: {  	_ =	shalt  }
0x73: {  	_ =	shalt  }
0x74: {  	_ =	shalt  }
0x75: {  	_ =	shalt  }
0x76: {  	_ =	shalt  }
0x77: {  	_ =	shalt  }
0x78: {  	_ =	shalt  }
0x79: {  	_ =	shalt  }
0x7a: {  	_ =	shalt  }
0x7b: {  	_ =	shalt  }
0x7c: {  	_ =	shalt  }
0x7d: {  	_ =	shalt  }
0x7e: {  	_ =	shalt  }
0x7f: {  	_ =	shalt  }
0x80: {  	_ =	shalt  }
0x81: {  	_ =	shalt  }
0x82: {  	_ =	shalt  }
0x83: {  	_ =	shalt  }
0x84: {  	_ =	shalt  }
0x85: {  	_ =	shalt  }
0x86: {  	_ =	shalt  }
0x87: {  	_ =	shalt  }
.Lfunc_end0:
.L_simem_size_0:
called_computation.1_lowered:
.L_overlay_start_0:
0x88: {  	s2 =	sld [smem:$0x3FD9]  }
0x89: {  	s3 =	sld [smem:$0x3FFE];
	_ =	sdelay $0x1  }
0x8a: {  	s1 =	srdreg.scid  }
0x8b: {  	s0 =	sand.u32 $0x1, s1  }
0x8c: {  	s16 =	sshll.u32 s0, $0xA;
	s2 =	sadd.s32 s3, s2  }
0x8d: {  	s2 =	sadd.s32 s2, s16  }
0x8e: {  	[smem:$0x3FA8] =	sst s2  }
0x8f: {  	_ = 	snop  }
0x90: {  	(tm) =	ssettm $0x1  }
0x91: {  	s17 =	sld [smem:$0x3FFB];
	_ =	sdelay $0x3  }
0x92: {  	_ =	strace s17  }
0x93: {  	s2 =	sld [smem:$0x3FFC];
	_ =	sdelay $0x3  }
0x94: {  	_ =	strace s2  }
0x95: {  	s2 =	sld [smem:$0x3FFD];
	_ =	sdelay $0x3  }
0x96: {  	_ =	strace s2  }
0x97: {  	_ =	strace $0x8FFFFFFF  }
0x98: {  	s18 =	sld [smem:$0x3FDB];
	_ =	sdelay $0x1  }
0x99: {  	s19 =	simm.s32 $_scs_section_size  }
0x9a: {  	s4 =	simm.s32 $_size__tile_overlayer_lowered;
	s5 =	simm.s32 $_tile_overlayer_lowered  }
0x9b: {  	s22 =	simm.s32 $0x1BFF;
	s21 =	sshll.u32 s5, $0x1;
	s2 =	sadd.s32 s19, s18  }
0x9c: {  	s6 =	simm.s32 $0x0;
	s20 =	sshll.u32 s4, $0x1;
	s4 =	sadd.s32 s21, s2  }
0x9d: {  	[timem:s6], [sflag:s22] =	dma.local [hbm:s4], s20  }
0x9e: {  	_ =	swait.ge [sflag:s22], s20  }
0x9f: {  	s3 =	ssub.s32 $0x0, s20;
	[sflag:s22] =	ssyncset.done $0x0  }
0xa0: {  	[sflag:s22] =	ssyncadd.s32 s3;
	_ =	sdelay $0x1  }
0xa1: {  	s23 =	simm.s32 $0x1B8B  }
0xa2: {  	_ =	swait.ge [sflag:s23], $0x1  }
0xa3: {  	[sflag:s23] =	ssyncset.done $0x0  }
0xa4: {  	s25 =	simm.s32 $0x1B8E;
	s24 =	sld [smem:$0x3FFE];
	[sflag:s23] =	ssyncadd.s32 $0xFFFFFFFF  }
0xa5: {  	s26 =	simm.s32 $execute0_lowered;
	[smem:$0x3FD2] =	sst s25  }
0xa6: {  	s4 =	sshll.u32 s26, $0x1;
	_ =	strace $0x80000049;
	[dreg:$0x1] =	wrdreg $0xFFFFFFFF  }
0xa7: {  	s28 =	simm.s32 $_size_execute0_lowered;
	s2 =	sadd.s32 s2, s4;
	[dreg:$0x0] =	wrdreg $0x0  }
0xa8: {  	s4 =	sshll.u32 s28, $0x1;
	[dreg:$0x2] =	wrdreg s2  }
0xa9: {  	[dreg:$0x3] =	wrdreg s4  }
0xaa: {  	[dreg:$0x4] =	wrdreg $0xC0  }
0xab: {  	_ =	task [dreg:s6], $0x5FFFF  }
0xac: {  	[dreg:$0x1] =	wrdreg $0xFFFFFFFF  }
0xad: {  	[dreg:$0x0] =	wrdreg $0x60  }
0xae: {  	[dreg:$0x2] =	wrdreg s24  }
0xaf: {  	[dreg:$0x3] =	wrdreg $0x0  }
0xb0: {  	[dreg:$0x4] =	wrdreg $0x9  }
0xb1: {  	_ =	task.clear_ibuf [dreg:s6], $0x5FFFF;
	_ =	strace $0x90000049  }
0xb2: {  	s29 =	simm.s32 $0x9;
	_ =	strace $0x8000004B  }
0xb3: {  	_ =	swait.ge [sflag:s29], $0x1  }
0xb4: {  	[sflag:s29] =	ssyncadd.s32 $0xFFFFFFFF  }
0xb5: {  	_ =	strace $0x9000004B  }
0xb6: {  	_ =	sfence  }
0xb7: {  	s30 =	sld [smem:$0x0];
	_ =	sdelay $0x2  }
0xb8: {  	s31 =	sshll.u32 s1, $0xD;
	s1 =	sshrl.u32 s1, $0x2  }
0xb9: {  	s3 =	sand.u32 $0x4000, s31;
	s1 =	sadd.s32 s1, s30  }
0xba: {  	s0 =	sor.u32 s3, s0;
	s1 =	sshll.u32 s1, $0x11  }
0xbb: {  	s0 =	sor.u32 s1, s0  }
0xbc: {  	s0 =	sadd.s32 $0x8F2B, s0  }
0xbd: {  	[sflag:s0] =	ssyncadd.remote.s32 $0x1  }
0xbe: {  	_ =	sfence.sel $0xFFFF  }
0xbf: {  	[dreg:$0x0] =	wrdreg $0xFFFFFFFF;
	(pc) =	sbr.abs _section_cstart, $3  }
0xc0: {  	[dreg:$0x1] =	wrdreg $0xFFFFFFFF  }
0xc1: {  	_ =	task.clear_ibuf [dreg:s6], $0x2FFFF;
	_ =	strace $0x9FFFFFFF  }
0xc2: {  	(tm) =	ssettm $0x7FFFFFFF  }
0xc3: {  	_ =	shalt  }
tec
execute0_lowered:
.L_overlay_start_1:
0x0: {  	(tag) =	ssettag $0x1  }
0x1: {  	s6 =	rddreg [dreg:$0x0]  }
0x2: {  	s2 =	rddreg [dreg:$0x1]  }
0x3: {  	s0 =	rddreg [dreg:$0x2]  }
0x4: {  	s1 =	stileid.u32;
	s4 =	srdreg.scid;
	s3 =	simm.s32 $0x0  }
0x5: {  	s14 =	simm.s32 $0x190A0;
	s15 =	simm.s32 $0x2;
	s16 =	simm.s32 $0x50  }
0x6: {  	s17 =	simm.s32 $0x186A0;
	s19 =	simm.s32 $0x190F0;
	s5 =	smul.u32 $0x186A, s1  }
0x7: {  	s20 =	simm.s32 $0x0;
	s7 =	sand.u32 $0x1, s4;
	s8 =	smul.u32 $0x64000, s1  }
0x8: {  	[smem:$0x7FF] =	sst s3;
	s11 =	smul.u32 $0xC80, s1;
	s4 =	sadd.s32 $0x288600, s6  }
0x9: {  	p0 =	seq.s32 s1, $0xF;
	s18 =	smul.u32 $0xC350, s7;
	_ =	strace $0x8000004A  }
0xa: {  	s9 =	ssub.s32 $0x2, s7;
	s7 =	smul.u32 $0x186A00, s7;
	s10 =	sadd.s32 s5, s6  }
0xb: {  	s12 =	sshrl.u32 s9, $0x1;
	s5 =	sadd.s32 $0x2EA200, s6;
	s6 =	sadd.s32 $0x2ED400, s6  }
0xc: {  	s8 =	sshrl.u32 s8, $0x2;
	s9 =	ssub.s32 s9, s12;
	s11 =	sadd.s32 s11, s18  }
0xd: {  	s7 =	sshrl.u32 s7, $0x3;
	s13 =	sadd.s32 s8, s2;
	s12 =	sshll.u32 @!p0 s1, $0x6  }
0xe: {  	v0 =	vmov s18;
	s18 =	simm.s32 $0x1;
	s31 =	sshll.u32 s11, $0x2;
	s7 =	sadd.s32 s6, s7  }
0xf: {  	s11 =	sadd.s32 $0x177000, s2;
	s8 =	smax.u32 s9, $0x1;
	s9 =	sadd.s32 $0xD600, s10  }
0x10: {  	s10 =	sadd.s32 $0x25E00, s10;
	s12 =	sor.u32 @!p0 $0x1C02, s12;
	s13 =	sshrl.u32 @!p0 s13, $0x3  }
0x11: {  	s6 =	sadd.s32 s6, s31;
	s7 =	sadd.s32 $0x2EE00, s7;
	s11 =	sshrl.u32 @p0 s11, $0x3  }
.LBB2_1:
0x12: {  	s21 =	simm.s32 @p0 $0x1FC2  }
0x13: {  	[spmem:s11], [sflag:s21] =	dma.local @p0 [hbm:s5], $0x1F40  }
0x14: {  	s21 =	simm.s32 @p0 $0x2  }
0x15: {  	_ =	swait.ge @p0 [sflag:s21], $0x1F40  }
0x16: {  	[sflag:s21] =	ssyncset.done @p0 $0x0  }
0x17: {  	[sflag:s21] =	ssyncadd.s32 @p0 $0xFFFFE0C0;
	s21 =	simm.s32 @!p0 $0x2  }
0x18: {  	[spmem:s13], [sflag:s12] =	dma.local @!p0 [hbm:s5], $0x3200  }
0x19: {  	_ =	swait.ge @!p0 [sflag:s21], $0x3200  }
0x1a: {  	[sflag:s21] =	ssyncset.done @!p0 $0x0  }
0x1b: {  	[sflag:s21] =	ssyncadd.s32 @!p0 $0xFFFFCE00  }
0x1c: {  	s30 =	sadd.s32 $0x0, s10;
	[bflag:$0x0] =	sbarrier.arrive $0xFFFF  }
0x1d: {  	[tilespmem:s14], [sflag:$0x2] =	stream.linear.gather [hbm4b:s30+s3], $0x50, $0x38;
	[tilespmem:$0x19140] =	vst v63  }
0x1e: {  	_ =	swait.ge [sflag:s15], $0x50  }
0x1f: {  	[sflag:s15] =	ssyncset.done $0x0  }
0x20: {  	[sflag:s15] =	ssyncadd.s32 $0xFFFFFFB0  }
0x21: {  	v1 =	vld [tilespmem:$0x190E0]  }
0x22: {  	v2 =	vld [tilespmem:$0x190C0]  }
0x23: {  	v3 =	vld [tilespmem:$0x190D0]  }
0x24: {  	v4 =	vld [tilespmem:$0x190B0]  }
0x25: {  	v5 =	vld [tilespmem:$0x190A0]  }
0x26: {  	v1 =	vadd.s32 v0, v1  }
0x27: {  	v2 =	vadd.s32 v0, v2;
	[tilespmem:$0x190E0] =	vst v1  }
0x28: {  	[tilespmem:$0x190C0] =	vst v2;
	v1 =	vadd.s32 v0, v3  }
0x29: {  	v2 =	vadd.s32 v0, v4;
	[tilespmem:$0x190D0] =	vst v1  }
0x2a: {  	v1 =	vadd.s32 v0, v5;
	[tilespmem:$0x190B0] =	vst v2  }
0x2b: {  	[tilespmem:$0x190A0] =	vst v1  }
0x2c: {  	[tilespmem:s17], [sflag:$0x1] =	stream.indirect.gather [hbm4b:s4+s16], $0x20, s14, s16, $0xb8;
	[tilespmem:$0x19140] =	vst v63  }
0x2d: {  	_ =	swait.ge [sflag:s18], $0xA00  }
0x2e: {  	[sflag:s18] =	ssyncset.done $0x0  }
0x2f: {  	s31 =	sadd.s32 $0x0, s9;
	[sflag:s18] =	ssyncadd.s32 $0xFFFFF600  }
0x30: {  	[tilespmem:s19], [sflag:$0x2] =	stream.linear.gather [hbm4b:s31+s3], $0x50, $0x38;
	[tilespmem:$0x19140] =	vst v63  }
0x31: {  	_ =	swait.ge [sflag:s15], $0x50  }
0x32: {  	s21 =	simm.s32 $0xA;
	[sflag:s15] =	ssyncset.done $0x0  }
.LBB2_2:
0x33: {  	p1 =	sne.s32 s21, $0x1860  }
0x34: {  	[sflag:s15] =	ssyncadd.s32 $0xFFFFFFB0;
	s22 =	smov.u32 s21;
	s21 =	sadd.s32 $0xA, s21  }
0x35: {  	[spmem:s2] =	stream.indirect.scatter.add.f32 [tilespmem:s17], [sflag:$0x2], $0x20, s19, s16, $0xb8;
	[tilespmem:$0x19140] =	vst v63  }
0x36: {  	_ =	swait.ge [sflag:s15], $0xA00  }
0x37: {  	[sflag:s15] =	ssyncset.done $0x0  }
0x38: {  	s23 =	sadd.s32 s22, s10;
	[sflag:s15] =	ssyncadd.s32 $0xFFFFF600  }
0x39: {  	[tilespmem:s14], [sflag:$0x2] =	stream.linear.gather [hbm4b:s23+s3], $0x50, $0x38;
	[tilespmem:$0x19140] =	vst v63  }
0x3a: {  	_ =	swait.ge [sflag:s15], $0x50  }
0x3b: {  	[sflag:s15] =	ssyncset.done $0x0  }
0x3c: {  	[sflag:s15] =	ssyncadd.s32 $0xFFFFFFB0  }
0x3d: {  	v1 =	vld [tilespmem:$0x190E0]  }
0x3e: {  	v2 =	vld [tilespmem:$0x190C0]  }
0x3f: {  	v3 =	vld [tilespmem:$0x190D0]  }
0x40: {  	v4 =	vld [tilespmem:$0x190B0]  }
0x41: {  	v5 =	vld [tilespmem:$0x190A0]  }
0x42: {  	v1 =	vadd.s32 v0, v1  }
0x43: {  	v2 =	vadd.s32 v0, v2;
	[tilespmem:$0x190E0] =	vst v1  }
0x44: {  	[tilespmem:$0x190C0] =	vst v2;
	v1 =	vadd.s32 v0, v3  }
0x45: {  	v2 =	vadd.s32 v0, v4;
	[tilespmem:$0x190D0] =	vst v1  }
0x46: {  	v1 =	vadd.s32 v0, v5;
	[tilespmem:$0x190B0] =	vst v2  }
0x47: {  	[tilespmem:$0x190A0] =	vst v1  }
0x48: {  	[tilespmem:s17], [sflag:$0x1] =	stream.indirect.gather [hbm4b:s4+s16], $0x20, s14, s16, $0xb8;
	[tilespmem:$0x19140] =	vst v63  }
0x49: {  	_ =	swait.ge [sflag:s18], $0xA00  }
.Ltmp0:
0x4a: {  	[sflag:s18] =	ssyncset.done $0x0;
	(pc) =	sbr.rel @p1 .LBB2_2-.Ltmp0, $4  }
0x4b: {  	s22 =	sadd.s32 s22, s9;
	[sflag:s18] =	ssyncadd.s32 $0xFFFFF600  }
0x4c: {  	[tilespmem:s19], [sflag:$0x2] =	stream.linear.gather [hbm4b:s22+s3], $0x50, $0x38;
	[tilespmem:$0x19140] =	vst v63  }
0x4d: {  	_ =	swait.ge [sflag:s15], $0x50  }
0x4e: {  	[sflag:s15] =	ssyncset.done $0x0  }
0x4f: {  	[sflag:s15] =	ssyncadd.s32 $0xFFFFFFB0  }
0x50: {  	[spmem:s2] =	stream.indirect.scatter.add.f32 [tilespmem:s17], [sflag:$0x2], $0x20, s19, s16, $0xb8;
	[tilespmem:$0x19140] =	vst v63  }
0x51: {  	_ =	swait.ge [sflag:s15], $0xA00  }
0x52: {  	[sflag:s15] =	ssyncset.done $0x0  }
0x53: {  	[sflag:s15] =	ssyncadd.s32 $0xFFFFF600  }
0x54: {  	s21 =	simm.s32 @p0 $0x1FC2;
	[bflag:$0x0] =	sbarrier.arrive $0xFFFF  }
0x55: {  	[hbm:s7], [sflag:s21] =	dma.local @p0 [spmem:s11], $0x1F40  }
0x56: {  	s21 =	simm.s32 @p0 $0x2  }
0x57: {  	s20 =	sadd.s32 $0x1, s20;
	_ =	swait.ge @p0 [sflag:s21], $0x1F40  }
0x58: {  	p1 =	sne.s32 s20, s8;
	[sflag:s21] =	ssyncset.done @p0 $0x0  }
.Ltmp1:
0x59: {  	[sflag:s21] =	ssyncadd.s32 @p0 $0xFFFFE0C0;
	s21 =	simm.s32 @!p0 $0x2;
	(pc) =	sbr.rel @p1 .LBB2_1-.Ltmp1, $4  }
0x5a: {  	[hbm:s6], [sflag:s12] =	dma.local @!p0 [spmem:s13], $0x3200  }
0x5b: {  	_ =	swait.ge @!p0 [sflag:s21], $0x3200  }
0x5c: {  	[sflag:s21] =	ssyncset.done @!p0 $0x0  }
0x5d: {  	[sflag:s21] =	ssyncadd.s32 @!p0 $0xFFFFCE00  }
0x5e: {  	_ =	sfence.sel $0x180000  }
0x5f: {  	[bflag:$0x0] =	sbarrier.arrive $0xFFFF  }
0x60: {  	p0 =	sne.s32 s1, $0x0;
	_ =	strace $0x9000004A  }
0x61: {  	s0 =	sadd.s32 @!p0 $0x100000, s0;
	[bflag:$0x2] =	sbarrier.arrive $0xFFFF  }
0x62: {  	[sflag:s0] =	ssyncadd.tile.s32 @!p0 $0x1;
	_ =	shalt  }
.Lfunc_end2:
_tile_overlayer_lowered:
.L_overlay_start_2:
0x63: {  	(tag) =	ssettag $0x2  }
0x64: {  	s0 =	rddreg [dreg:$0x0];
	s2 =	stileid.u32  }
0x65: {  	s1 =	rddreg [dreg:$0x1];
	p0 =	sne.s32 s2, $0x0  }
0x66: {  	s3 =	rddreg [dreg:$0x2];
	[bflag:$0x3] =	sbarrier.arrive $0xFFFF;
	s2 =	simm.s32 @!p0 $0x1C02  }
0x67: {  	[timem:s3], [sflag:s2] =	dma.local @!p0 [hbm:s0], s1  }
0x68: {  	s0 =	simm.s32 @!p0 $0x2  }
0x69: {  	_ =	swait.ge @!p0 [sflag:s0], s1  }
0x6a: {  	s1 =	ssub.s32 @!p0 $0x0, s1;
	[sflag:s0] =	ssyncset.done @!p0 $0x0  }
0x6b: {  	[sflag:s0] =	ssyncadd.s32 @!p0 s1  }
0x6c: {  	[bflag:$0x3] =	sbarrier.arrive $0xFFFF  }
0x6d: {  	_ =	shalt  }

// kernel: kernel.20.cloned.1.call-start
scs
__scs_entry_jumppad:
0x0: {  	(pc) =	sbr.rel $0x88, $3  }
0x1: {  	(tag) =	ssettag $0x0;
	lr =	simm.s32 $0x1  }
0x2: {  	[smem:$0x3F81] =	sst lr;
	_ =	strace $0xD0000000  }
0x3: {  	_ = 	snop  }
0x4: {  	_ = 	snop  }
0x5: {  	_ = 	snop  }
0x6: {  	_ = 	snop  }
0x7: {  	_ = 	snop  }
__scs_overlays_trampoline_lowered:
0x8: {  	[smem:$0x3F90] =	sst s0  }
0x9: {  	[smem:$0x3F91] =	sst s1  }
0xa: {  	[smem:$0x3F92] =	sst s2  }
0xb: {  	[smem:$0x3F93] =	sst s3  }
0xc: {  	[smem:$0x3F94] =	sst s4  }
0xd: {  	[smem:$0x3F95] =	sst s5  }
0xe: {  	[smem:$0x3F96] =	sst s6  }
0xf: {  	[smem:$0x3F97] =	sst s7  }
0x10: {  	[smem:$0x3F98] =	sst s8  }
0x11: {  	[smem:$0x3F99] =	sst s9;
	s0 =	simm.s32 @!p0 $0x0  }
0x12: {  	s1 =	sld [smem:$0x3F7F];
	s0 =	simm.s32 @p0 $0x1  }
0x13: {  	[smem:$0x3F9A] =	sst s0;
	s0 =	simm.s32 @!p1 $0x0  }
0x14: {  	s2 =	sld [smem:$0x3F7E];
	s0 =	simm.s32 @p1 $0x1  }
0x15: {  	[smem:$0x3F9B] =	sst s0;
	s0 =	simm.s32 @!p2 $0x0  }
0x16: {  	s3 =	sld [smem:$0x3FDB];
	s0 =	simm.s32 @p2 $0x1  }
0x17: {  	s4 =	simm.s32 $0x1BF5;
	[smem:$0x3F9D] =	sst s0  }
0x18: {  	s0 =	sld [smem:$0x3F80];
	_ =	swait.ge [sflag:s4], $0x0  }
0x19: {  	s7 =	sld [smem:$0x3F81]  }
0x1a: {  	s8 =	sadd.s32 $0xFFFFE003, lr  }
0x1b: {  	s9 =	sadd.s32 $0xFFFFFEF7, lr;
	s5 =	simm.s32 $0xFFFFFFFF;
	p2 =	slt.u32 s8, $0xFFFFF086  }
0x1c: {  	p1 =	slt.u32 s9, $0xF7A;
	s5 =	simm.s32 @!p2 $0x0  }
0x1d: {  	s5 =	simm.s32 @p1 $0x1;
	p0 =	seq.s32 s7, s2  }
0x1e: {  	s7 =	smul.u32 @!p0 $0xF7A, s2;
	p2 =	seq.s32 @!p0 s5, $0x0  }
0x1f: {  	s9 =	smul.u32 $0xF7A, s1;
	s8 =	simm.s32 @!p0 $0x1BF5;
	p2 =	por !p2, p0  }
0x20: {  	[sflag:s8] =	ssyncset.s32 @!p0 $0xFFFFF086;
	s6 =	sadd.s32 @!p0 s3, s7;
	s7 =	simm.s32 @!p0 $0x108  }
0x21: {  	s3 =	sadd.s32 s3, s9;
	s6 =	sadd.s32 @!p0 $0x88, s6;
	s7 =	simm.s32 @p2 $0x1082  }
0x22: {  	[simem:s7], [sflag:s8] =	dma.local @!p0 [hbm:s6], $0xF7A  }
0x23: {  	s9 =	sor.u32 $0xD0000000, s2;
	s6 =	simm.s32 $0x108;
	_ =	swait.ge @!p0 [sflag:s8], $0x0  }
0x24: {  	s3 =	sadd.s32 $0x88, s3;
	s6 =	simm.s32 @!p1 $0x1082;
	[sflag:s4] =	ssyncset.s32 $0xFFFFF086  }
0x25: {  	[simem:s6], [sflag:s4] =	dma.local [hbm:s3], $0xF7A  }
0x26: {  	[smem:$0x3F81] =	sst s1;
	(tag) =	ssettag s2;
	_ =	strace s9  }
0x27: {  	s1 =	sld [smem:$0x3F91]  }
0x28: {  	s2 =	sld [smem:$0x3F92]  }
0x29: {  	s4 =	sld [smem:$0x3F94]  }
0x2a: {  	p0 =	seq.s32 s5, $0x0;
	s5 =	sld [smem:$0x3F95]  }
0x2b: {  	s6 =	sld [smem:$0x3F96]  }
0x2c: {  	s7 =	sld [smem:$0x3F97]  }
0x2d: {  	s3 =	simm.s32 $0x108;
	s8 =	sld [smem:$0x3F98]  }
0x2e: {  	s3 =	simm.s32 @!p0 $0x1082;
	s9 =	sld [smem:$0x3F99]  }
0x2f: {  	lr =	sadd.s32 s0, s3;
	s0 =	sld [smem:$0x3F90]  }
0x30: {  	s3 =	sld [smem:$0x3F93]  }
0x31: {  	[smem:$0x3F9C] =	sst s10  }
0x32: {  	s10 =	sld [smem:$0x3F9A];
	_ =	sdelay $0x3  }
0x33: {  	p0 =	seq.s32 s10, $0x1;
	s10 =	sld [smem:$0x3F9C];
	_ =	sdelay $0x3  }
0x34: {  	[smem:$0x3F9C] =	sst s10  }
0x35: {  	s10 =	sld [smem:$0x3F9B];
	_ =	sdelay $0x3  }
0x36: {  	p1 =	seq.s32 s10, $0x1;
	s10 =	sld [smem:$0x3F9C];
	_ =	sdelay $0x3  }
0x37: {  	[smem:$0x3F9C] =	sst s10  }
0x38: {  	s10 =	sld [smem:$0x3F9D]  }
0x39: {  	_ = 	snop;
	(pc) =	sbr.ind lr, $3  }
0x3a: {  	_ = 	snop  }
0x3b: {  	_ = 	snop  }
0x3c: {  	p2 =	seq.s32 s10, $0x1;
	s10 =	sld [smem:$0x3F9C]  }
0x3d: {  	_ =	shalt  }
0x3e: {  	_ =	shalt  }
0x3f: {  	_ =	shalt  }
0x40: {  	_ =	shalt  }
0x41: {  	_ =	shalt  }
0x42: {  	_ =	shalt  }
0x43: {  	_ =	shalt  }
0x44: {  	_ =	shalt  }
0x45: {  	_ =	shalt  }
0x46: {  	_ =	shalt  }
0x47: {  	_ =	shalt  }
0x48: {  	_ =	shalt  }
0x49: {  	_ =	shalt  }
0x4a: {  	_ =	shalt  }
0x4b: {  	_ =	shalt  }
0x4c: {  	_ =	shalt  }
0x4d: {  	_ =	shalt  }
0x4e: {  	_ =	shalt  }
0x4f: {  	_ =	shalt  }
0x50: {  	_ =	shalt  }
0x51: {  	_ =	shalt  }
0x52: {  	_ =	shalt  }
0x53: {  	_ =	shalt  }
0x54: {  	_ =	shalt  }
0x55: {  	_ =	shalt  }
0x56: {  	_ =	shalt  }
0x57: {  	_ =	shalt  }
0x58: {  	_ =	shalt  }
0x59: {  	_ =	shalt  }
0x5a: {  	_ =	shalt  }
0x5b: {  	_ =	shalt  }
0x5c: {  	_ =	shalt  }
0x5d: {  	_ =	shalt  }
0x5e: {  	_ =	shalt  }
0x5f: {  	_ =	shalt  }
0x60: {  	_ =	shalt  }
0x61: {  	_ =	shalt  }
0x62: {  	_ =	shalt  }
0x63: {  	_ =	shalt  }
0x64: {  	_ =	shalt  }
0x65: {  	_ =	shalt  }
0x66: {  	_ =	shalt  }
0x67: {  	_ =	shalt  }
0x68: {  	_ =	shalt  }
0x69: {  	_ =	shalt  }
0x6a: {  	_ =	shalt  }
0x6b: {  	_ =	shalt  }
0x6c: {  	_ =	shalt  }
0x6d: {  	_ =	shalt  }
0x6e: {  	_ =	shalt  }
0x6f: {  	_ =	shalt  }
0x70: {  	_ =	shalt  }
0x71: {  	_ =	shalt  }
0x72: {  	_ =	shalt  }
0x73: {  	_ =	shalt  }
0x74: {  	_ =	shalt  }
0x75: {  	_ =	shalt  }
0x76: {  	_ =	shalt  }
0x77: {  	_ =	shalt  }
0x78: {  	_ =	shalt  }
0x79: {  	_ =	shalt  }
0x7a: {  	_ =	shalt  }
0x7b: {  	_ =	shalt  }
0x7c: {  	_ =	shalt  }
0x7d: {  	_ =	shalt  }
0x7e: {  	_ =	shalt  }
0x7f: {  	_ =	shalt  }
0x80: {  	_ =	shalt  }
0x81: {  	_ =	shalt  }
0x82: {  	_ =	shalt  }
0x83: {  	_ =	shalt  }
0x84: {  	_ =	shalt  }
0x85: {  	_ =	shalt  }
0x86: {  	_ =	shalt  }
0x87: {  	_ =	shalt  }
.Lfunc_end0:
.L_simem_size_0:
called_computation.2_lowered:
.L_overlay_start_0:
0x88: {  	s2 =	sld [smem:$0x3FD9]  }
0x89: {  	s3 =	sld [smem:$0x3FFE];
	_ =	sdelay $0x1  }
0x8a: {  	s1 =	srdreg.scid  }
0x8b: {  	s0 =	sand.u32 $0x1, s1  }
0x8c: {  	s16 =	sshll.u32 s0, $0xA;
	s2 =	sadd.s32 s3, s2  }
0x8d: {  	s2 =	sadd.s32 s2, s16  }
0x8e: {  	[smem:$0x3FA8] =	sst s2  }
0x8f: {  	_ = 	snop  }
0x90: {  	(tm) =	ssettm $0x1  }
0x91: {  	s17 =	sld [smem:$0x3FFB];
	_ =	sdelay $0x3  }
0x92: {  	_ =	strace s17  }
0x93: {  	s2 =	sld [smem:$0x3FFC];
	_ =	sdelay $0x3  }
0x94: {  	_ =	strace s2  }
0x95: {  	s2 =	sld [smem:$0x3FFD];
	_ =	sdelay $0x3  }
0x96: {  	_ =	strace s2  }
0x97: {  	_ =	strace $0x8FFFFFFF  }
0x98: {  	s18 =	sld [smem:$0x3FDB];
	_ =	sdelay $0x1  }
0x99: {  	s19 =	simm.s32 $_scs_section_size  }
0x9a: {  	s4 =	simm.s32 $_size__tile_overlayer_lowered;
	s5 =	simm.s32 $_tile_overlayer_lowered  }
0x9b: {  	s22 =	simm.s32 $0x1BFF;
	s21 =	sshll.u32 s5, $0x1;
	s2 =	sadd.s32 s19, s18  }
0x9c: {  	s6 =	simm.s32 $0x0;
	s20 =	sshll.u32 s4, $0x1;
	s4 =	sadd.s32 s21, s2  }
0x9d: {  	[timem:s6], [sflag:s22] =	dma.local [hbm:s4], s20  }
0x9e: {  	_ =	swait.ge [sflag:s22], s20  }
0x9f: {  	s3 =	ssub.s32 $0x0, s20;
	[sflag:s22] =	ssyncset.done $0x0  }
0xa0: {  	[sflag:s22] =	ssyncadd.s32 s3;
	_ =	sdelay $0x1  }
0xa1: {  	s23 =	simm.s32 $0x1B8B  }
0xa2: {  	_ =	swait.ge [sflag:s23], $0x1  }
0xa3: {  	[sflag:s23] =	ssyncset.done $0x0  }
0xa4: {  	s25 =	simm.s32 $0x1B8E;
	s24 =	sld [smem:$0x3FFE];
	[sflag:s23] =	ssyncadd.s32 $0xFFFFFFFF  }
0xa5: {  	s26 =	simm.s32 $execute0_lowered;
	[smem:$0x3FD2] =	sst s25  }
0xa6: {  	s4 =	sshll.u32 s26, $0x1;
	_ =	strace $0x8000004C;
	[dreg:$0x1] =	wrdreg $0xFFFFFFFF  }
0xa7: {  	s28 =	simm.s32 $_size_execute0_lowered;
	s2 =	sadd.s32 s2, s4;
	[dreg:$0x0] =	wrdreg $0x0  }
0xa8: {  	s4 =	sshll.u32 s28, $0x1;
	[dreg:$0x2] =	wrdreg s2  }
0xa9: {  	[dreg:$0x3] =	wrdreg s4  }
0xaa: {  	[dreg:$0x4] =	wrdreg $0xC0  }
0xab: {  	_ =	task [dreg:s6], $0x5FFFF  }
0xac: {  	[dreg:$0x1] =	wrdreg $0xFFFFFFFF  }
0xad: {  	[dreg:$0x0] =	wrdreg $0x60  }
0xae: {  	[dreg:$0x2] =	wrdreg s24  }
0xaf: {  	[dreg:$0x3] =	wrdreg $0x0  }
0xb0: {  	[dreg:$0x4] =	wrdreg $0x9  }
0xb1: {  	_ =	task.clear_ibuf [dreg:s6], $0x5FFFF;
	_ =	strace $0x9000004C  }
0xb2: {  	s29 =	simm.s32 $0x9;
	_ =	strace $0x8000004E  }
0xb3: {  	_ =	swait.ge [sflag:s29], $0x1  }
0xb4: {  	[sflag:s29] =	ssyncadd.s32 $0xFFFFFFFF  }
0xb5: {  	_ =	strace $0x9000004E  }
0xb6: {  	_ =	sfence  }
0xb7: {  	s30 =	sld [smem:$0x0];
	_ =	sdelay $0x2  }
0xb8: {  	s31 =	sshll.u32 s1, $0xD;
	s1 =	sshrl.u32 s1, $0x2  }
0xb9: {  	s3 =	sand.u32 $0x4000, s31;
	s1 =	sadd.s32 s1, s30  }
0xba: {  	s0 =	sor.u32 s3, s0;
	s1 =	sshll.u32 s1, $0x11  }
0xbb: {  	s0 =	sor.u32 s1, s0  }
0xbc: {  	s0 =	sadd.s32 $0x8F2B, s0  }
0xbd: {  	[sflag:s0] =	ssyncadd.remote.s32 $0x1  }
0xbe: {  	_ =	sfence.sel $0xFFFF  }
0xbf: {  	[dreg:$0x0] =	wrdreg $0xFFFFFFFF;
	(pc) =	sbr.abs _section_cstart, $3  }
0xc0: {  	[dreg:$0x1] =	wrdreg $0xFFFFFFFF  }
0xc1: {  	_ =	task.clear_ibuf [dreg:s6], $0x2FFFF;
	_ =	strace $0x9FFFFFFF  }
0xc2: {  	(tm) =	ssettm $0x7FFFFFFF  }
0xc3: {  	_ =	shalt  }
tec
execute0_lowered:
.L_overlay_start_1:
0x0: {  	(tag) =	ssettag $0x1  }
0x1: {  	s6 =	rddreg [dreg:$0x0]  }
0x2: {  	s2 =	rddreg [dreg:$0x1]  }
0x3: {  	s0 =	rddreg [dreg:$0x2]  }
0x4: {  	s1 =	stileid.u32;
	s4 =	srdreg.scid;
	s3 =	simm.s32 $0x0  }
0x5: {  	s14 =	simm.s32 $0x190A0;
	s15 =	simm.s32 $0x2;
	s16 =	simm.s32 $0x50  }
0x6: {  	s17 =	simm.s32 $0x186A0;
	s19 =	simm.s32 $0x190F0;
	s5 =	smul.u32 $0x186A, s1  }
0x7: {  	s20 =	simm.s32 $0x0;
	s7 =	sand.u32 $0x1, s4;
	s8 =	smul.u32 $0x64000, s1  }
0x8: {  	[smem:$0x7FF] =	sst s3;
	s11 =	smul.u32 $0xC80, s1;
	s4 =	sadd.s32 $0x288600, s6  }
0x9: {  	p0 =	seq.s32 s1, $0xF;
	s18 =	smul.u32 $0xC350, s7;
	_ =	strace $0x8000004D  }
0xa: {  	s9 =	ssub.s32 $0x2, s7;
	s7 =	smul.u32 $0x186A00, s7;
	s10 =	sadd.s32 s5, s6  }
0xb: {  	s12 =	sshrl.u32 s9, $0x1;
	s5 =	sadd.s32 $0x2EA200, s6;
	s6 =	sadd.s32 $0x2ED400, s6  }
0xc: {  	s8 =	sshrl.u32 s8, $0x2;
	s9 =	ssub.s32 s9, s12;
	s11 =	sadd.s32 s11, s18  }
0xd: {  	s7 =	sshrl.u32 s7, $0x3;
	s13 =	sadd.s32 s8, s2;
	s12 =	sshll.u32 @!p0 s1, $0x6  }
0xe: {  	v0 =	vmov s18;
	s18 =	simm.s32 $0x1;
	s31 =	sshll.u32 s11, $0x2;
	s7 =	sadd.s32 s6, s7  }
0xf: {  	s11 =	sadd.s32 $0x177000, s2;
	s8 =	smax.u32 s9, $0x1;
	s9 =	sadd.s32 $0xD600, s10  }
0x10: {  	s10 =	sadd.s32 $0x25E00, s10;
	s12 =	sor.u32 @!p0 $0x1C02, s12;
	s13 =	sshrl.u32 @!p0 s13, $0x3  }
0x11: {  	s6 =	sadd.s32 s6, s31;
	s7 =	sadd.s32 $0x2EE00, s7;
	s11 =	sshrl.u32 @p0 s11, $0x3  }
.LBB2_1:
0x12: {  	s21 =	simm.s32 @p0 $0x1FC2  }
0x13: {  	[spmem:s11], [sflag:s21] =	dma.local @p0 [hbm:s5], $0x1F40  }
0x14: {  	s21 =	simm.s32 @p0 $0x2  }
0x15: {  	_ =	swait.ge @p0 [sflag:s21], $0x1F40  }
0x16: {  	[sflag:s21] =	ssyncset.done @p0 $0x0  }
0x17: {  	[sflag:s21] =	ssyncadd.s32 @p0 $0xFFFFE0C0;
	s21 =	simm.s32 @!p0 $0x2  }
0x18: {  	[spmem:s13], [sflag:s12] =	dma.local @!p0 [hbm:s5], $0x3200  }
0x19: {  	_ =	swait.ge @!p0 [sflag:s21], $0x3200  }
0x1a: {  	[sflag:s21] =	ssyncset.done @!p0 $0x0  }
0x1b: {  	[sflag:s21] =	ssyncadd.s32 @!p0 $0xFFFFCE00  }
0x1c: {  	s30 =	sadd.s32 $0x0, s10;
	[bflag:$0x0] =	sbarrier.arrive $0xFFFF  }
0x1d: {  	[tilespmem:s14], [sflag:$0x2] =	stream.linear.gather [hbm4b:s30+s3], $0x50, $0x38;
	[tilespmem:$0x19140] =	vst v63  }
0x1e: {  	_ =	swait.ge [sflag:s15], $0x50  }
0x1f: {  	[sflag:s15] =	ssyncset.done $0x0  }
0x20: {  	[sflag:s15] =	ssyncadd.s32 $0xFFFFFFB0  }
0x21: {  	v1 =	vld [tilespmem:$0x190E0]  }
0x22: {  	v2 =	vld [tilespmem:$0x190C0]  }
0x23: {  	v3 =	vld [tilespmem:$0x190D0]  }
0x24: {  	v4 =	vld [tilespmem:$0x190B0]  }
0x25: {  	v5 =	vld [tilespmem:$0x190A0]  }
0x26: {  	v1 =	vadd.s32 v0, v1  }
0x27: {  	v2 =	vadd.s32 v0, v2;
	[tilespmem:$0x190E0] =	vst v1  }
0x28: {  	[tilespmem:$0x190C0] =	vst v2;
	v1 =	vadd.s32 v0, v3  }
0x29: {  	v2 =	vadd.s32 v0, v4;
	[tilespmem:$0x190D0] =	vst v1  }
0x2a: {  	v1 =	vadd.s32 v0, v5;
	[tilespmem:$0x190B0] =	vst v2  }
0x2b: {  	[tilespmem:$0x190A0] =	vst v1  }
0x2c: {  	[tilespmem:s17], [sflag:$0x1] =	stream.indirect.gather [hbm4b:s4+s16], $0x20, s14, s16, $0xb8;
	[tilespmem:$0x19140] =	vst v63  }
0x2d: {  	_ =	swait.ge [sflag:s18], $0xA00  }
0x2e: {  	[sflag:s18] =	ssyncset.done $0x0  }
0x2f: {  	s31 =	sadd.s32 $0x0, s9;
	[sflag:s18] =	ssyncadd.s32 $0xFFFFF600  }
0x30: {  	[tilespmem:s19], [sflag:$0x2] =	stream.linear.gather [hbm4b:s31+s3], $0x50, $0x38;
	[tilespmem:$0x19140] =	vst v63  }
0x31: {  	_ =	swait.ge [sflag:s15], $0x50  }
0x32: {  	s21 =	simm.s32 $0xA;
	[sflag:s15] =	ssyncset.done $0x0  }
.LBB2_2:
0x33: {  	p1 =	sne.s32 s21, $0x1860  }
0x34: {  	[sflag:s15] =	ssyncadd.s32 $0xFFFFFFB0;
	s22 =	smov.u32 s21;
	s21 =	sadd.s32 $0xA, s21  }
0x35: {  	[spmem:s2] =	stream.indirect.scatter.add.f32 [tilespmem:s17], [sflag:$0x2], $0x20, s19, s16, $0xb8;
	[tilespmem:$0x19140] =	vst v63  }
0x36: {  	_ =	swait.ge [sflag:s15], $0xA00  }
0x37: {  	[sflag:s15] =	ssyncset.done $0x0  }
0x38: {  	s23 =	sadd.s32 s22, s10;
	[sflag:s15] =	ssyncadd.s32 $0xFFFFF600  }
0x39: {  	[tilespmem:s14], [sflag:$0x2] =	stream.linear.gather [hbm4b:s23+s3], $0x50, $0x38;
	[tilespmem:$0x19140] =	vst v63  }
0x3a: {  	_ =	swait.ge [sflag:s15], $0x50  }
0x3b: {  	[sflag:s15] =	ssyncset.done $0x0  }
0x3c: {  	[sflag:s15] =	ssyncadd.s32 $0xFFFFFFB0  }
0x3d: {  	v1 =	vld [tilespmem:$0x190E0]  }
0x3e: {  	v2 =	vld [tilespmem:$0x190C0]  }
0x3f: {  	v3 =	vld [tilespmem:$0x190D0]  }
0x40: {  	v4 =	vld [tilespmem:$0x190B0]  }
0x41: {  	v5 =	vld [tilespmem:$0x190A0]  }
0x42: {  	v1 =	vadd.s32 v0, v1  }
0x43: {  	v2 =	vadd.s32 v0, v2;
	[tilespmem:$0x190E0] =	vst v1  }
0x44: {  	[tilespmem:$0x190C0] =	vst v2;
	v1 =	vadd.s32 v0, v3  }
0x45: {  	v2 =	vadd.s32 v0, v4;
	[tilespmem:$0x190D0] =	vst v1  }
0x46: {  	v1 =	vadd.s32 v0, v5;
	[tilespmem:$0x190B0] =	vst v2  }
0x47: {  	[tilespmem:$0x190A0] =	vst v1  }
0x48: {  	[tilespmem:s17], [sflag:$0x1] =	stream.indirect.gather [hbm4b:s4+s16], $0x20, s14, s16, $0xb8;
	[tilespmem:$0x19140] =	vst v63  }
0x49: {  	_ =	swait.ge [sflag:s18], $0xA00  }
.Ltmp0:
0x4a: {  	[sflag:s18] =	ssyncset.done $0x0;
	(pc) =	sbr.rel @p1 .LBB2_2-.Ltmp0, $4  }
0x4b: {  	s22 =	sadd.s32 s22, s9;
	[sflag:s18] =	ssyncadd.s32 $0xFFFFF600  }
0x4c: {  	[tilespmem:s19], [sflag:$0x2] =	stream.linear.gather [hbm4b:s22+s3], $0x50, $0x38;
	[tilespmem:$0x19140] =	vst v63  }
0x4d: {  	_ =	swait.ge [sflag:s15], $0x50  }
0x4e: {  	[sflag:s15] =	ssyncset.done $0x0  }
0x4f: {  	[sflag:s15] =	ssyncadd.s32 $0xFFFFFFB0  }
0x50: {  	[spmem:s2] =	stream.indirect.scatter.add.f32 [tilespmem:s17], [sflag:$0x2], $0x20, s19, s16, $0xb8;
	[tilespmem:$0x19140] =	vst v63  }
0x51: {  	_ =	swait.ge [sflag:s15], $0xA00  }
0x52: {  	[sflag:s15] =	ssyncset.done $0x0  }
0x53: {  	[sflag:s15] =	ssyncadd.s32 $0xFFFFF600  }
0x54: {  	s21 =	simm.s32 @p0 $0x1FC2;
	[bflag:$0x0] =	sbarrier.arrive $0xFFFF  }
0x55: {  	[hbm:s7], [sflag:s21] =	dma.local @p0 [spmem:s11], $0x1F40  }
0x56: {  	s21 =	simm.s32 @p0 $0x2  }
0x57: {  	s20 =	sadd.s32 $0x1, s20;
	_ =	swait.ge @p0 [sflag:s21], $0x1F40  }
0x58: {  	p1 =	sne.s32 s20, s8;
	[sflag:s21] =	ssyncset.done @p0 $0x0  }
.Ltmp1:
0x59: {  	[sflag:s21] =	ssyncadd.s32 @p0 $0xFFFFE0C0;
	s21 =	simm.s32 @!p0 $0x2;
	(pc) =	sbr.rel @p1 .LBB2_1-.Ltmp1, $4  }
0x5a: {  	[hbm:s6], [sflag:s12] =	dma.local @!p0 [spmem:s13], $0x3200  }
0x5b: {  	_ =	swait.ge @!p0 [sflag:s21], $0x3200  }
0x5c: {  	[sflag:s21] =	ssyncset.done @!p0 $0x0  }
0x5d: {  	[sflag:s21] =	ssyncadd.s32 @!p0 $0xFFFFCE00  }
0x5e: {  	_ =	sfence.sel $0x180000  }
0x5f: {  	[bflag:$0x0] =	sbarrier.arrive $0xFFFF  }
0x60: {  	p0 =	sne.s32 s1, $0x0;
	_ =	strace $0x9000004D  }
0x61: {  	s0 =	sadd.s32 @!p0 $0x100000, s0;
	[bflag:$0x2] =	sbarrier.arrive $0xFFFF  }
0x62: {  	[sflag:s0] =	ssyncadd.tile.s32 @!p0 $0x1;
	_ =	shalt  }
.Lfunc_end2:
_tile_overlayer_lowered:
.L_overlay_start_2:
0x63: {  	(tag) =	ssettag $0x2  }
0x64: {  	s0 =	rddreg [dreg:$0x0];
	s2 =	stileid.u32  }
0x65: {  	s1 =	rddreg [dreg:$0x1];
	p0 =	sne.s32 s2, $0x0  }
0x66: {  	s3 =	rddreg [dreg:$0x2];
	[bflag:$0x3] =	sbarrier.arrive $0xFFFF;
	s2 =	simm.s32 @!p0 $0x1C02  }
0x67: {  	[timem:s3], [sflag:s2] =	dma.local @!p0 [hbm:s0], s1  }
0x68: {  	s0 =	simm.s32 @!p0 $0x2  }
0x69: {  	_ =	swait.ge @!p0 [sflag:s0], s1  }
0x6a: {  	s1 =	ssub.s32 @!p0 $0x0, s1;
	[sflag:s0] =	ssyncset.done @!p0 $0x0  }
0x6b: {  	[sflag:s0] =	ssyncadd.s32 @!p0 s1  }
0x6c: {  	[bflag:$0x3] =	sbarrier.arrive $0xFFFF  }
0x6d: {  	_ =	shalt  }

// kernel: kernel.23.cloned.1.call-start
scs
__scs_entry_jumppad:
0x0: {  	(pc) =	sbr.rel $0x88, $3  }
0x1: {  	(tag) =	ssettag $0x0;
	lr =	simm.s32 $0x1  }
0x2: {  	[smem:$0x3F81] =	sst lr;
	_ =	strace $0xD0000000  }
0x3: {  	_ = 	snop  }
0x4: {  	_ = 	snop  }
0x5: {  	_ = 	snop  }
0x6: {  	_ = 	snop  }
0x7: {  	_ = 	snop  }
__scs_overlays_trampoline_lowered:
0x8: {  	[smem:$0x3F90] =	sst s0  }
0x9: {  	[smem:$0x3F91] =	sst s1  }
0xa: {  	[smem:$0x3F92] =	sst s2  }
0xb: {  	[smem:$0x3F93] =	sst s3  }
0xc: {  	[smem:$0x3F94] =	sst s4  }
0xd: {  	[smem:$0x3F95] =	sst s5  }
0xe: {  	[smem:$0x3F96] =	sst s6  }
0xf: {  	[smem:$0x3F97] =	sst s7  }
0x10: {  	[smem:$0x3F98] =	sst s8  }
0x11: {  	[smem:$0x3F99] =	sst s9;
	s0 =	simm.s32 @!p0 $0x0  }
0x12: {  	s1 =	sld [smem:$0x3F7F];
	s0 =	simm.s32 @p0 $0x1  }
0x13: {  	[smem:$0x3F9A] =	sst s0;
	s0 =	simm.s32 @!p1 $0x0  }
0x14: {  	s2 =	sld [smem:$0x3F7E];
	s0 =	simm.s32 @p1 $0x1  }
0x15: {  	[smem:$0x3F9B] =	sst s0;
	s0 =	simm.s32 @!p2 $0x0  }
0x16: {  	s3 =	sld [smem:$0x3FDB];
	s0 =	simm.s32 @p2 $0x1  }
0x17: {  	s4 =	simm.s32 $0x1BF5;
	[smem:$0x3F9D] =	sst s0  }
0x18: {  	s0 =	sld [smem:$0x3F80];
	_ =	swait.ge [sflag:s4], $0x0  }
0x19: {  	s7 =	sld [smem:$0x3F81]  }
0x1a: {  	s8 =	sadd.s32 $0xFFFFE003, lr  }
0x1b: {  	s9 =	sadd.s32 $0xFFFFFEF7, lr;
	s5 =	simm.s32 $0xFFFFFFFF;
	p2 =	slt.u32 s8, $0xFFFFF086  }
0x1c: {  	p1 =	slt.u32 s9, $0xF7A;
	s5 =	simm.s32 @!p2 $0x0  }
0x1d: {  	s5 =	simm.s32 @p1 $0x1;
	p0 =	seq.s32 s7, s2  }
0x1e: {  	s7 =	smul.u32 @!p0 $0xF7A, s2;
	p2 =	seq.s32 @!p0 s5, $0x0  }
0x1f: {  	s9 =	smul.u32 $0xF7A, s1;
	s8 =	simm.s32 @!p0 $0x1BF5;
	p2 =	por !p2, p0  }
0x20: {  	[sflag:s8] =	ssyncset.s32 @!p0 $0xFFFFF086;
	s6 =	sadd.s32 @!p0 s3, s7;
	s7 =	simm.s32 @!p0 $0x108  }
0x21: {  	s3 =	sadd.s32 s3, s9;
	s6 =	sadd.s32 @!p0 $0x88, s6;
	s7 =	simm.s32 @p2 $0x1082  }
0x22: {  	[simem:s7], [sflag:s8] =	dma.local @!p0 [hbm:s6], $0xF7A  }
0x23: {  	s9 =	sor.u32 $0xD0000000, s2;
	s6 =	simm.s32 $0x108;
	_ =	swait.ge @!p0 [sflag:s8], $0x0  }
0x24: {  	s3 =	sadd.s32 $0x88, s3;
	s6 =	simm.s32 @!p1 $0x1082;
	[sflag:s4] =	ssyncset.s32 $0xFFFFF086  }
0x25: {  	[simem:s6], [sflag:s4] =	dma.local [hbm:s3], $0xF7A  }
0x26: {  	[smem:$0x3F81] =	sst s1;
	(tag) =	ssettag s2;
	_ =	strace s9  }
0x27: {  	s1 =	sld [smem:$0x3F91]  }
0x28: {  	s2 =	sld [smem:$0x3F92]  }
0x29: {  	s4 =	sld [smem:$0x3F94]  }
0x2a: {  	p0 =	seq.s32 s5, $0x0;
	s5 =	sld [smem:$0x3F95]  }
0x2b: {  	s6 =	sld [smem:$0x3F96]  }
0x2c: {  	s7 =	sld [smem:$0x3F97]  }
0x2d: {  	s3 =	simm.s32 $0x108;
	s8 =	sld [smem:$0x3F98]  }
0x2e: {  	s3 =	simm.s32 @!p0 $0x1082;
	s9 =	sld [smem:$0x3F99]  }
0x2f: {  	lr =	sadd.s32 s0, s3;
	s0 =	sld [smem:$0x3F90]  }
0x30: {  	s3 =	sld [smem:$0x3F93]  }
0x31: {  	[smem:$0x3F9C] =	sst s10  }
0x32: {  	s10 =	sld [smem:$0x3F9A];
	_ =	sdelay $0x3  }
0x33: {  	p0 =	seq.s32 s10, $0x1;
	s10 =	sld [smem:$0x3F9C];
	_ =	sdelay $0x3  }
0x34: {  	[smem:$0x3F9C] =	sst s10  }
0x35: {  	s10 =	sld [smem:$0x3F9B];
	_ =	sdelay $0x3  }
0x36: {  	p1 =	seq.s32 s10, $0x1;
	s10 =	sld [smem:$0x3F9C];
	_ =	sdelay $0x3  }
0x37: {  	[smem:$0x3F9C] =	sst s10  }
0x38: {  	s10 =	sld [smem:$0x3F9D]  }
0x39: {  	_ = 	snop;
	(pc) =	sbr.ind lr, $3  }
0x3a: {  	_ = 	snop  }
0x3b: {  	_ = 	snop  }
0x3c: {  	p2 =	seq.s32 s10, $0x1;
	s10 =	sld [smem:$0x3F9C]  }
0x3d: {  	_ =	shalt  }
0x3e: {  	_ =	shalt  }
0x3f: {  	_ =	shalt  }
0x40: {  	_ =	shalt  }
0x41: {  	_ =	shalt  }
0x42: {  	_ =	shalt  }
0x43: {  	_ =	shalt  }
0x44: {  	_ =	shalt  }
0x45: {  	_ =	shalt  }
0x46: {  	_ =	shalt  }
0x47: {  	_ =	shalt  }
0x48: {  	_ =	shalt  }
0x49: {  	_ =	shalt  }
0x4a: {  	_ =	shalt  }
0x4b: {  	_ =	shalt  }
0x4c: {  	_ =	shalt  }
0x4d: {  	_ =	shalt  }
0x4e: {  	_ =	shalt  }
0x4f: {  	_ =	shalt  }
0x50: {  	_ =	shalt  }
0x51: {  	_ =	shalt  }
0x52: {  	_ =	shalt  }
0x53: {  	_ =	shalt  }
0x54: {  	_ =	shalt  }
0x55: {  	_ =	shalt  }
0x56: {  	_ =	shalt  }
0x57: {  	_ =	shalt  }
0x58: {  	_ =	shalt  }
0x59: {  	_ =	shalt  }
0x5a: {  	_ =	shalt  }
0x5b: {  	_ =	shalt  }
0x5c: {  	_ =	shalt  }
0x5d: {  	_ =	shalt  }
0x5e: {  	_ =	shalt  }
0x5f: {  	_ =	shalt  }
0x60: {  	_ =	shalt  }
0x61: {  	_ =	shalt  }
0x62: {  	_ =	shalt  }
0x63: {  	_ =	shalt  }
0x64: {  	_ =	shalt  }
0x65: {  	_ =	shalt  }
0x66: {  	_ =	shalt  }
0x67: {  	_ =	shalt  }
0x68: {  	_ =	shalt  }
0x69: {  	_ =	shalt  }
0x6a: {  	_ =	shalt  }
0x6b: {  	_ =	shalt  }
0x6c: {  	_ =	shalt  }
0x6d: {  	_ =	shalt  }
0x6e: {  	_ =	shalt  }
0x6f: {  	_ =	shalt  }
0x70: {  	_ =	shalt  }
0x71: {  	_ =	shalt  }
0x72: {  	_ =	shalt  }
0x73: {  	_ =	shalt  }
0x74: {  	_ =	shalt  }
0x75: {  	_ =	shalt  }
0x76: {  	_ =	shalt  }
0x77: {  	_ =	shalt  }
0x78: {  	_ =	shalt  }
0x79: {  	_ =	shalt  }
0x7a: {  	_ =	shalt  }
0x7b: {  	_ =	shalt  }
0x7c: {  	_ =	shalt  }
0x7d: {  	_ =	shalt  }
0x7e: {  	_ =	shalt  }
0x7f: {  	_ =	shalt  }
0x80: {  	_ =	shalt  }
0x81: {  	_ =	shalt  }
0x82: {  	_ =	shalt  }
0x83: {  	_ =	shalt  }
0x84: {  	_ =	shalt  }
0x85: {  	_ =	shalt  }
0x86: {  	_ =	shalt  }
0x87: {  	_ =	shalt  }
.Lfunc_end0:
.L_simem_size_0:
called_computation.3_lowered:
.L_overlay_start_0:
0x88: {  	s2 =	sld [smem:$0x3FD9]  }
0x89: {  	s3 =	sld [smem:$0x3FFE];
	_ =	sdelay $0x1  }
0x8a: {  	s1 =	srdreg.scid  }
0x8b: {  	s0 =	sand.u32 $0x1, s1  }
0x8c: {  	s16 =	sshll.u32 s0, $0xA;
	s2 =	sadd.s32 s3, s2  }
0x8d: {  	s2 =	sadd.s32 s2, s16  }
0x8e: {  	[smem:$0x3FA8] =	sst s2  }
0x8f: {  	_ = 	snop  }
0x90: {  	(tm) =	ssettm $0x1  }
0x91: {  	s17 =	sld [smem:$0x3FFB];
	_ =	sdelay $0x3  }
0x92: {  	_ =	strace s17  }
0x93: {  	s2 =	sld [smem:$0x3FFC];
	_ =	sdelay $0x3  }
0x94: {  	_ =	strace s2  }
0x95: {  	s2 =	sld [smem:$0x3FFD];
	_ =	sdelay $0x3  }
0x96: {  	_ =	strace s2  }
0x97: {  	_ =	strace $0x8FFFFFFF  }
0x98: {  	s18 =	sld [smem:$0x3FDB];
	_ =	sdelay $0x1  }
0x99: {  	s19 =	simm.s32 $_scs_section_size  }
0x9a: {  	s4 =	simm.s32 $_size__tile_overlayer_lowered;
	s5 =	simm.s32 $_tile_overlayer_lowered  }
0x9b: {  	s22 =	simm.s32 $0x1BFF;
	s21 =	sshll.u32 s5, $0x1;
	s2 =	sadd.s32 s19, s18  }
0x9c: {  	s6 =	simm.s32 $0x0;
	s20 =	sshll.u32 s4, $0x1;
	s4 =	sadd.s32 s21, s2  }
0x9d: {  	[timem:s6], [sflag:s22] =	dma.local [hbm:s4], s20  }
0x9e: {  	_ =	swait.ge [sflag:s22], s20  }
0x9f: {  	s3 =	ssub.s32 $0x0, s20;
	[sflag:s22] =	ssyncset.done $0x0  }
0xa0: {  	[sflag:s22] =	ssyncadd.s32 s3;
	_ =	sdelay $0x1  }
0xa1: {  	s23 =	simm.s32 $0x1B8B  }
0xa2: {  	_ =	swait.ge [sflag:s23], $0x1  }
0xa3: {  	[sflag:s23] =	ssyncset.done $0x0  }
0xa4: {  	s25 =	simm.s32 $0x1B8E;
	s24 =	sld [smem:$0x3FFE];
	[sflag:s23] =	ssyncadd.s32 $0xFFFFFFFF  }
0xa5: {  	s26 =	simm.s32 $execute0_lowered;
	[smem:$0x3FD2] =	sst s25  }
0xa6: {  	s4 =	sshll.u32 s26, $0x1;
	_ =	strace $0x8000004F;
	[dreg:$0x1] =	wrdreg $0xFFFFFFFF  }
0xa7: {  	s28 =	simm.s32 $_size_execute0_lowered;
	s2 =	sadd.s32 s2, s4;
	[dreg:$0x0] =	wrdreg $0x0  }
0xa8: {  	s4 =	sshll.u32 s28, $0x1;
	[dreg:$0x2] =	wrdreg s2  }
0xa9: {  	[dreg:$0x3] =	wrdreg s4  }
0xaa: {  	[dreg:$0x4] =	wrdreg $0xC0  }
0xab: {  	_ =	task [dreg:s6], $0x5FFFF  }
0xac: {  	[dreg:$0x1] =	wrdreg $0xFFFFFFFF  }
0xad: {  	[dreg:$0x0] =	wrdreg $0x60  }
0xae: {  	[dreg:$0x2] =	wrdreg s24  }
0xaf: {  	[dreg:$0x3] =	wrdreg $0x0  }
0xb0: {  	[dreg:$0x4] =	wrdreg $0x9  }
0xb1: {  	_ =	task.clear_ibuf [dreg:s6], $0x5FFFF;
	_ =	strace $0x9000004F  }
0xb2: {  	s29 =	simm.s32 $0x9;
	_ =	strace $0x80000051  }
0xb3: {  	_ =	swait.ge [sflag:s29], $0x1  }
0xb4: {  	[sflag:s29] =	ssyncadd.s32 $0xFFFFFFFF  }
0xb5: {  	_ =	strace $0x90000051  }
0xb6: {  	_ =	sfence  }
0xb7: {  	s30 =	sld [smem:$0x0];
	_ =	sdelay $0x2  }
0xb8: {  	s31 =	sshll.u32 s1, $0xD;
	s1 =	sshrl.u32 s1, $0x2  }
0xb9: {  	s3 =	sand.u32 $0x4000, s31;
	s1 =	sadd.s32 s1, s30  }
0xba: {  	s0 =	sor.u32 s3, s0;
	s1 =	sshll.u32 s1, $0x11  }
0xbb: {  	s0 =	sor.u32 s1, s0  }
0xbc: {  	s0 =	sadd.s32 $0x8F2B, s0  }
0xbd: {  	[sflag:s0] =	ssyncadd.remote.s32 $0x1  }
0xbe: {  	_ =	sfence.sel $0xFFFF  }
0xbf: {  	[dreg:$0x0] =	wrdreg $0xFFFFFFFF;
	(pc) =	sbr.abs _section_cstart, $3  }
0xc0: {  	[dreg:$0x1] =	wrdreg $0xFFFFFFFF  }
0xc1: {  	_ =	task.clear_ibuf [dreg:s6], $0x2FFFF;
	_ =	strace $0x9FFFFFFF  }
0xc2: {  	(tm) =	ssettm $0x7FFFFFFF  }
0xc3: {  	_ =	shalt  }
tec
execute0_lowered:
.L_overlay_start_1:
0x0: {  	(tag) =	ssettag $0x1  }
0x1: {  	s6 =	rddreg [dreg:$0x0]  }
0x2: {  	s2 =	rddreg [dreg:$0x1]  }
0x3: {  	s0 =	rddreg [dreg:$0x2]  }
0x4: {  	s1 =	stileid.u32;
	s4 =	srdreg.scid;
	s3 =	simm.s32 $0x0  }
0x5: {  	s14 =	simm.s32 $0x190A0;
	s15 =	simm.s32 $0x2;
	s16 =	simm.s32 $0x50  }
0x6: {  	s17 =	simm.s32 $0x186A0;
	s19 =	simm.s32 $0x190F0;
	s5 =	smul.u32 $0x186A, s1  }
0x7: {  	s20 =	simm.s32 $0x0;
	s7 =	sand.u32 $0x1, s4;
	s8 =	smul.u32 $0x64000, s1  }
0x8: {  	[smem:$0x7FF] =	sst s3;
	s11 =	smul.u32 $0xC80, s1;
	s4 =	sadd.s32 $0x288600, s6  }
0x9: {  	p0 =	seq.s32 s1, $0xF;
	s18 =	smul.u32 $0xC350, s7;
	_ =	strace $0x80000050  }
0xa: {  	s9 =	ssub.s32 $0x2, s7;
	s7 =	smul.u32 $0x186A00, s7;
	s10 =	sadd.s32 s5, s6  }
0xb: {  	s12 =	sshrl.u32 s9, $0x1;
	s5 =	sadd.s32 $0x2EA200, s6;
	s6 =	sadd.s32 $0x3E600, s6  }
0xc: {  	s8 =	sshrl.u32 s8, $0x2;
	s9 =	ssub.s32 s9, s12;
	s11 =	sadd.s32 s11, s18  }
0xd: {  	s7 =	sshrl.u32 s7, $0x3;
	s13 =	sadd.s32 s8, s2;
	s12 =	sshll.u32 @!p0 s1, $0x6  }
0xe: {  	v0 =	vmov s18;
	s18 =	simm.s32 $0x1;
	s31 =	sshll.u32 s11, $0x2;
	s7 =	sadd.s32 s6, s7  }
0xf: {  	s11 =	sadd.s32 $0x177000, s2;
	s8 =	smax.u32 s9, $0x1;
	s9 =	sadd.s32 $0xD600, s10  }
0x10: {  	s10 =	sadd.s32 $0x25E00, s10;
	s12 =	sor.u32 @!p0 $0x1C02, s12;
	s13 =	sshrl.u32 @!p0 s13, $0x3  }
0x11: {  	s6 =	sadd.s32 s6, s31;
	s7 =	sadd.s32 $0x2EE00, s7;
	s11 =	sshrl.u32 @p0 s11, $0x3  }
.LBB2_1:
0x12: {  	s21 =	simm.s32 @p0 $0x1FC2  }
0x13: {  	[spmem:s11], [sflag:s21] =	dma.local @p0 [hbm:s5], $0x1F40  }
0x14: {  	s21 =	simm.s32 @p0 $0x2  }
0x15: {  	_ =	swait.ge @p0 [sflag:s21], $0x1F40  }
0x16: {  	[sflag:s21] =	ssyncset.done @p0 $0x0  }
0x17: {  	[sflag:s21] =	ssyncadd.s32 @p0 $0xFFFFE0C0;
	s21 =	simm.s32 @!p0 $0x2  }
0x18: {  	[spmem:s13], [sflag:s12] =	dma.local @!p0 [hbm:s5], $0x3200  }
0x19: {  	_ =	swait.ge @!p0 [sflag:s21], $0x3200  }
0x1a: {  	[sflag:s21] =	ssyncset.done @!p0 $0x0  }
0x1b: {  	[sflag:s21] =	ssyncadd.s32 @!p0 $0xFFFFCE00  }
0x1c: {  	s30 =	sadd.s32 $0x0, s10;
	[bflag:$0x0] =	sbarrier.arrive $0xFFFF  }
0x1d: {  	[tilespmem:s14], [sflag:$0x2] =	stream.linear.gather [hbm4b:s30+s3], $0x50, $0x38;
	[tilespmem:$0x19140] =	vst v63  }
0x1e: {  	_ =	swait.ge [sflag:s15], $0x50  }
0x1f: {  	[sflag:s15] =	ssyncset.done $0x0  }
0x20: {  	[sflag:s15] =	ssyncadd.s32 $0xFFFFFFB0  }
0x21: {  	v1 =	vld [tilespmem:$0x190E0]  }
0x22: {  	v2 =	vld [tilespmem:$0x190C0]  }
0x23: {  	v3 =	vld [tilespmem:$0x190D0]  }
0x24: {  	v4 =	vld [tilespmem:$0x190B0]  }
0x25: {  	v5 =	vld [tilespmem:$0x190A0]  }
0x26: {  	v1 =	vadd.s32 v0, v1  }
0x27: {  	v2 =	vadd.s32 v0, v2;
	[tilespmem:$0x190E0] =	vst v1  }
0x28: {  	[tilespmem:$0x190C0] =	vst v2;
	v1 =	vadd.s32 v0, v3  }
0x29: {  	v2 =	vadd.s32 v0, v4;
	[tilespmem:$0x190D0] =	vst v1  }
0x2a: {  	v1 =	vadd.s32 v0, v5;
	[tilespmem:$0x190B0] =	vst v2  }
0x2b: {  	[tilespmem:$0x190A0] =	vst v1  }
0x2c: {  	[tilespmem:s17], [sflag:$0x1] =	stream.indirect.gather [hbm4b:s4+s16], $0x20, s14, s16, $0xb8;
	[tilespmem:$0x19140] =	vst v63  }
0x2d: {  	_ =	swait.ge [sflag:s18], $0xA00  }
0x2e: {  	[sflag:s18] =	ssyncset.done $0x0  }
0x2f: {  	s31 =	sadd.s32 $0x0, s9;
	[sflag:s18] =	ssyncadd.s32 $0xFFFFF600  }
0x30: {  	[tilespmem:s19], [sflag:$0x2] =	stream.linear.gather [hbm4b:s31+s3], $0x50, $0x38;
	[tilespmem:$0x19140] =	vst v63  }
0x31: {  	_ =	swait.ge [sflag:s15], $0x50  }
0x32: {  	s21 =	simm.s32 $0xA;
	[sflag:s15] =	ssyncset.done $0x0  }
.LBB2_2:
0x33: {  	p1 =	sne.s32 s21, $0x1860  }
0x34: {  	[sflag:s15] =	ssyncadd.s32 $0xFFFFFFB0;
	s22 =	smov.u32 s21;
	s21 =	sadd.s32 $0xA, s21  }
0x35: {  	[spmem:s2] =	stream.indirect.scatter.add.f32 [tilespmem:s17], [sflag:$0x2], $0x20, s19, s16, $0xb8;
	[tilespmem:$0x19140] =	vst v63  }
0x36: {  	_ =	swait.ge [sflag:s15], $0xA00  }
0x37: {  	[sflag:s15] =	ssyncset.done $0x0  }
0x38: {  	s23 =	sadd.s32 s22, s10;
	[sflag:s15] =	ssyncadd.s32 $0xFFFFF600  }
0x39: {  	[tilespmem:s14], [sflag:$0x2] =	stream.linear.gather [hbm4b:s23+s3], $0x50, $0x38;
	[tilespmem:$0x19140] =	vst v63  }
0x3a: {  	_ =	swait.ge [sflag:s15], $0x50  }
0x3b: {  	[sflag:s15] =	ssyncset.done $0x0  }
0x3c: {  	[sflag:s15] =	ssyncadd.s32 $0xFFFFFFB0  }
0x3d: {  	v1 =	vld [tilespmem:$0x190E0]  }
0x3e: {  	v2 =	vld [tilespmem:$0x190C0]  }
0x3f: {  	v3 =	vld [tilespmem:$0x190D0]  }
0x40: {  	v4 =	vld [tilespmem:$0x190B0]  }
0x41: {  	v5 =	vld [tilespmem:$0x190A0]  }
0x42: {  	v1 =	vadd.s32 v0, v1  }
0x43: {  	v2 =	vadd.s32 v0, v2;
	[tilespmem:$0x190E0] =	vst v1  }
0x44: {  	[tilespmem:$0x190C0] =	vst v2;
	v1 =	vadd.s32 v0, v3  }
0x45: {  	v2 =	vadd.s32 v0, v4;
	[tilespmem:$0x190D0] =	vst v1  }
0x46: {  	v1 =	vadd.s32 v0, v5;
	[tilespmem:$0x190B0] =	vst v2  }
0x47: {  	[tilespmem:$0x190A0] =	vst v1  }
0x48: {  	[tilespmem:s17], [sflag:$0x1] =	stream.indirect.gather [hbm4b:s4+s16], $0x20, s14, s16, $0xb8;
	[tilespmem:$0x19140] =	vst v63  }
0x49: {  	_ =	swait.ge [sflag:s18], $0xA00  }
.Ltmp0:
0x4a: {  	[sflag:s18] =	ssyncset.done $0x0;
	(pc) =	sbr.rel @p1 .LBB2_2-.Ltmp0, $4  }
0x4b: {  	s22 =	sadd.s32 s22, s9;
	[sflag:s18] =	ssyncadd.s32 $0xFFFFF600  }
0x4c: {  	[tilespmem:s19], [sflag:$0x2] =	stream.linear.gather [hbm4b:s22+s3], $0x50, $0x38;
	[tilespmem:$0x19140] =	vst v63  }
0x4d: {  	_ =	swait.ge [sflag:s15], $0x50  }
0x4e: {  	[sflag:s15] =	ssyncset.done $0x0  }
0x4f: {  	[sflag:s15] =	ssyncadd.s32 $0xFFFFFFB0  }
0x50: {  	[spmem:s2] =	stream.indirect.scatter.add.f32 [tilespmem:s17], [sflag:$0x2], $0x20, s19, s16, $0xb8;
	[tilespmem:$0x19140] =	vst v63  }
0x51: {  	_ =	swait.ge [sflag:s15], $0xA00  }
0x52: {  	[sflag:s15] =	ssyncset.done $0x0  }
0x53: {  	[sflag:s15] =	ssyncadd.s32 $0xFFFFF600  }
0x54: {  	s21 =	simm.s32 @p0 $0x1FC2;
	[bflag:$0x0] =	sbarrier.arrive $0xFFFF  }
0x55: {  	[hbm:s7], [sflag:s21] =	dma.local @p0 [spmem:s11], $0x1F40  }
0x56: {  	s21 =	simm.s32 @p0 $0x2  }
0x57: {  	s20 =	sadd.s32 $0x1, s20;
	_ =	swait.ge @p0 [sflag:s21], $0x1F40  }
0x58: {  	p1 =	sne.s32 s20, s8;
	[sflag:s21] =	ssyncset.done @p0 $0x0  }
.Ltmp1:
0x59: {  	[sflag:s21] =	ssyncadd.s32 @p0 $0xFFFFE0C0;
	s21 =	simm.s32 @!p0 $0x2;
	(pc) =	sbr.rel @p1 .LBB2_1-.Ltmp1, $4  }
0x5a: {  	[hbm:s6], [sflag:s12] =	dma.local @!p0 [spmem:s13], $0x3200  }
0x5b: {  	_ =	swait.ge @!p0 [sflag:s21], $0x3200  }
0x5c: {  	[sflag:s21] =	ssyncset.done @!p0 $0x0  }
0x5d: {  	[sflag:s21] =	ssyncadd.s32 @!p0 $0xFFFFCE00  }
0x5e: {  	_ =	sfence.sel $0x180000  }
0x5f: {  	[bflag:$0x0] =	sbarrier.arrive $0xFFFF  }
0x60: {  	p0 =	sne.s32 s1, $0x0;
	_ =	strace $0x90000050  }
0x61: {  	s0 =	sadd.s32 @!p0 $0x100000, s0;
	[bflag:$0x2] =	sbarrier.arrive $0xFFFF  }
0x62: {  	[sflag:s0] =	ssyncadd.tile.s32 @!p0 $0x1;
	_ =	shalt  }
.Lfunc_end2:
_tile_overlayer_lowered:
.L_overlay_start_2:
0x63: {  	(tag) =	ssettag $0x2  }
0x64: {  	s0 =	rddreg [dreg:$0x0];
	s2 =	stileid.u32  }
0x65: {  	s1 =	rddreg [dreg:$0x1];
	p0 =	sne.s32 s2, $0x0  }
0x66: {  	s3 =	rddreg [dreg:$0x2];
	[bflag:$0x3] =	sbarrier.arrive $0xFFFF;
	s2 =	simm.s32 @!p0 $0x1C02  }
0x67: {  	[timem:s3], [sflag:s2] =	dma.local @!p0 [hbm:s0], s1  }
0x68: {  	s0 =	simm.s32 @!p0 $0x2  }
0x69: {  	_ =	swait.ge @!p0 [sflag:s0], s1  }
0x6a: {  	s1 =	ssub.s32 @!p0 $0x0, s1;
	[sflag:s0] =	ssyncset.done @!p0 $0x0  }
0x6b: {  	[sflag:s0] =	ssyncadd.s32 @!p0 s1  }
0x6c: {  	[bflag:$0x3] =	sbarrier.arrive $0xFFFF  }
0x6d: {  	_ =	shalt  }

</sc_bundles>
